<compile_context>
chip_gen: v7x
topology: tpu7x:2x2x1
jax: 0.10.2.dev20260603
libtpu: 0.0.44.dev20260713+nightly
codegen_flags: <defaults>
</compile_context>

<pallas_src>
import functools

import jax
import jax.numpy as jnp
from jax import lax
from jax.experimental import pallas as pl
from jax.experimental.pallas import tpu as pltpu
from jax.experimental.pallas import tpu_sc as plsc

N = 10000
E = 320000
G = 256
IN_F = 128
HID = 64
N_CLS = 29

NC = 2
NS = 16
NW = NC * NS
CHUNK = 128
CPT = 80
NB = 8
E_PAD = NW * CPT * CHUNK
NP = 10240
RPT = NP // NS
BLK = 2560


@functools.cache
def _make_deg_kernel():
    mesh = plsc.VectorSubcoreMesh(core_axis_name="c", subcore_axis_name="s")

    @functools.partial(
        pl.kernel,
        mesh=mesh,
        compiler_params=pltpu.CompilerParams(use_tc_tiling_on_sc=False),
        out_type=jax.ShapeDtypeStruct((NC, NP, 16), jnp.float32),
        scratch_types=[
            pltpu.VMEM((CPT, CHUNK), jnp.int32),
            pltpu.VMEM((CHUNK, 16), jnp.float32),
            pltpu.VMEM_SHARED((NP, 16), jnp.float32),
            pltpu.SemaphoreType.DMA,
        ],
    )
    def _deg_kernel(dst_hbm, out_hbm, didx_v, ones_v, acc_sh, sem):
        kernel_body_deg(dst_hbm, out_hbm, didx_v, ones_v, acc_sh, sem)

    return _deg_kernel


def kernel_body_deg(dst_hbm, out_hbm, didx_v, ones_v, acc_sh, sem):
    cid = lax.axis_index("c")
    sid = lax.axis_index("s")
    wid = cid * NS + sid

    @pl.loop(0, CHUNK)
    def _(r):
        ones_v[r, pl.ds(0, 16)] = jnp.zeros((16,), jnp.float32)

    @pl.loop(0, RPT // CHUNK)
    def _(k):
        pltpu.sync_copy(ones_v, acc_sh.at[pl.ds(sid * RPT + k * CHUNK, CHUNK)])

    pltpu.sync_copy(dst_hbm.at[wid], didx_v)

    @pl.loop(0, CHUNK)
    def _(r):
        ones_v[r, pl.ds(0, 16)] = jnp.ones((16,), jnp.float32)

    plsc.subcore_barrier()

    for j in range(NB):
        pltpu.async_copy(ones_v, acc_sh.at[didx_v.at[j]], sem, add=True)

    @pl.loop(NB, CPT)
    def _(j):
        pltpu.make_async_copy(ones_v, acc_sh.at[didx_v.at[0]], sem).wait()
        pltpu.async_copy(ones_v, acc_sh.at[didx_v.at[j]], sem, add=True)

    for _ in range(NB):
        pltpu.make_async_copy(ones_v, acc_sh.at[didx_v.at[0]], sem).wait()

    plsc.subcore_barrier()
    pltpu.sync_copy(acc_sh.at[pl.ds(sid * RPT, RPT)],
                    out_hbm.at[cid].at[pl.ds(sid * RPT, RPT)])


@functools.cache
def _make_agg_kernel():
    mesh = plsc.VectorSubcoreMesh(core_axis_name="c", subcore_axis_name="s")

    @functools.partial(
        pl.kernel,
        mesh=mesh,
        compiler_params=pltpu.CompilerParams(use_tc_tiling_on_sc=False),
        out_type=jax.ShapeDtypeStruct((NC, NP, HID), jnp.float32),
        scratch_types=[
            pltpu.VMEM((CPT, CHUNK), jnp.int32),
            pltpu.VMEM((CPT, CHUNK), jnp.int32),
            pltpu.VMEM((NB * CHUNK, HID), jnp.float32),
        ] + [pltpu.SemaphoreType.DMA] * (2 * NB) + [
            pltpu.VMEM_SHARED((NP, HID), jnp.float32),
        ],
    )
    def _agg_kernel(g_hbm, src_hbm, dst_hbm, out_hbm, sidx_v, didx_v, rows_v,
                    *rest):
        kernel_body_agg(g_hbm, src_hbm, dst_hbm, out_hbm, sidx_v, didx_v,
                        rows_v, rest[:NB], rest[NB:2 * NB], rest[2 * NB])

    return _agg_kernel


def kernel_body_agg(g_hbm, src_hbm, dst_hbm, out_hbm, sidx_v, didx_v, rows_v,
                    gsem, ssem, acc_sh):
    cid = lax.axis_index("c")
    sid = lax.axis_index("s")
    wid = cid * NS + sid

    def buf(k):
        return rows_v.at[pl.ds(k * CHUNK, CHUNK)]

    @pl.loop(0, CHUNK)
    def _(r):
        @pl.loop(0, HID, step=16)
        def _(c0):
            rows_v[r, pl.ds(c0, 16)] = jnp.zeros((16,), jnp.float32)

    @pl.loop(0, RPT // CHUNK)
    def _(k):
        pltpu.sync_copy(buf(0), acc_sh.at[pl.ds(sid * RPT + k * CHUNK, CHUNK)])

    pltpu.sync_copy(src_hbm.at[wid], sidx_v)
    pltpu.sync_copy(dst_hbm.at[wid], didx_v)

    for k in range(NB):
        pltpu.async_copy(g_hbm.at[sidx_v.at[k]], buf(k), gsem[k])

    plsc.subcore_barrier()

    @pl.loop(0, CPT // NB)
    def _(t):
        base = t * NB
        for k in range(NB):
            pltpu.make_async_copy(g_hbm.at[sidx_v.at[0]], buf(k),
                                  gsem[k]).wait()
            pltpu.async_copy(buf(k), acc_sh.at[didx_v.at[base + k]],
                             ssem[k], add=True)
        for k in range(NB):
            @pl.when(t < CPT // NB - 1)
            def _():
                pltpu.make_async_copy(buf(k), acc_sh.at[didx_v.at[0]],
                                      ssem[k]).wait()
                pltpu.async_copy(g_hbm.at[sidx_v.at[base + NB + k]],
                                 buf(k), gsem[k])

    for k in range(NB):
        pltpu.make_async_copy(buf(k), acc_sh.at[didx_v.at[0]], ssem[k]).wait()

    plsc.subcore_barrier()
    pltpu.sync_copy(acc_sh.at[pl.ds(sid * RPT, RPT)],
                    out_hbm.at[cid].at[pl.ds(sid * RPT, RPT)])



def _row_ids(i):
    return i * BLK + lax.broadcasted_iota(jnp.int32, (BLK, 1), 0)


def _tca_body(x_ref, w1_ref, h1_ref):
    i = pl.program_id(0)
    h = lax.dot_general(x_ref[...], w1_ref[...],
                        (((1,), (1,)), ((), ())),
                        preferred_element_type=jnp.float32)
    h1_ref[...] = jnp.where(_row_ids(i) < N, h, 0.0)


def _tcb_body(deg_ref, h1_ref, g1_ref, dinv_ref):
    deg = deg_ref[0, :, :1] + deg_ref[1, :, :1] + 1.0
    dinv = lax.rsqrt(deg)
    dinv_ref[...] = jnp.broadcast_to(dinv, (BLK, 16))
    g1_ref[...] = h1_ref[...] * dinv


def _tc2_body(acc_ref, g1_ref, dinv_ref, b1_ref, w2_ref, g2_ref):
    dinv = dinv_ref[:, :1]
    z1 = jnp.maximum(dinv * (acc_ref[0] + acc_ref[1] + g1_ref[...])
                     + b1_ref[...], 0.0)
    h2 = lax.dot_general(z1, w2_ref[...], (((1,), (1,)), ((), ())),
                         preferred_element_type=jnp.float32)
    g2_ref[...] = h2 * dinv


def _tc3_body(acc_ref, g2_ref, dinv_ref, b2_ref, batch_ref,
              wfc_ref, bfc_ref, out_ref, pool_ref):
    i = pl.program_id(0)
    dinv = dinv_ref[:, :1]
    z2 = jnp.maximum(dinv * (acc_ref[0] + acc_ref[1] + g2_ref[...])
                     + b2_ref[...], 0.0)
    valid = _row_ids(i) < N
    onehot = jnp.where(
        valid,
        (batch_ref[...] == jnp.arange(G, dtype=jnp.int32)[None, :]
         ).astype(jnp.float32),
        0.0)
    ext = jnp.concatenate([z2, jnp.ones((BLK, 1), jnp.float32)], axis=1)
    part = lax.dot_general(onehot, ext, (((0,), (0,)), ((), ())),
                           preferred_element_type=jnp.float32)

    @pl.when(i == 0)
    def _():
        pool_ref[...] = part

    @pl.when(i > 0)
    def _():
        pool_ref[...] += part

    @pl.when(i == NP // BLK - 1)
    def _():
        sums = pool_ref[:, :HID]
        cnt = jnp.maximum(pool_ref[:, HID:HID + 1], 1.0)
        pooled = sums / cnt
        out_ref[...] = lax.dot_general(
            pooled, wfc_ref[...], (((1,), (1,)), ((), ())),
            preferred_element_type=jnp.float32) + bfc_ref[...]


def _row_spec(cols):
    return pl.BlockSpec((BLK, cols), lambda i: (i, 0))


def _pair_spec(cols):
    return pl.BlockSpec((NC, BLK, cols), lambda i: (0, i, 0))


def _full_spec(shape):
    return pl.BlockSpec(shape, lambda i: tuple(0 for _ in shape))


def _tca(x, w1):
    return pl.pallas_call(
        _tca_body,
        grid=(NP // BLK,),
        in_specs=[_row_spec(IN_F), _full_spec((HID, IN_F))],
        out_specs=_row_spec(HID),
        out_shape=jax.ShapeDtypeStruct((NP, HID), jnp.float32),
    )(x, w1)


def _tcb(deg, h1):
    return pl.pallas_call(
        _tcb_body,
        grid=(NP // BLK,),
        in_specs=[_pair_spec(16), _row_spec(HID)],
        out_specs=[_row_spec(HID), _row_spec(16)],
        out_shape=[jax.ShapeDtypeStruct((NP, HID), jnp.float32),
                   jax.ShapeDtypeStruct((NP, 16), jnp.float32)],
    )(deg, h1)


def _tc2(acc, g1, dinv16, b1, w2):
    return pl.pallas_call(
        _tc2_body,
        grid=(NP // BLK,),
        in_specs=[_pair_spec(HID), _row_spec(HID),
                  _row_spec(16), _full_spec((1, HID)), _full_spec((HID, HID))],
        out_specs=_row_spec(HID),
        out_shape=jax.ShapeDtypeStruct((NP, HID), jnp.float32),
    )(acc, g1, dinv16, b1, w2)


def _tc3(acc, g2, dinv16, b2, batch_col, wfc, bfc):
    return pl.pallas_call(
        _tc3_body,
        grid=(NP // BLK,),
        in_specs=[_pair_spec(HID), _row_spec(HID),
                  _row_spec(16), _full_spec((1, HID)), _row_spec(1),
                  _full_spec((N_CLS, HID)), _full_spec((1, N_CLS))],
        out_specs=_full_spec((G, N_CLS)),
        out_shape=jax.ShapeDtypeStruct((G, N_CLS), jnp.float32),
        scratch_shapes=[pltpu.VMEM((G, HID + 1), jnp.float32)],
    )(acc, g2, dinv16, b2, batch_col, wfc, bfc)



def kernel(x, edge_index, batch, W1, b1, W2, b2, Wfc, bfc):
    pad_idx = N + (jnp.arange(E_PAD - E, dtype=jnp.int32) % (NP - N))
    src_p = jnp.concatenate(
        [edge_index[0].astype(jnp.int32), pad_idx]).reshape(NW, CPT, CHUNK)
    dst_p = jnp.concatenate(
        [edge_index[1].astype(jnp.int32), pad_idx]).reshape(NW, CPT, CHUNK)
    batch_col = batch.astype(jnp.int32).reshape(N, 1)

    h1 = _tca(x, W1)
    deg = _make_deg_kernel()(dst_p)
    g1, dinv16 = _tcb(deg, h1)
    acc1 = _make_agg_kernel()(g1, src_p, dst_p)
    g2 = _tc2(acc1, g1, dinv16, b1.reshape(1, HID), W2)
    acc2 = _make_agg_kernel()(g2, src_p, dst_p)
    out = _tc3(acc2, g2, dinv16, b2.reshape(1, HID), batch_col,
               Wfc, bfc.reshape(1, N_CLS))
    return out

# --- scband reference (transcript-rebuilt; emitter-appended) ---
"""Pipeline reference for scband-aslgnn-16836271800378 (READ-ONLY COPY).

The authoritative reference and input builder live on the scoring server;
editing this copy changes nothing except your own understanding.
"""

import jax, jax.numpy as jnp
import numpy as np

N_NODES = 10000
N_EDGES = 320000
N_GRAPHS = 256
IN_F = 128
HID = 64
N_CLS = 29


def setup_inputs(seed: int = 0) -> dict:
    key = jax.random.key(seed)
    k = jax.random.split(key, 10)
    x = jax.random.normal(k[0], (N_NODES, IN_F), dtype=jnp.float32)
    edge_index = jax.random.randint(k[1], (2, N_EDGES), 0, N_NODES, dtype=jnp.int64)
    batch = jnp.sort(jax.random.randint(k[2], (N_NODES,), 0, N_GRAPHS, dtype=jnp.int64))
    # GCNConv weights (PyG-style: out = scatter(norm * (x @ W^T)) + b)
    W1 = jax.random.normal(k[3], (HID, IN_F), dtype=jnp.float32) * (1.0 / np.sqrt(IN_F))
    b1 = jnp.zeros((HID,), dtype=jnp.float32)
    W2 = jax.random.normal(k[4], (HID, HID), dtype=jnp.float32) * (1.0 / np.sqrt(HID))
    b2 = jnp.zeros((HID,), dtype=jnp.float32)
    Wfc = jax.random.normal(k[5], (N_CLS, HID), dtype=jnp.float32) * (1.0 / np.sqrt(HID))
    bfc = jnp.zeros((N_CLS,), dtype=jnp.float32)
    return {"x": x, "edge_index": edge_index, "batch": batch,
            "W1": W1, "b1": b1, "W2": W2, "b2": b2, "Wfc": Wfc, "bfc": bfc}


def gcn_conv(x, src, dst, W, b, num_nodes):
    # linear transform first (as in PyG GCNConv)
    h = x @ W.T
    # symmetric normalization with self-loops already appended to src/dst
    deg = jnp.zeros((num_nodes,), dtype=h.dtype).at[dst].add(1.0)
    dinv = jnp.where(deg > 0, deg ** -0.5, 0.0)
    norm = dinv[src] * dinv[dst]
    msg = h[src] * norm[:, None]
    out = jnp.zeros((num_nodes, h.shape[1]), dtype=h.dtype).at[dst].add(msg)
    return out + b


def reference(x, edge_index, batch, W1, b1, W2, b2, Wfc, bfc):
    num_nodes = x.shape[0]
    loop = jnp.arange(num_nodes, dtype=edge_index.dtype)
    src = jnp.concatenate([edge_index[0], loop])
    dst = jnp.concatenate([edge_index[1], loop])
    h = jax.nn.relu(gcn_conv(x, src, dst, W1, b1, num_nodes))
    h = jax.nn.relu(gcn_conv(h, src, dst, W2, b2, num_nodes))
    # global mean pool over graphs in batch
    sums = jax.ops.segment_sum(h, batch, num_segments=N_GRAPHS)
    cnts = jax.ops.segment_sum(jnp.ones((num_nodes,), dtype=h.dtype), batch, num_segments=N_GRAPHS)
    pooled = sums / jnp.maximum(cnts, 1.0)[:, None]
    return pooled @ Wfc.T + bfc

if __name__ == "__main__":
    import jax
    _d = setup_inputs()
    print(jax.jit(kernel)(*tuple(_d.values())))

</pallas_src>

<mosaic_0001>
#map = affine_map<(d0, d1) -> (0, 0)>
#map1 = affine_map<(d0, d1) -> (0, 0, 0)>
module attributes {stable_mosaic.version = 14 : i64} {
  func.func @_agg_kernel(%arg0: i32, %arg1: i32, %arg2: memref<10240x64xf32, #tpu.memory_space<hbm>>, %arg3: memref<32x80x128xi32, #tpu.memory_space<hbm>>, %arg4: memref<32x80x128xi32, #tpu.memory_space<hbm>>, %arg5: memref<2x10240x64xf32, #tpu.memory_space<hbm>>, %arg6: memref<80x128xi32, #tpu.memory_space<vmem>>, %arg7: memref<80x128xi32, #tpu.memory_space<vmem>>, %arg8: memref<1024x64xf32, #tpu.memory_space<vmem>>, %arg9: memref<!tpu.dma_semaphore, #tpu.memory_space<semaphore_mem>>, %arg10: memref<!tpu.dma_semaphore, #tpu.memory_space<semaphore_mem>>, %arg11: memref<!tpu.dma_semaphore, #tpu.memory_space<semaphore_mem>>, %arg12: memref<!tpu.dma_semaphore, #tpu.memory_space<semaphore_mem>>, %arg13: memref<!tpu.dma_semaphore, #tpu.memory_space<semaphore_mem>>, %arg14: memref<!tpu.dma_semaphore, #tpu.memory_space<semaphore_mem>>, %arg15: memref<!tpu.dma_semaphore, #tpu.memory_space<semaphore_mem>>, %arg16: memref<!tpu.dma_semaphore, #tpu.memory_space<semaphore_mem>>, %arg17: memref<!tpu.dma_semaphore, #tpu.memory_space<semaphore_mem>>, %arg18: memref<!tpu.dma_semaphore, #tpu.memory_space<semaphore_mem>>, %arg19: memref<!tpu.dma_semaphore, #tpu.memory_space<semaphore_mem>>, %arg20: memref<!tpu.dma_semaphore, #tpu.memory_space<semaphore_mem>>, %arg21: memref<!tpu.dma_semaphore, #tpu.memory_space<semaphore_mem>>, %arg22: memref<!tpu.dma_semaphore, #tpu.memory_space<semaphore_mem>>, %arg23: memref<!tpu.dma_semaphore, #tpu.memory_space<semaphore_mem>>, %arg24: memref<!tpu.dma_semaphore, #tpu.memory_space<semaphore_mem>>, %arg25: memref<10240x64xf32, #tpu.memory_space<vmem_shared>>) attributes {dimension_semantics = [#tpu.dimension_semantics<core_parallel>, #tpu.dimension_semantics<subcore_parallel>], iteration_bounds = array<i64: 2, 16>, scalar_prefetch = 0 : i64, scratch_operands = 20 : i64, tpu.core_type = #tpu.core_type<sc_vector_subcore>, window_params = [{transform_indices = #map}, {transform_indices = #map1}, {transform_indices = #map1}, {transform_indices = #map1}]} {
    %mul3A = arith.constant 16 : i32
    %mul3A_0 = arith.muli %arg0, %mul3A : i32
    %add3A = arith.addi %mul3A_0, %arg1 : i32
    %scan3A = arith.constant 0 : i32
    %scan3A_1 = arith.constant 128 : i32
    %scan3A_2 = arith.addi %scan3A, %scan3A_1 : i32
    %scan3A_3 = arith.constant 1 : i32
    scf.for %scan3A_178 = %scan3A to %scan3A_2 step %scan3A_3  : i32 {
      %mul3A_179 = arith.constant 1 : i32
      %mul3A_180 = arith.muli %scan3A_178, %mul3A_179 : i32
      %add3A_181 = arith.constant 0 : i32
      %add3A_182 = arith.addi %add3A_181, %mul3A_180 : i32
      %scan3A_183 = arith.constant 0 : i32
      %scan3A_184 = arith.constant 4 : i32
      %scan3A_185 = arith.addi %scan3A_183, %scan3A_184 : i32
      %scan3A_186 = arith.constant 1 : i32
      scf.for %scan3A_188 = %scan3A_183 to %scan3A_185 step %scan3A_186  : i32 {
        %mul3A_189 = arith.constant 16 : i32
        %mul3A_190 = arith.muli %scan3A_188, %mul3A_189 : i32
        %add3A_191 = arith.constant 0 : i32
        %add3A_192 = arith.addi %add3A_191, %mul3A_190 : i32
        %broadcast_in_dim3A = arith.constant 0.000000e+00 : f32
        %broadcast_in_dim3A_193 = vector.broadcast %broadcast_in_dim3A : f32 to vector<16xf32>
        %swap3A = arith.index_cast %add3A_182 : i32 to index
        %swap3A_194 = arith.index_cast %add3A_192 : i32 to index
        %swap3A_195 = tpu.vector_load %arg8[%swap3A, %swap3A_194] {strides = array<i32>} : memref<1024x64xf32, #tpu.memory_space<vmem>>, vector<1x16xf32>,
        %swap3A_196 = vector.shape_cast %swap3A_195 : vector<1x16xf32> to vector<16xf32>
        %swap3A_197 = vector.shape_cast %broadcast_in_dim3A_193 : vector<16xf32> to vector<1x16xf32>
        tpu.vector_store %arg8[%swap3A, %swap3A_194], %swap3A_197 {strides = array<i32>} : memref<1024x64xf32, #tpu.memory_space<vmem>>, vector<1x16xf32>,
      }
      %scan3A_187 = arith.constant 4 : i32
    }
    %scan3A_4 = arith.constant 128 : i32
    %scan3A_5 = arith.constant 0 : i32
    %scan3A_6 = arith.constant 5 : i32
    %scan3A_7 = arith.addi %scan3A_5, %scan3A_6 : i32
    %scan3A_8 = arith.constant 1 : i32
    scf.for %scan3A_178 = %scan3A_5 to %scan3A_7 step %scan3A_8  : i32 {
      %mul3A_179 = arith.constant 1 : i32
      %mul3A_180 = arith.muli %scan3A_178, %mul3A_179 : i32
      %add3A_181 = arith.constant 0 : i32
      %add3A_182 = arith.addi %add3A_181, %mul3A_180 : i32
      %mul3A_183 = arith.constant 640 : i32
      %mul3A_184 = arith.muli %arg1, %mul3A_183 : i32
      %mul3A_185 = arith.constant 128 : i32
      %mul3A_186 = arith.muli %add3A_182, %mul3A_185 : i32
      %add3A_187 = arith.addi %mul3A_184, %mul3A_186 : i32
      "tpu.region"() ({
        %run_scoped3A = tpu.sem_alloc : memref<!tpu.dma_semaphore, #tpu.memory_space<semaphore_mem>>
        %dma_start3A_188 = arith.constant 0 : i32
        %dma_start3A_189 = arith.constant 0 : i32
        %dma_start3A_190 = tpu.memref_slice %arg8[%dma_start3A_188, %dma_start3A_189] : memref<1024x64xf32, #tpu.memory_space<vmem>> -> memref<128x64xf32, #tpu.memory_space<vmem>>
        %dma_start3A_191 = arith.constant 0 : i32
        %dma_start3A_192 = tpu.memref_slice %arg25[%add3A_187, %dma_start3A_191] : memref<10240x64xf32, #tpu.memory_space<vmem_shared>> -> memref<128x64xf32, #tpu.memory_space<vmem_shared>>
        %dma_start3A_193 = arith.constant 0 : i32
        %dma_start3A_194 = tpu.memref_slice %arg25[%add3A_187, %dma_start3A_193] : memref<10240x64xf32, #tpu.memory_space<vmem_shared>> -> memref<128x64xf32, #tpu.memory_space<vmem_shared>>
        %dma_start3A_195 = arith.constant 0 : i32
        %dma_start3A_196 = arith.constant 0 : i32
        %dma_start3A_197 = tpu.memref_slice %arg8[%dma_start3A_195, %dma_start3A_196] : memref<1024x64xf32, #tpu.memory_space<vmem>> -> memref<128x64xf32, #tpu.memory_space<vmem>>
        tpu.enqueue_dma source(%dma_start3A_197 : memref<128x64xf32, #tpu.memory_space<vmem>>) target(%dma_start3A_194 : memref<128x64xf32, #tpu.memory_space<vmem_shared>>) target_semaphore(%run_scoped3A : memref<!tpu.dma_semaphore, #tpu.memory_space<semaphore_mem>>)
        %dma_wait3A_198 = arith.constant 0 : i32
        %dma_wait3A_199 = arith.constant 0 : i32
        %dma_wait3A_200 = tpu.memref_slice %arg8[%dma_wait3A_198, %dma_wait3A_199] : memref<1024x64xf32, #tpu.memory_space<vmem>> -> memref<128x64xf32, #tpu.memory_space<vmem>>
        %dma_wait3A_201 = arith.constant 0 : i32
        %dma_wait3A_202 = tpu.memref_slice %arg25[%add3A_187, %dma_wait3A_201] : memref<10240x64xf32, #tpu.memory_space<vmem_shared>> -> memref<128x64xf32, #tpu.memory_space<vmem_shared>>
        %dma_wait3A_203 = arith.constant 0 : i32
        %dma_wait3A_204 = tpu.memref_slice %arg25[%add3A_187, %dma_wait3A_203] : memref<10240x64xf32, #tpu.memory_space<vmem_shared>> -> memref<128x64xf32, #tpu.memory_space<vmem_shared>>
        %dma_wait3A_205 = arith.constant 0 : i32
        %dma_wait3A_206 = arith.constant 0 : i32
        %dma_wait3A_207 = tpu.memref_slice %arg8[%dma_wait3A_205, %dma_wait3A_206] : memref<1024x64xf32, #tpu.memory_space<vmem>> -> memref<128x64xf32, #tpu.memory_space<vmem>>
        tpu.wait_dma2 semaphore(%run_scoped3A : memref<!tpu.dma_semaphore, #tpu.memory_space<semaphore_mem>>) src(%dma_wait3A_207 : memref<128x64xf32, #tpu.memory_space<vmem>>) dst(%dma_wait3A_204 : memref<128x64xf32, #tpu.memory_space<vmem_shared>>)
        tpu.yield
      }) : () -> ()
    }
    %scan3A_9 = arith.constant 5 : i32
    "tpu.region"() ({
      %run_scoped3A = tpu.sem_alloc : memref<!tpu.dma_semaphore, #tpu.memory_space<semaphore_mem>>
      %dma_start3A_178 = arith.constant 0 : i32
      %dma_start3A_179 = arith.constant 0 : i32
      %dma_start3A_180 = tpu.memref_slice %arg3[%add3A, %dma_start3A_178, %dma_start3A_179] : memref<32x80x128xi32, #tpu.memory_space<hbm>> -> memref<1x80x128xi32, #tpu.memory_space<hbm>>
      %dma_start3A_181 = tpu.memref_squeeze %dma_start3A_180 : memref<1x80x128xi32, #tpu.memory_space<hbm>> -> memref<80x128xi32, #tpu.memory_space<hbm>>
      %dma_start3A_182 = arith.constant 0 : i32
      %dma_start3A_183 = arith.constant 0 : i32
      %dma_start3A_184 = tpu.memref_slice %arg3[%add3A, %dma_start3A_182, %dma_start3A_183] : memref<32x80x128xi32, #tpu.memory_space<hbm>> -> memref<1x80x128xi32, #tpu.memory_space<hbm>>
      %dma_start3A_185 = tpu.memref_squeeze %dma_start3A_184 : memref<1x80x128xi32, #tpu.memory_space<hbm>> -> memref<80x128xi32, #tpu.memory_space<hbm>>
      tpu.enqueue_dma source(%dma_start3A_185 : memref<80x128xi32, #tpu.memory_space<hbm>>) target(%arg6 : memref<80x128xi32, #tpu.memory_space<vmem>>) target_semaphore(%run_scoped3A : memref<!tpu.dma_semaphore, #tpu.memory_space<semaphore_mem>>)
      %dma_wait3A_186 = arith.constant 0 : i32
      %dma_wait3A_187 = arith.constant 0 : i32
      %dma_wait3A_188 = tpu.memref_slice %arg3[%add3A, %dma_wait3A_186, %dma_wait3A_187] : memref<32x80x128xi32, #tpu.memory_space<hbm>> -> memref<1x80x128xi32, #tpu.memory_space<hbm>>
      %dma_wait3A_189 = tpu.memref_squeeze %dma_wait3A_188 : memref<1x80x128xi32, #tpu.memory_space<hbm>> -> memref<80x128xi32, #tpu.memory_space<hbm>>
      %dma_wait3A_190 = arith.constant 0 : i32
      %dma_wait3A_191 = arith.constant 0 : i32
      %dma_wait3A_192 = tpu.memref_slice %arg3[%add3A, %dma_wait3A_190, %dma_wait3A_191] : memref<32x80x128xi32, #tpu.memory_space<hbm>> -> memref<1x80x128xi32, #tpu.memory_space<hbm>>
      %dma_wait3A_193 = tpu.memref_squeeze %dma_wait3A_192 : memref<1x80x128xi32, #tpu.memory_space<hbm>> -> memref<80x128xi32, #tpu.memory_space<hbm>>
      tpu.wait_dma2 semaphore(%run_scoped3A : memref<!tpu.dma_semaphore, #tpu.memory_space<semaphore_mem>>) src(%dma_wait3A_193 : memref<80x128xi32, #tpu.memory_space<hbm>>) dst(%arg6 : memref<80x128xi32, #tpu.memory_space<vmem>>)
      tpu.yield
    }) : () -> ()
    "tpu.region"() ({
      %run_scoped3A = tpu.sem_alloc : memref<!tpu.dma_semaphore, #tpu.memory_space<semaphore_mem>>
      %dma_start3A_178 = arith.constant 0 : i32
      %dma_start3A_179 = arith.constant 0 : i32
      %dma_start3A_180 = tpu.memref_slice %arg4[%add3A, %dma_start3A_178, %dma_start3A_179] : memref<32x80x128xi32, #tpu.memory_space<hbm>> -> memref<1x80x128xi32, #tpu.memory_space<hbm>>
      %dma_start3A_181 = tpu.memref_squeeze %dma_start3A_180 : memref<1x80x128xi32, #tpu.memory_space<hbm>> -> memref<80x128xi32, #tpu.memory_space<hbm>>
      %dma_start3A_182 = arith.constant 0 : i32
      %dma_start3A_183 = arith.constant 0 : i32
      %dma_start3A_184 = tpu.memref_slice %arg4[%add3A, %dma_start3A_182, %dma_start3A_183] : memref<32x80x128xi32, #tpu.memory_space<hbm>> -> memref<1x80x128xi32, #tpu.memory_space<hbm>>
      %dma_start3A_185 = tpu.memref_squeeze %dma_start3A_184 : memref<1x80x128xi32, #tpu.memory_space<hbm>> -> memref<80x128xi32, #tpu.memory_space<hbm>>
      tpu.enqueue_dma source(%dma_start3A_185 : memref<80x128xi32, #tpu.memory_space<hbm>>) target(%arg7 : memref<80x128xi32, #tpu.memory_space<vmem>>) target_semaphore(%run_scoped3A : memref<!tpu.dma_semaphore, #tpu.memory_space<semaphore_mem>>)
      %dma_wait3A_186 = arith.constant 0 : i32
      %dma_wait3A_187 = arith.constant 0 : i32
      %dma_wait3A_188 = tpu.memref_slice %arg4[%add3A, %dma_wait3A_186, %dma_wait3A_187] : memref<32x80x128xi32, #tpu.memory_space<hbm>> -> memref<1x80x128xi32, #tpu.memory_space<hbm>>
      %dma_wait3A_189 = tpu.memref_squeeze %dma_wait3A_188 : memref<1x80x128xi32, #tpu.memory_space<hbm>> -> memref<80x128xi32, #tpu.memory_space<hbm>>
      %dma_wait3A_190 = arith.constant 0 : i32
      %dma_wait3A_191 = arith.constant 0 : i32
      %dma_wait3A_192 = tpu.memref_slice %arg4[%add3A, %dma_wait3A_190, %dma_wait3A_191] : memref<32x80x128xi32, #tpu.memory_space<hbm>> -> memref<1x80x128xi32, #tpu.memory_space<hbm>>
      %dma_wait3A_193 = tpu.memref_squeeze %dma_wait3A_192 : memref<1x80x128xi32, #tpu.memory_space<hbm>> -> memref<80x128xi32, #tpu.memory_space<hbm>>
      tpu.wait_dma2 semaphore(%run_scoped3A : memref<!tpu.dma_semaphore, #tpu.memory_space<semaphore_mem>>) src(%dma_wait3A_193 : memref<80x128xi32, #tpu.memory_space<hbm>>) dst(%arg7 : memref<80x128xi32, #tpu.memory_space<vmem>>)
      tpu.yield
    }) : () -> ()
    %dma_start3A = arith.constant 0 : i32
    %dma_start3A_10 = arith.constant 0 : i32
    %dma_start3A_11 = arith.constant 0 : i32
    %dma_start3A_12 = tpu.memref_slice %arg8[%dma_start3A_10, %dma_start3A_11] : memref<1024x64xf32, #tpu.memory_space<vmem>> -> memref<128x64xf32, #tpu.memory_space<vmem>>
    %dma_start3A_13 = arith.constant 0 : i32
    %dma_start3A_14 = tpu.memref_slice %arg6[%dma_start3A, %dma_start3A_13] : memref<80x128xi32, #tpu.memory_space<vmem>> -> memref<1x128xi32, #tpu.memory_space<vmem>>
    %dma_start3A_15 = tpu.memref_squeeze %dma_start3A_14 : memref<1x128xi32, #tpu.memory_space<vmem>> -> memref<128xi32, #tpu.memory_space<vmem>>
    %dma_start3A_16 = arith.constant 0 : i32
    %dma_start3A_17 = arith.constant 0 : i32
    %dma_start3A_18 = tpu.memref_slice %arg2[%dma_start3A_16, %dma_start3A_17] : memref<10240x64xf32, #tpu.memory_space<hbm>> -> memref<10240x64xf32, #tpu.memory_space<hbm>>
    tpu.enqueue_indirect_dma source(%dma_start3A_18 : memref<10240x64xf32, #tpu.memory_space<hbm>>) target(%dma_start3A_12 : memref<128x64xf32, #tpu.memory_space<vmem>>) offsets(%dma_start3A_15 : memref<128xi32, #tpu.memory_space<vmem>>) semaphore(%arg9 : memref<!tpu.dma_semaphore, #tpu.memory_space<semaphore_mem>>)
    %dma_start3A_19 = arith.constant 1 : i32
    %dma_start3A_20 = arith.constant 128 : i32
    %dma_start3A_21 = arith.constant 0 : i32
    %dma_start3A_22 = tpu.memref_slice %arg8[%dma_start3A_20, %dma_start3A_21] : memref<1024x64xf32, #tpu.memory_space<vmem>> -> memref<128x64xf32, #tpu.memory_space<vmem>>
    %dma_start3A_23 = arith.constant 0 : i32
    %dma_start3A_24 = tpu.memref_slice %arg6[%dma_start3A_19, %dma_start3A_23] : memref<80x128xi32, #tpu.memory_space<vmem>> -> memref<1x128xi32, #tpu.memory_space<vmem>>
    %dma_start3A_25 = tpu.memref_squeeze %dma_start3A_24 : memref<1x128xi32, #tpu.memory_space<vmem>> -> memref<128xi32, #tpu.memory_space<vmem>>
    %dma_start3A_26 = arith.constant 0 : i32
    %dma_start3A_27 = arith.constant 0 : i32
    %dma_start3A_28 = tpu.memref_slice %arg2[%dma_start3A_26, %dma_start3A_27] : memref<10240x64xf32, #tpu.memory_space<hbm>> -> memref<10240x64xf32, #tpu.memory_space<hbm>>
    tpu.enqueue_indirect_dma source(%dma_start3A_28 : memref<10240x64xf32, #tpu.memory_space<hbm>>) target(%dma_start3A_22 : memref<128x64xf32, #tpu.memory_space<vmem>>) offsets(%dma_start3A_25 : memref<128xi32, #tpu.memory_space<vmem>>) semaphore(%arg10 : memref<!tpu.dma_semaphore, #tpu.memory_space<semaphore_mem>>)
    %dma_start3A_29 = arith.constant 2 : i32
    %dma_start3A_30 = arith.constant 256 : i32
    %dma_start3A_31 = arith.constant 0 : i32
    %dma_start3A_32 = tpu.memref_slice %arg8[%dma_start3A_30, %dma_start3A_31] : memref<1024x64xf32, #tpu.memory_space<vmem>> -> memref<128x64xf32, #tpu.memory_space<vmem>>
    %dma_start3A_33 = arith.constant 0 : i32
    %dma_start3A_34 = tpu.memref_slice %arg6[%dma_start3A_29, %dma_start3A_33] : memref<80x128xi32, #tpu.memory_space<vmem>> -> memref<1x128xi32, #tpu.memory_space<vmem>>
    %dma_start3A_35 = tpu.memref_squeeze %dma_start3A_34 : memref<1x128xi32, #tpu.memory_space<vmem>> -> memref<128xi32, #tpu.memory_space<vmem>>
    %dma_start3A_36 = arith.constant 0 : i32
    %dma_start3A_37 = arith.constant 0 : i32
    %dma_start3A_38 = tpu.memref_slice %arg2[%dma_start3A_36, %dma_start3A_37] : memref<10240x64xf32, #tpu.memory_space<hbm>> -> memref<10240x64xf32, #tpu.memory_space<hbm>>
    tpu.enqueue_indirect_dma source(%dma_start3A_38 : memref<10240x64xf32, #tpu.memory_space<hbm>>) target(%dma_start3A_32 : memref<128x64xf32, #tpu.memory_space<vmem>>) offsets(%dma_start3A_35 : memref<128xi32, #tpu.memory_space<vmem>>) semaphore(%arg11 : memref<!tpu.dma_semaphore, #tpu.memory_space<semaphore_mem>>)
    %dma_start3A_39 = arith.constant 3 : i32
    %dma_start3A_40 = arith.constant 384 : i32
    %dma_start3A_41 = arith.constant 0 : i32
    %dma_start3A_42 = tpu.memref_slice %arg8[%dma_start3A_40, %dma_start3A_41] : memref<1024x64xf32, #tpu.memory_space<vmem>> -> memref<128x64xf32, #tpu.memory_space<vmem>>
    %dma_start3A_43 = arith.constant 0 : i32
    %dma_start3A_44 = tpu.memref_slice %arg6[%dma_start3A_39, %dma_start3A_43] : memref<80x128xi32, #tpu.memory_space<vmem>> -> memref<1x128xi32, #tpu.memory_space<vmem>>
    %dma_start3A_45 = tpu.memref_squeeze %dma_start3A_44 : memref<1x128xi32, #tpu.memory_space<vmem>> -> memref<128xi32, #tpu.memory_space<vmem>>
    %dma_start3A_46 = arith.constant 0 : i32
    %dma_start3A_47 = arith.constant 0 : i32
    %dma_start3A_48 = tpu.memref_slice %arg2[%dma_start3A_46, %dma_start3A_47] : memref<10240x64xf32, #tpu.memory_space<hbm>> -> memref<10240x64xf32, #tpu.memory_space<hbm>>
    tpu.enqueue_indirect_dma source(%dma_start3A_48 : memref<10240x64xf32, #tpu.memory_space<hbm>>) target(%dma_start3A_42 : memref<128x64xf32, #tpu.memory_space<vmem>>) offsets(%dma_start3A_45 : memref<128xi32, #tpu.memory_space<vmem>>) semaphore(%arg12 : memref<!tpu.dma_semaphore, #tpu.memory_space<semaphore_mem>>)
    %dma_start3A_49 = arith.constant 4 : i32
    %dma_start3A_50 = arith.constant 512 : i32
    %dma_start3A_51 = arith.constant 0 : i32
    %dma_start3A_52 = tpu.memref_slice %arg8[%dma_start3A_50, %dma_start3A_51] : memref<1024x64xf32, #tpu.memory_space<vmem>> -> memref<128x64xf32, #tpu.memory_space<vmem>>
    %dma_start3A_53 = arith.constant 0 : i32
    %dma_start3A_54 = tpu.memref_slice %arg6[%dma_start3A_49, %dma_start3A_53] : memref<80x128xi32, #tpu.memory_space<vmem>> -> memref<1x128xi32, #tpu.memory_space<vmem>>
    %dma_start3A_55 = tpu.memref_squeeze %dma_start3A_54 : memref<1x128xi32, #tpu.memory_space<vmem>> -> memref<128xi32, #tpu.memory_space<vmem>>
    %dma_start3A_56 = arith.constant 0 : i32
    %dma_start3A_57 = arith.constant 0 : i32
    %dma_start3A_58 = tpu.memref_slice %arg2[%dma_start3A_56, %dma_start3A_57] : memref<10240x64xf32, #tpu.memory_space<hbm>> -> memref<10240x64xf32, #tpu.memory_space<hbm>>
    tpu.enqueue_indirect_dma source(%dma_start3A_58 : memref<10240x64xf32, #tpu.memory_space<hbm>>) target(%dma_start3A_52 : memref<128x64xf32, #tpu.memory_space<vmem>>) offsets(%dma_start3A_55 : memref<128xi32, #tpu.memory_space<vmem>>) semaphore(%arg13 : memref<!tpu.dma_semaphore, #tpu.memory_space<semaphore_mem>>)
    %dma_start3A_59 = arith.constant 5 : i32
    %dma_start3A_60 = arith.constant 640 : i32
    %dma_start3A_61 = arith.constant 0 : i32
    %dma_start3A_62 = tpu.memref_slice %arg8[%dma_start3A_60, %dma_start3A_61] : memref<1024x64xf32, #tpu.memory_space<vmem>> -> memref<128x64xf32, #tpu.memory_space<vmem>>
    %dma_start3A_63 = arith.constant 0 : i32
    %dma_start3A_64 = tpu.memref_slice %arg6[%dma_start3A_59, %dma_start3A_63] : memref<80x128xi32, #tpu.memory_space<vmem>> -> memref<1x128xi32, #tpu.memory_space<vmem>>
    %dma_start3A_65 = tpu.memref_squeeze %dma_start3A_64 : memref<1x128xi32, #tpu.memory_space<vmem>> -> memref<128xi32, #tpu.memory_space<vmem>>
    %dma_start3A_66 = arith.constant 0 : i32
    %dma_start3A_67 = arith.constant 0 : i32
    %dma_start3A_68 = tpu.memref_slice %arg2[%dma_start3A_66, %dma_start3A_67] : memref<10240x64xf32, #tpu.memory_space<hbm>> -> memref<10240x64xf32, #tpu.memory_space<hbm>>
    tpu.enqueue_indirect_dma source(%dma_start3A_68 : memref<10240x64xf32, #tpu.memory_space<hbm>>) target(%dma_start3A_62 : memref<128x64xf32, #tpu.memory_space<vmem>>) offsets(%dma_start3A_65 : memref<128xi32, #tpu.memory_space<vmem>>) semaphore(%arg14 : memref<!tpu.dma_semaphore, #tpu.memory_space<semaphore_mem>>)
    %dma_start3A_69 = arith.constant 6 : i32
    %dma_start3A_70 = arith.constant 768 : i32
    %dma_start3A_71 = arith.constant 0 : i32
    %dma_start3A_72 = tpu.memref_slice %arg8[%dma_start3A_70, %dma_start3A_71] : memref<1024x64xf32, #tpu.memory_space<vmem>> -> memref<128x64xf32, #tpu.memory_space<vmem>>
    %dma_start3A_73 = arith.constant 0 : i32
    %dma_start3A_74 = tpu.memref_slice %arg6[%dma_start3A_69, %dma_start3A_73] : memref<80x128xi32, #tpu.memory_space<vmem>> -> memref<1x128xi32, #tpu.memory_space<vmem>>
    %dma_start3A_75 = tpu.memref_squeeze %dma_start3A_74 : memref<1x128xi32, #tpu.memory_space<vmem>> -> memref<128xi32, #tpu.memory_space<vmem>>
    %dma_start3A_76 = arith.constant 0 : i32
    %dma_start3A_77 = arith.constant 0 : i32
    %dma_start3A_78 = tpu.memref_slice %arg2[%dma_start3A_76, %dma_start3A_77] : memref<10240x64xf32, #tpu.memory_space<hbm>> -> memref<10240x64xf32, #tpu.memory_space<hbm>>
    tpu.enqueue_indirect_dma source(%dma_start3A_78 : memref<10240x64xf32, #tpu.memory_space<hbm>>) target(%dma_start3A_72 : memref<128x64xf32, #tpu.memory_space<vmem>>) offsets(%dma_start3A_75 : memref<128xi32, #tpu.memory_space<vmem>>) semaphore(%arg15 : memref<!tpu.dma_semaphore, #tpu.memory_space<semaphore_mem>>)
    %dma_start3A_79 = arith.constant 7 : i32
    %dma_start3A_80 = arith.constant 896 : i32
    %dma_start3A_81 = arith.constant 0 : i32
    %dma_start3A_82 = tpu.memref_slice %arg8[%dma_start3A_80, %dma_start3A_81] : memref<1024x64xf32, #tpu.memory_space<vmem>> -> memref<128x64xf32, #tpu.memory_space<vmem>>
    %dma_start3A_83 = arith.constant 0 : i32
    %dma_start3A_84 = tpu.memref_slice %arg6[%dma_start3A_79, %dma_start3A_83] : memref<80x128xi32, #tpu.memory_space<vmem>> -> memref<1x128xi32, #tpu.memory_space<vmem>>
    %dma_start3A_85 = tpu.memref_squeeze %dma_start3A_84 : memref<1x128xi32, #tpu.memory_space<vmem>> -> memref<128xi32, #tpu.memory_space<vmem>>
    %dma_start3A_86 = arith.constant 0 : i32
    %dma_start3A_87 = arith.constant 0 : i32
    %dma_start3A_88 = tpu.memref_slice %arg2[%dma_start3A_86, %dma_start3A_87] : memref<10240x64xf32, #tpu.memory_space<hbm>> -> memref<10240x64xf32, #tpu.memory_space<hbm>>
    tpu.enqueue_indirect_dma source(%dma_start3A_88 : memref<10240x64xf32, #tpu.memory_space<hbm>>) target(%dma_start3A_82 : memref<128x64xf32, #tpu.memory_space<vmem>>) offsets(%dma_start3A_85 : memref<128xi32, #tpu.memory_space<vmem>>) semaphore(%arg16 : memref<!tpu.dma_semaphore, #tpu.memory_space<semaphore_mem>>)
    %barrier3A = arith.constant 0 : index
    tpu.barrier barrier_id(%barrier3A)
    %scan3A_89 = arith.constant 0 : i32
    %scan3A_90 = arith.constant 10 : i32
    %scan3A_91 = arith.addi %scan3A_89, %scan3A_90 : i32
    %scan3A_92 = arith.constant 1 : i32
    scf.for %scan3A_178 = %scan3A_89 to %scan3A_91 step %scan3A_92  : i32 {
      %mul3A_179 = arith.constant 1 : i32
      %mul3A_180 = arith.muli %scan3A_178, %mul3A_179 : i32
      %add3A_181 = arith.constant 0 : i32
      %add3A_182 = arith.addi %add3A_181, %mul3A_180 : i32
      %mul3A_183 = arith.constant 8 : i32
      %mul3A_184 = arith.muli %add3A_182, %mul3A_183 : i32
      %dma_wait3A_185 = arith.constant 0 : i32
      %dma_wait3A_186 = arith.constant 0 : i32
      %dma_wait3A_187 = arith.constant 0 : i32
      %dma_wait3A_188 = tpu.memref_slice %arg8[%dma_wait3A_186, %dma_wait3A_187] : memref<1024x64xf32, #tpu.memory_space<vmem>> -> memref<128x64xf32, #tpu.memory_space<vmem>>
      %dma_wait3A_189 = arith.constant 0 : i32
      %dma_wait3A_190 = tpu.memref_slice %arg6[%dma_wait3A_185, %dma_wait3A_189] : memref<80x128xi32, #tpu.memory_space<vmem>> -> memref<1x128xi32, #tpu.memory_space<vmem>>
      %dma_wait3A_191 = tpu.memref_squeeze %dma_wait3A_190 : memref<1x128xi32, #tpu.memory_space<vmem>> -> memref<128xi32, #tpu.memory_space<vmem>>
      %dma_wait3A_192 = arith.constant 0 : i32
      %dma_wait3A_193 = arith.constant 0 : i32
      %dma_wait3A_194 = tpu.memref_slice %arg2[%dma_wait3A_192, %dma_wait3A_193] : memref<10240x64xf32, #tpu.memory_space<hbm>> -> memref<10240x64xf32, #tpu.memory_space<hbm>>
      tpu.wait_indirect_dma semaphore(%arg9 : memref<!tpu.dma_semaphore, #tpu.memory_space<semaphore_mem>>) src(%dma_wait3A_194 : memref<10240x64xf32, #tpu.memory_space<hbm>>) dst(%dma_wait3A_188 : memref<128x64xf32, #tpu.memory_space<vmem>>)
      %add3A_195 = arith.constant 0 : i32
      %add3A_196 = arith.addi %mul3A_184, %add3A_195 : i32
      %dma_start3A_197 = arith.constant 0 : i32
      %dma_start3A_198 = arith.constant 0 : i32
      %dma_start3A_199 = tpu.memref_slice %arg8[%dma_start3A_197, %dma_start3A_198] : memref<1024x64xf32, #tpu.memory_space<vmem>> -> memref<128x64xf32, #tpu.memory_space<vmem>>
      %dma_start3A_200 = arith.constant 0 : i32
      %dma_start3A_201 = tpu.memref_slice %arg7[%add3A_196, %dma_start3A_200] : memref<80x128xi32, #tpu.memory_space<vmem>> -> memref<1x128xi32, #tpu.memory_space<vmem>>
      %dma_start3A_202 = tpu.memref_squeeze %dma_start3A_201 : memref<1x128xi32, #tpu.memory_space<vmem>> -> memref<128xi32, #tpu.memory_space<vmem>>
      %dma_start3A_203 = arith.constant 0 : i32
      %dma_start3A_204 = arith.constant 0 : i32
      %dma_start3A_205 = tpu.memref_slice %arg25[%dma_start3A_203, %dma_start3A_204] : memref<10240x64xf32, #tpu.memory_space<vmem_shared>> -> memref<10240x64xf32, #tpu.memory_space<vmem_shared>>
      tpu.enqueue_indirect_dma source(%dma_start3A_199 : memref<128x64xf32, #tpu.memory_space<vmem>>) target(%dma_start3A_205 : memref<10240x64xf32, #tpu.memory_space<vmem_shared>>) offsets(%dma_start3A_202 : memref<128xi32, #tpu.memory_space<vmem>>) semaphore(%arg17 : memref<!tpu.dma_semaphore, #tpu.memory_space<semaphore_mem>>) {add = true}
      %dma_wait3A_206 = arith.constant 0 : i32
      %dma_wait3A_207 = arith.constant 128 : i32
      %dma_wait3A_208 = arith.constant 0 : i32
      %dma_wait3A_209 = tpu.memref_slice %arg8[%dma_wait3A_207, %dma_wait3A_208] : memref<1024x64xf32, #tpu.memory_space<vmem>> -> memref<128x64xf32, #tpu.memory_space<vmem>>
      %dma_wait3A_210 = arith.constant 0 : i32
      %dma_wait3A_211 = tpu.memref_slice %arg6[%dma_wait3A_206, %dma_wait3A_210] : memref<80x128xi32, #tpu.memory_space<vmem>> -> memref<1x128xi32, #tpu.memory_space<vmem>>
      %dma_wait3A_212 = tpu.memref_squeeze %dma_wait3A_211 : memref<1x128xi32, #tpu.memory_space<vmem>> -> memref<128xi32, #tpu.memory_space<vmem>>
      %dma_wait3A_213 = arith.constant 0 : i32
      %dma_wait3A_214 = arith.constant 0 : i32
      %dma_wait3A_215 = tpu.memref_slice %arg2[%dma_wait3A_213, %dma_wait3A_214] : memref<10240x64xf32, #tpu.memory_space<hbm>> -> memref<10240x64xf32, #tpu.memory_space<hbm>>
      tpu.wait_indirect_dma semaphore(%arg10 : memref<!tpu.dma_semaphore, #tpu.memory_space<semaphore_mem>>) src(%dma_wait3A_215 : memref<10240x64xf32, #tpu.memory_space<hbm>>) dst(%dma_wait3A_209 : memref<128x64xf32, #tpu.memory_space<vmem>>)
      %add3A_216 = arith.constant 1 : i32
      %add3A_217 = arith.addi %mul3A_184, %add3A_216 : i32
      %dma_start3A_218 = arith.constant 128 : i32
      %dma_start3A_219 = arith.constant 0 : i32
      %dma_start3A_220 = tpu.memref_slice %arg8[%dma_start3A_218, %dma_start3A_219] : memref<1024x64xf32, #tpu.memory_space<vmem>> -> memref<128x64xf32, #tpu.memory_space<vmem>>
      %dma_start3A_221 = arith.constant 0 : i32
      %dma_start3A_222 = tpu.memref_slice %arg7[%add3A_217, %dma_start3A_221] : memref<80x128xi32, #tpu.memory_space<vmem>> -> memref<1x128xi32, #tpu.memory_space<vmem>>
      %dma_start3A_223 = tpu.memref_squeeze %dma_start3A_222 : memref<1x128xi32, #tpu.memory_space<vmem>> -> memref<128xi32, #tpu.memory_space<vmem>>
      %dma_start3A_224 = arith.constant 0 : i32
      %dma_start3A_225 = arith.constant 0 : i32
      %dma_start3A_226 = tpu.memref_slice %arg25[%dma_start3A_224, %dma_start3A_225] : memref<10240x64xf32, #tpu.memory_space<vmem_shared>> -> memref<10240x64xf32, #tpu.memory_space<vmem_shared>>
      tpu.enqueue_indirect_dma source(%dma_start3A_220 : memref<128x64xf32, #tpu.memory_space<vmem>>) target(%dma_start3A_226 : memref<10240x64xf32, #tpu.memory_space<vmem_shared>>) offsets(%dma_start3A_223 : memref<128xi32, #tpu.memory_space<vmem>>) semaphore(%arg18 : memref<!tpu.dma_semaphore, #tpu.memory_space<semaphore_mem>>) {add = true}
      %dma_wait3A_227 = arith.constant 0 : i32
      %dma_wait3A_228 = arith.constant 256 : i32
      %dma_wait3A_229 = arith.constant 0 : i32
      %dma_wait3A_230 = tpu.memref_slice %arg8[%dma_wait3A_228, %dma_wait3A_229] : memref<1024x64xf32, #tpu.memory_space<vmem>> -> memref<128x64xf32, #tpu.memory_space<vmem>>
      %dma_wait3A_231 = arith.constant 0 : i32
      %dma_wait3A_232 = tpu.memref_slice %arg6[%dma_wait3A_227, %dma_wait3A_231] : memref<80x128xi32, #tpu.memory_space<vmem>> -> memref<1x128xi32, #tpu.memory_space<vmem>>
      %dma_wait3A_233 = tpu.memref_squeeze %dma_wait3A_232 : memref<1x128xi32, #tpu.memory_space<vmem>> -> memref<128xi32, #tpu.memory_space<vmem>>
      %dma_wait3A_234 = arith.constant 0 : i32
      %dma_wait3A_235 = arith.constant 0 : i32
      %dma_wait3A_236 = tpu.memref_slice %arg2[%dma_wait3A_234, %dma_wait3A_235] : memref<10240x64xf32, #tpu.memory_space<hbm>> -> memref<10240x64xf32, #tpu.memory_space<hbm>>
      tpu.wait_indirect_dma semaphore(%arg11 : memref<!tpu.dma_semaphore, #tpu.memory_space<semaphore_mem>>) src(%dma_wait3A_236 : memref<10240x64xf32, #tpu.memory_space<hbm>>) dst(%dma_wait3A_230 : memref<128x64xf32, #tpu.memory_space<vmem>>)
      %add3A_237 = arith.constant 2 : i32
      %add3A_238 = arith.addi %mul3A_184, %add3A_237 : i32
      %dma_start3A_239 = arith.constant 256 : i32
      %dma_start3A_240 = arith.constant 0 : i32
      %dma_start3A_241 = tpu.memref_slice %arg8[%dma_start3A_239, %dma_start3A_240] : memref<1024x64xf32, #tpu.memory_space<vmem>> -> memref<128x64xf32, #tpu.memory_space<vmem>>
      %dma_start3A_242 = arith.constant 0 : i32
      %dma_start3A_243 = tpu.memref_slice %arg7[%add3A_238, %dma_start3A_242] : memref<80x128xi32, #tpu.memory_space<vmem>> -> memref<1x128xi32, #tpu.memory_space<vmem>>
      %dma_start3A_244 = tpu.memref_squeeze %dma_start3A_243 : memref<1x128xi32, #tpu.memory_space<vmem>> -> memref<128xi32, #tpu.memory_space<vmem>>
      %dma_start3A_245 = arith.constant 0 : i32
      %dma_start3A_246 = arith.constant 0 : i32
      %dma_start3A_247 = tpu.memref_slice %arg25[%dma_start3A_245, %dma_start3A_246] : memref<10240x64xf32, #tpu.memory_space<vmem_shared>> -> memref<10240x64xf32, #tpu.memory_space<vmem_shared>>
      tpu.enqueue_indirect_dma source(%dma_start3A_241 : memref<128x64xf32, #tpu.memory_space<vmem>>) target(%dma_start3A_247 : memref<10240x64xf32, #tpu.memory_space<vmem_shared>>) offsets(%dma_start3A_244 : memref<128xi32, #tpu.memory_space<vmem>>) semaphore(%arg19 : memref<!tpu.dma_semaphore, #tpu.memory_space<semaphore_mem>>) {add = true}
      %dma_wait3A_248 = arith.constant 0 : i32
      %dma_wait3A_249 = arith.constant 384 : i32
      %dma_wait3A_250 = arith.constant 0 : i32
      %dma_wait3A_251 = tpu.memref_slice %arg8[%dma_wait3A_249, %dma_wait3A_250] : memref<1024x64xf32, #tpu.memory_space<vmem>> -> memref<128x64xf32, #tpu.memory_space<vmem>>
      %dma_wait3A_252 = arith.constant 0 : i32
      %dma_wait3A_253 = tpu.memref_slice %arg6[%dma_wait3A_248, %dma_wait3A_252] : memref<80x128xi32, #tpu.memory_space<vmem>> -> memref<1x128xi32, #tpu.memory_space<vmem>>
      %dma_wait3A_254 = tpu.memref_squeeze %dma_wait3A_253 : memref<1x128xi32, #tpu.memory_space<vmem>> -> memref<128xi32, #tpu.memory_space<vmem>>
      %dma_wait3A_255 = arith.constant 0 : i32
      %dma_wait3A_256 = arith.constant 0 : i32
      %dma_wait3A_257 = tpu.memref_slice %arg2[%dma_wait3A_255, %dma_wait3A_256] : memref<10240x64xf32, #tpu.memory_space<hbm>> -> memref<10240x64xf32, #tpu.memory_space<hbm>>
      tpu.wait_indirect_dma semaphore(%arg12 : memref<!tpu.dma_semaphore, #tpu.memory_space<semaphore_mem>>) src(%dma_wait3A_257 : memref<10240x64xf32, #tpu.memory_space<hbm>>) dst(%dma_wait3A_251 : memref<128x64xf32, #tpu.memory_space<vmem>>)
      %add3A_258 = arith.constant 3 : i32
      %add3A_259 = arith.addi %mul3A_184, %add3A_258 : i32
      %dma_start3A_260 = arith.constant 384 : i32
      %dma_start3A_261 = arith.constant 0 : i32
      %dma_start3A_262 = tpu.memref_slice %arg8[%dma_start3A_260, %dma_start3A_261] : memref<1024x64xf32, #tpu.memory_space<vmem>> -> memref<128x64xf32, #tpu.memory_space<vmem>>
      %dma_start3A_263 = arith.constant 0 : i32
      %dma_start3A_264 = tpu.memref_slice %arg7[%add3A_259, %dma_start3A_263] : memref<80x128xi32, #tpu.memory_space<vmem>> -> memref<1x128xi32, #tpu.memory_space<vmem>>
      %dma_start3A_265 = tpu.memref_squeeze %dma_start3A_264 : memref<1x128xi32, #tpu.memory_space<vmem>> -> memref<128xi32, #tpu.memory_space<vmem>>
      %dma_start3A_266 = arith.constant 0 : i32
      %dma_start3A_267 = arith.constant 0 : i32
      %dma_start3A_268 = tpu.memref_slice %arg25[%dma_start3A_266, %dma_start3A_267] : memref<10240x64xf32, #tpu.memory_space<vmem_shared>> -> memref<10240x64xf32, #tpu.memory_space<vmem_shared>>
      tpu.enqueue_indirect_dma source(%dma_start3A_262 : memref<128x64xf32, #tpu.memory_space<vmem>>) target(%dma_start3A_268 : memref<10240x64xf32, #tpu.memory_space<vmem_shared>>) offsets(%dma_start3A_265 : memref<128xi32, #tpu.memory_space<vmem>>) semaphore(%arg20 : memref<!tpu.dma_semaphore, #tpu.memory_space<semaphore_mem>>) {add = true}
      %dma_wait3A_269 = arith.constant 0 : i32
      %dma_wait3A_270 = arith.constant 512 : i32
      %dma_wait3A_271 = arith.constant 0 : i32
      %dma_wait3A_272 = tpu.memref_slice %arg8[%dma_wait3A_270, %dma_wait3A_271] : memref<1024x64xf32, #tpu.memory_space<vmem>> -> memref<128x64xf32, #tpu.memory_space<vmem>>
      %dma_wait3A_273 = arith.constant 0 : i32
      %dma_wait3A_274 = tpu.memref_slice %arg6[%dma_wait3A_269, %dma_wait3A_273] : memref<80x128xi32, #tpu.memory_space<vmem>> -> memref<1x128xi32, #tpu.memory_space<vmem>>
      %dma_wait3A_275 = tpu.memref_squeeze %dma_wait3A_274 : memref<1x128xi32, #tpu.memory_space<vmem>> -> memref<128xi32, #tpu.memory_space<vmem>>
      %dma_wait3A_276 = arith.constant 0 : i32
      %dma_wait3A_277 = arith.constant 0 : i32
      %dma_wait3A_278 = tpu.memref_slice %arg2[%dma_wait3A_276, %dma_wait3A_277] : memref<10240x64xf32, #tpu.memory_space<hbm>> -> memref<10240x64xf32, #tpu.memory_space<hbm>>
      tpu.wait_indirect_dma semaphore(%arg13 : memref<!tpu.dma_semaphore, #tpu.memory_space<semaphore_mem>>) src(%dma_wait3A_278 : memref<10240x64xf32, #tpu.memory_space<hbm>>) dst(%dma_wait3A_272 : memref<128x64xf32, #tpu.memory_space<vmem>>)
      %add3A_279 = arith.constant 4 : i32
      %add3A_280 = arith.addi %mul3A_184, %add3A_279 : i32
      %dma_start3A_281 = arith.constant 512 : i32
      %dma_start3A_282 = arith.constant 0 : i32
      %dma_start3A_283 = tpu.memref_slice %arg8[%dma_start3A_281, %dma_start3A_282] : memref<1024x64xf32, #tpu.memory_space<vmem>> -> memref<128x64xf32, #tpu.memory_space<vmem>>
      %dma_start3A_284 = arith.constant 0 : i32
      %dma_start3A_285 = tpu.memref_slice %arg7[%add3A_280, %dma_start3A_284] : memref<80x128xi32, #tpu.memory_space<vmem>> -> memref<1x128xi32, #tpu.memory_space<vmem>>
      %dma_start3A_286 = tpu.memref_squeeze %dma_start3A_285 : memref<1x128xi32, #tpu.memory_space<vmem>> -> memref<128xi32, #tpu.memory_space<vmem>>
      %dma_start3A_287 = arith.constant 0 : i32
      %dma_start3A_288 = arith.constant 0 : i32
      %dma_start3A_289 = tpu.memref_slice %arg25[%dma_start3A_287, %dma_start3A_288] : memref<10240x64xf32, #tpu.memory_space<vmem_shared>> -> memref<10240x64xf32, #tpu.memory_space<vmem_shared>>
      tpu.enqueue_indirect_dma source(%dma_start3A_283 : memref<128x64xf32, #tpu.memory_space<vmem>>) target(%dma_start3A_289 : memref<10240x64xf32, #tpu.memory_space<vmem_shared>>) offsets(%dma_start3A_286 : memref<128xi32, #tpu.memory_space<vmem>>) semaphore(%arg21 : memref<!tpu.dma_semaphore, #tpu.memory_space<semaphore_mem>>) {add = true}
      %dma_wait3A_290 = arith.constant 0 : i32
      %dma_wait3A_291 = arith.constant 640 : i32
      %dma_wait3A_292 = arith.constant 0 : i32
      %dma_wait3A_293 = tpu.memref_slice %arg8[%dma_wait3A_291, %dma_wait3A_292] : memref<1024x64xf32, #tpu.memory_space<vmem>> -> memref<128x64xf32, #tpu.memory_space<vmem>>
      %dma_wait3A_294 = arith.constant 0 : i32
      %dma_wait3A_295 = tpu.memref_slice %arg6[%dma_wait3A_290, %dma_wait3A_294] : memref<80x128xi32, #tpu.memory_space<vmem>> -> memref<1x128xi32, #tpu.memory_space<vmem>>
      %dma_wait3A_296 = tpu.memref_squeeze %dma_wait3A_295 : memref<1x128xi32, #tpu.memory_space<vmem>> -> memref<128xi32, #tpu.memory_space<vmem>>
      %dma_wait3A_297 = arith.constant 0 : i32
      %dma_wait3A_298 = arith.constant 0 : i32
      %dma_wait3A_299 = tpu.memref_slice %arg2[%dma_wait3A_297, %dma_wait3A_298] : memref<10240x64xf32, #tpu.memory_space<hbm>> -> memref<10240x64xf32, #tpu.memory_space<hbm>>
      tpu.wait_indirect_dma semaphore(%arg14 : memref<!tpu.dma_semaphore, #tpu.memory_space<semaphore_mem>>) src(%dma_wait3A_299 : memref<10240x64xf32, #tpu.memory_space<hbm>>) dst(%dma_wait3A_293 : memref<128x64xf32, #tpu.memory_space<vmem>>)
      %add3A_300 = arith.constant 5 : i32
      %add3A_301 = arith.addi %mul3A_184, %add3A_300 : i32
      %dma_start3A_302 = arith.constant 640 : i32
      %dma_start3A_303 = arith.constant 0 : i32
      %dma_start3A_304 = tpu.memref_slice %arg8[%dma_start3A_302, %dma_start3A_303] : memref<1024x64xf32, #tpu.memory_space<vmem>> -> memref<128x64xf32, #tpu.memory_space<vmem>>
      %dma_start3A_305 = arith.constant 0 : i32
      %dma_start3A_306 = tpu.memref_slice %arg7[%add3A_301, %dma_start3A_305] : memref<80x128xi32, #tpu.memory_space<vmem>> -> memref<1x128xi32, #tpu.memory_space<vmem>>
      %dma_start3A_307 = tpu.memref_squeeze %dma_start3A_306 : memref<1x128xi32, #tpu.memory_space<vmem>> -> memref<128xi32, #tpu.memory_space<vmem>>
      %dma_start3A_308 = arith.constant 0 : i32
      %dma_start3A_309 = arith.constant 0 : i32
      %dma_start3A_310 = tpu.memref_slice %arg25[%dma_start3A_308, %dma_start3A_309] : memref<10240x64xf32, #tpu.memory_space<vmem_shared>> -> memref<10240x64xf32, #tpu.memory_space<vmem_shared>>
      tpu.enqueue_indirect_dma source(%dma_start3A_304 : memref<128x64xf32, #tpu.memory_space<vmem>>) target(%dma_start3A_310 : memref<10240x64xf32, #tpu.memory_space<vmem_shared>>) offsets(%dma_start3A_307 : memref<128xi32, #tpu.memory_space<vmem>>) semaphore(%arg22 : memref<!tpu.dma_semaphore, #tpu.memory_space<semaphore_mem>>) {add = true}
      %dma_wait3A_311 = arith.constant 0 : i32
      %dma_wait3A_312 = arith.constant 768 : i32
      %dma_wait3A_313 = arith.constant 0 : i32
      %dma_wait3A_314 = tpu.memref_slice %arg8[%dma_wait3A_312, %dma_wait3A_313] : memref<1024x64xf32, #tpu.memory_space<vmem>> -> memref<128x64xf32, #tpu.memory_space<vmem>>
      %dma_wait3A_315 = arith.constant 0 : i32
      %dma_wait3A_316 = tpu.memref_slice %arg6[%dma_wait3A_311, %dma_wait3A_315] : memref<80x128xi32, #tpu.memory_space<vmem>> -> memref<1x128xi32, #tpu.memory_space<vmem>>
      %dma_wait3A_317 = tpu.memref_squeeze %dma_wait3A_316 : memref<1x128xi32, #tpu.memory_space<vmem>> -> memref<128xi32, #tpu.memory_space<vmem>>
      %dma_wait3A_318 = arith.constant 0 : i32
      %dma_wait3A_319 = arith.constant 0 : i32
      %dma_wait3A_320 = tpu.memref_slice %arg2[%dma_wait3A_318, %dma_wait3A_319] : memref<10240x64xf32, #tpu.memory_space<hbm>> -> memref<10240x64xf32, #tpu.memory_space<hbm>>
      tpu.wait_indirect_dma semaphore(%arg15 : memref<!tpu.dma_semaphore, #tpu.memory_space<semaphore_mem>>) src(%dma_wait3A_320 : memref<10240x64xf32, #tpu.memory_space<hbm>>) dst(%dma_wait3A_314 : memref<128x64xf32, #tpu.memory_space<vmem>>)
      %add3A_321 = arith.constant 6 : i32
      %add3A_322 = arith.addi %mul3A_184, %add3A_321 : i32
      %dma_start3A_323 = arith.constant 768 : i32
      %dma_start3A_324 = arith.constant 0 : i32
      %dma_start3A_325 = tpu.memref_slice %arg8[%dma_start3A_323, %dma_start3A_324] : memref<1024x64xf32, #tpu.memory_space<vmem>> -> memref<128x64xf32, #tpu.memory_space<vmem>>
      %dma_start3A_326 = arith.constant 0 : i32
      %dma_start3A_327 = tpu.memref_slice %arg7[%add3A_322, %dma_start3A_326] : memref<80x128xi32, #tpu.memory_space<vmem>> -> memref<1x128xi32, #tpu.memory_space<vmem>>
      %dma_start3A_328 = tpu.memref_squeeze %dma_start3A_327 : memref<1x128xi32, #tpu.memory_space<vmem>> -> memref<128xi32, #tpu.memory_space<vmem>>
      %dma_start3A_329 = arith.constant 0 : i32
      %dma_start3A_330 = arith.constant 0 : i32
      %dma_start3A_331 = tpu.memref_slice %arg25[%dma_start3A_329, %dma_start3A_330] : memref<10240x64xf32, #tpu.memory_space<vmem_shared>> -> memref<10240x64xf32, #tpu.memory_space<vmem_shared>>
      tpu.enqueue_indirect_dma source(%dma_start3A_325 : memref<128x64xf32, #tpu.memory_space<vmem>>) target(%dma_start3A_331 : memref<10240x64xf32, #tpu.memory_space<vmem_shared>>) offsets(%dma_start3A_328 : memref<128xi32, #tpu.memory_space<vmem>>) semaphore(%arg23 : memref<!tpu.dma_semaphore, #tpu.memory_space<semaphore_mem>>) {add = true}
      %dma_wait3A_332 = arith.constant 0 : i32
      %dma_wait3A_333 = arith.constant 896 : i32
      %dma_wait3A_334 = arith.constant 0 : i32
      %dma_wait3A_335 = tpu.memref_slice %arg8[%dma_wait3A_333, %dma_wait3A_334] : memref<1024x64xf32, #tpu.memory_space<vmem>> -> memref<128x64xf32, #tpu.memory_space<vmem>>
      %dma_wait3A_336 = arith.constant 0 : i32
      %dma_wait3A_337 = tpu.memref_slice %arg6[%dma_wait3A_332, %dma_wait3A_336] : memref<80x128xi32, #tpu.memory_space<vmem>> -> memref<1x128xi32, #tpu.memory_space<vmem>>
      %dma_wait3A_338 = tpu.memref_squeeze %dma_wait3A_337 : memref<1x128xi32, #tpu.memory_space<vmem>> -> memref<128xi32, #tpu.memory_space<vmem>>
      %dma_wait3A_339 = arith.constant 0 : i32
      %dma_wait3A_340 = arith.constant 0 : i32
      %dma_wait3A_341 = tpu.memref_slice %arg2[%dma_wait3A_339, %dma_wait3A_340] : memref<10240x64xf32, #tpu.memory_space<hbm>> -> memref<10240x64xf32, #tpu.memory_space<hbm>>
      tpu.wait_indirect_dma semaphore(%arg16 : memref<!tpu.dma_semaphore, #tpu.memory_space<semaphore_mem>>) src(%dma_wait3A_341 : memref<10240x64xf32, #tpu.memory_space<hbm>>) dst(%dma_wait3A_335 : memref<128x64xf32, #tpu.memory_space<vmem>>)
      %add3A_342 = arith.constant 7 : i32
      %add3A_343 = arith.addi %mul3A_184, %add3A_342 : i32
      %dma_start3A_344 = arith.constant 896 : i32
      %dma_start3A_345 = arith.constant 0 : i32
      %dma_start3A_346 = tpu.memref_slice %arg8[%dma_start3A_344, %dma_start3A_345] : memref<1024x64xf32, #tpu.memory_space<vmem>> -> memref<128x64xf32, #tpu.memory_space<vmem>>
      %dma_start3A_347 = arith.constant 0 : i32
      %dma_start3A_348 = tpu.memref_slice %arg7[%add3A_343, %dma_start3A_347] : memref<80x128xi32, #tpu.memory_space<vmem>> -> memref<1x128xi32, #tpu.memory_space<vmem>>
      %dma_start3A_349 = tpu.memref_squeeze %dma_start3A_348 : memref<1x128xi32, #tpu.memory_space<vmem>> -> memref<128xi32, #tpu.memory_space<vmem>>
      %dma_start3A_350 = arith.constant 0 : i32
      %dma_start3A_351 = arith.constant 0 : i32
      %dma_start3A_352 = tpu.memref_slice %arg25[%dma_start3A_350, %dma_start3A_351] : memref<10240x64xf32, #tpu.memory_space<vmem_shared>> -> memref<10240x64xf32, #tpu.memory_space<vmem_shared>>
      tpu.enqueue_indirect_dma source(%dma_start3A_346 : memref<128x64xf32, #tpu.memory_space<vmem>>) target(%dma_start3A_352 : memref<10240x64xf32, #tpu.memory_space<vmem_shared>>) offsets(%dma_start3A_349 : memref<128xi32, #tpu.memory_space<vmem>>) semaphore(%arg24 : memref<!tpu.dma_semaphore, #tpu.memory_space<semaphore_mem>>) {add = true}
      %lt3A = arith.constant 9 : i32
      %lt3A_353 = arith.cmpi slt, %add3A_182, %lt3A : i32
      %convert_element_type3A = arith.extui %lt3A_353 : i1 to i32
      %cond3A = arith.constant 0 : i32
      %cond3A_354 = arith.cmpi ne, %convert_element_type3A, %cond3A : i32
      scf.if %cond3A_354 {
        %dma_wait3A_390 = arith.constant 0 : i32
        %dma_wait3A_391 = arith.constant 0 : i32
        %dma_wait3A_392 = arith.constant 0 : i32
        %dma_wait3A_393 = tpu.memref_slice %arg8[%dma_wait3A_391, %dma_wait3A_392] : memref<1024x64xf32, #tpu.memory_space<vmem>> -> memref<128x64xf32, #tpu.memory_space<vmem>>
        %dma_wait3A_394 = arith.constant 0 : i32
        %dma_wait3A_395 = tpu.memref_slice %arg7[%dma_wait3A_390, %dma_wait3A_394] : memref<80x128xi32, #tpu.memory_space<vmem>> -> memref<1x128xi32, #tpu.memory_space<vmem>>
        %dma_wait3A_396 = tpu.memref_squeeze %dma_wait3A_395 : memref<1x128xi32, #tpu.memory_space<vmem>> -> memref<128xi32, #tpu.memory_space<vmem>>
        %dma_wait3A_397 = arith.constant 0 : i32
        %dma_wait3A_398 = arith.constant 0 : i32
        %dma_wait3A_399 = tpu.memref_slice %arg25[%dma_wait3A_397, %dma_wait3A_398] : memref<10240x64xf32, #tpu.memory_space<vmem_shared>> -> memref<10240x64xf32, #tpu.memory_space<vmem_shared>>
        tpu.wait_indirect_dma semaphore(%arg17 : memref<!tpu.dma_semaphore, #tpu.memory_space<semaphore_mem>>) src(%dma_wait3A_393 : memref<128x64xf32, #tpu.memory_space<vmem>>) dst(%dma_wait3A_399 : memref<10240x64xf32, #tpu.memory_space<vmem_shared>>)
        %add3A_400 = arith.constant 8 : i32
        %add3A_401 = arith.addi %mul3A_184, %add3A_400 : i32
        %add3A_402 = arith.constant 0 : i32
        %add3A_403 = arith.addi %add3A_401, %add3A_402 : i32
        %dma_start3A_404 = arith.constant 0 : i32
        %dma_start3A_405 = arith.constant 0 : i32
        %dma_start3A_406 = tpu.memref_slice %arg8[%dma_start3A_404, %dma_start3A_405] : memref<1024x64xf32, #tpu.memory_space<vmem>> -> memref<128x64xf32, #tpu.memory_space<vmem>>
        %dma_start3A_407 = arith.constant 0 : i32
        %dma_start3A_408 = tpu.memref_slice %arg6[%add3A_403, %dma_start3A_407] : memref<80x128xi32, #tpu.memory_space<vmem>> -> memref<1x128xi32, #tpu.memory_space<vmem>>
        %dma_start3A_409 = tpu.memref_squeeze %dma_start3A_408 : memref<1x128xi32, #tpu.memory_space<vmem>> -> memref<128xi32, #tpu.memory_space<vmem>>
        %dma_start3A_410 = arith.constant 0 : i32
        %dma_start3A_411 = arith.constant 0 : i32
        %dma_start3A_412 = tpu.memref_slice %arg2[%dma_start3A_410, %dma_start3A_411] : memref<10240x64xf32, #tpu.memory_space<hbm>> -> memref<10240x64xf32, #tpu.memory_space<hbm>>
        tpu.enqueue_indirect_dma source(%dma_start3A_412 : memref<10240x64xf32, #tpu.memory_space<hbm>>) target(%dma_start3A_406 : memref<128x64xf32, #tpu.memory_space<vmem>>) offsets(%dma_start3A_409 : memref<128xi32, #tpu.memory_space<vmem>>) semaphore(%arg9 : memref<!tpu.dma_semaphore, #tpu.memory_space<semaphore_mem>>)
      } else {
      }
      %lt3A_355 = arith.constant 9 : i32
      %lt3A_356 = arith.cmpi slt, %add3A_182, %lt3A_355 : i32
      %convert_element_type3A_357 = arith.extui %lt3A_356 : i1 to i32
      %cond3A_358 = arith.constant 0 : i32
      %cond3A_359 = arith.cmpi ne, %convert_element_type3A_357, %cond3A_358 : i32
      scf.if %cond3A_359 {
        %dma_wait3A_390 = arith.constant 0 : i32
        %dma_wait3A_391 = arith.constant 128 : i32
        %dma_wait3A_392 = arith.constant 0 : i32
        %dma_wait3A_393 = tpu.memref_slice %arg8[%dma_wait3A_391, %dma_wait3A_392] : memref<1024x64xf32, #tpu.memory_space<vmem>> -> memref<128x64xf32, #tpu.memory_space<vmem>>
        %dma_wait3A_394 = arith.constant 0 : i32
        %dma_wait3A_395 = tpu.memref_slice %arg7[%dma_wait3A_390, %dma_wait3A_394] : memref<80x128xi32, #tpu.memory_space<vmem>> -> memref<1x128xi32, #tpu.memory_space<vmem>>
        %dma_wait3A_396 = tpu.memref_squeeze %dma_wait3A_395 : memref<1x128xi32, #tpu.memory_space<vmem>> -> memref<128xi32, #tpu.memory_space<vmem>>
        %dma_wait3A_397 = arith.constant 0 : i32
        %dma_wait3A_398 = arith.constant 0 : i32
        %dma_wait3A_399 = tpu.memref_slice %arg25[%dma_wait3A_397, %dma_wait3A_398] : memref<10240x64xf32, #tpu.memory_space<vmem_shared>> -> memref<10240x64xf32, #tpu.memory_space<vmem_shared>>
        tpu.wait_indirect_dma semaphore(%arg18 : memref<!tpu.dma_semaphore, #tpu.memory_space<semaphore_mem>>) src(%dma_wait3A_393 : memref<128x64xf32, #tpu.memory_space<vmem>>) dst(%dma_wait3A_399 : memref<10240x64xf32, #tpu.memory_space<vmem_shared>>)
        %add3A_400 = arith.constant 8 : i32
        %add3A_401 = arith.addi %mul3A_184, %add3A_400 : i32
        %add3A_402 = arith.constant 1 : i32
        %add3A_403 = arith.addi %add3A_401, %add3A_402 : i32
        %dma_start3A_404 = arith.constant 128 : i32
        %dma_start3A_405 = arith.constant 0 : i32
        %dma_start3A_406 = tpu.memref_slice %arg8[%dma_start3A_404, %dma_start3A_405] : memref<1024x64xf32, #tpu.memory_space<vmem>> -> memref<128x64xf32, #tpu.memory_space<vmem>>
        %dma_start3A_407 = arith.constant 0 : i32
        %dma_start3A_408 = tpu.memref_slice %arg6[%add3A_403, %dma_start3A_407] : memref<80x128xi32, #tpu.memory_space<vmem>> -> memref<1x128xi32, #tpu.memory_space<vmem>>
        %dma_start3A_409 = tpu.memref_squeeze %dma_start3A_408 : memref<1x128xi32, #tpu.memory_space<vmem>> -> memref<128xi32, #tpu.memory_space<vmem>>
        %dma_start3A_410 = arith.constant 0 : i32
        %dma_start3A_411 = arith.constant 0 : i32
        %dma_start3A_412 = tpu.memref_slice %arg2[%dma_start3A_410, %dma_start3A_411] : memref<10240x64xf32, #tpu.memory_space<hbm>> -> memref<10240x64xf32, #tpu.memory_space<hbm>>
        tpu.enqueue_indirect_dma source(%dma_start3A_412 : memref<10240x64xf32, #tpu.memory_space<hbm>>) target(%dma_start3A_406 : memref<128x64xf32, #tpu.memory_space<vmem>>) offsets(%dma_start3A_409 : memref<128xi32, #tpu.memory_space<vmem>>) semaphore(%arg10 : memref<!tpu.dma_semaphore, #tpu.memory_space<semaphore_mem>>)
      } else {
      }
      %lt3A_360 = arith.constant 9 : i32
      %lt3A_361 = arith.cmpi slt, %add3A_182, %lt3A_360 : i32
      %convert_element_type3A_362 = arith.extui %lt3A_361 : i1 to i32
      %cond3A_363 = arith.constant 0 : i32
      %cond3A_364 = arith.cmpi ne, %convert_element_type3A_362, %cond3A_363 : i32
      scf.if %cond3A_364 {
        %dma_wait3A_390 = arith.constant 0 : i32
        %dma_wait3A_391 = arith.constant 256 : i32
        %dma_wait3A_392 = arith.constant 0 : i32
        %dma_wait3A_393 = tpu.memref_slice %arg8[%dma_wait3A_391, %dma_wait3A_392] : memref<1024x64xf32, #tpu.memory_space<vmem>> -> memref<128x64xf32, #tpu.memory_space<vmem>>
        %dma_wait3A_394 = arith.constant 0 : i32
        %dma_wait3A_395 = tpu.memref_slice %arg7[%dma_wait3A_390, %dma_wait3A_394] : memref<80x128xi32, #tpu.memory_space<vmem>> -> memref<1x128xi32, #tpu.memory_space<vmem>>
        %dma_wait3A_396 = tpu.memref_squeeze %dma_wait3A_395 : memref<1x128xi32, #tpu.memory_space<vmem>> -> memref<128xi32, #tpu.memory_space<vmem>>
        %dma_wait3A_397 = arith.constant 0 : i32
        %dma_wait3A_398 = arith.constant 0 : i32
        %dma_wait3A_399 = tpu.memref_slice %arg25[%dma_wait3A_397, %dma_wait3A_398] : memref<10240x64xf32, #tpu.memory_space<vmem_shared>> -> memref<10240x64xf32, #tpu.memory_space<vmem_shared>>
        tpu.wait_indirect_dma semaphore(%arg19 : memref<!tpu.dma_semaphore, #tpu.memory_space<semaphore_mem>>) src(%dma_wait3A_393 : memref<128x64xf32, #tpu.memory_space<vmem>>) dst(%dma_wait3A_399 : memref<10240x64xf32, #tpu.memory_space<vmem_shared>>)
        %add3A_400 = arith.constant 8 : i32
        %add3A_401 = arith.addi %mul3A_184, %add3A_400 : i32
        %add3A_402 = arith.constant 2 : i32
        %add3A_403 = arith.addi %add3A_401, %add3A_402 : i32
        %dma_start3A_404 = arith.constant 256 : i32
        %dma_start3A_405 = arith.constant 0 : i32
        %dma_start3A_406 = tpu.memref_slice %arg8[%dma_start3A_404, %dma_start3A_405] : memref<1024x64xf32, #tpu.memory_space<vmem>> -> memref<128x64xf32, #tpu.memory_space<vmem>>
        %dma_start3A_407 = arith.constant 0 : i32
        %dma_start3A_408 = tpu.memref_slice %arg6[%add3A_403, %dma_start3A_407] : memref<80x128xi32, #tpu.memory_space<vmem>> -> memref<1x128xi32, #tpu.memory_space<vmem>>
        %dma_start3A_409 = tpu.memref_squeeze %dma_start3A_408 : memref<1x128xi32, #tpu.memory_space<vmem>> -> memref<128xi32, #tpu.memory_space<vmem>>
        %dma_start3A_410 = arith.constant 0 : i32
        %dma_start3A_411 = arith.constant 0 : i32
        %dma_start3A_412 = tpu.memref_slice %arg2[%dma_start3A_410, %dma_start3A_411] : memref<10240x64xf32, #tpu.memory_space<hbm>> -> memref<10240x64xf32, #tpu.memory_space<hbm>>
        tpu.enqueue_indirect_dma source(%dma_start3A_412 : memref<10240x64xf32, #tpu.memory_space<hbm>>) target(%dma_start3A_406 : memref<128x64xf32, #tpu.memory_space<vmem>>) offsets(%dma_start3A_409 : memref<128xi32, #tpu.memory_space<vmem>>) semaphore(%arg11 : memref<!tpu.dma_semaphore, #tpu.memory_space<semaphore_mem>>)
      } else {
      }
      %lt3A_365 = arith.constant 9 : i32
      %lt3A_366 = arith.cmpi slt, %add3A_182, %lt3A_365 : i32
      %convert_element_type3A_367 = arith.extui %lt3A_366 : i1 to i32
      %cond3A_368 = arith.constant 0 : i32
      %cond3A_369 = arith.cmpi ne, %convert_element_type3A_367, %cond3A_368 : i32
      scf.if %cond3A_369 {
        %dma_wait3A_390 = arith.constant 0 : i32
        %dma_wait3A_391 = arith.constant 384 : i32
        %dma_wait3A_392 = arith.constant 0 : i32
        %dma_wait3A_393 = tpu.memref_slice %arg8[%dma_wait3A_391, %dma_wait3A_392] : memref<1024x64xf32, #tpu.memory_space<vmem>> -> memref<128x64xf32, #tpu.memory_space<vmem>>
        %dma_wait3A_394 = arith.constant 0 : i32
        %dma_wait3A_395 = tpu.memref_slice %arg7[%dma_wait3A_390, %dma_wait3A_394] : memref<80x128xi32, #tpu.memory_space<vmem>> -> memref<1x128xi32, #tpu.memory_space<vmem>>
        %dma_wait3A_396 = tpu.memref_squeeze %dma_wait3A_395 : memref<1x128xi32, #tpu.memory_space<vmem>> -> memref<128xi32, #tpu.memory_space<vmem>>
        %dma_wait3A_397 = arith.constant 0 : i32
        %dma_wait3A_398 = arith.constant 0 : i32
        %dma_wait3A_399 = tpu.memref_slice %arg25[%dma_wait3A_397, %dma_wait3A_398] : memref<10240x64xf32, #tpu.memory_space<vmem_shared>> -> memref<10240x64xf32, #tpu.memory_space<vmem_shared>>
        tpu.wait_indirect_dma semaphore(%arg20 : memref<!tpu.dma_semaphore, #tpu.memory_space<semaphore_mem>>) src(%dma_wait3A_393 : memref<128x64xf32, #tpu.memory_space<vmem>>) dst(%dma_wait3A_399 : memref<10240x64xf32, #tpu.memory_space<vmem_shared>>)
        %add3A_400 = arith.constant 8 : i32
        %add3A_401 = arith.addi %mul3A_184, %add3A_400 : i32
        %add3A_402 = arith.constant 3 : i32
        %add3A_403 = arith.addi %add3A_401, %add3A_402 : i32
        %dma_start3A_404 = arith.constant 384 : i32
        %dma_start3A_405 = arith.constant 0 : i32
        %dma_start3A_406 = tpu.memref_slice %arg8[%dma_start3A_404, %dma_start3A_405] : memref<1024x64xf32, #tpu.memory_space<vmem>> -> memref<128x64xf32, #tpu.memory_space<vmem>>
        %dma_start3A_407 = arith.constant 0 : i32
        %dma_start3A_408 = tpu.memref_slice %arg6[%add3A_403, %dma_start3A_407] : memref<80x128xi32, #tpu.memory_space<vmem>> -> memref<1x128xi32, #tpu.memory_space<vmem>>
        %dma_start3A_409 = tpu.memref_squeeze %dma_start3A_408 : memref<1x128xi32, #tpu.memory_space<vmem>> -> memref<128xi32, #tpu.memory_space<vmem>>
        %dma_start3A_410 = arith.constant 0 : i32
        %dma_start3A_411 = arith.constant 0 : i32
        %dma_start3A_412 = tpu.memref_slice %arg2[%dma_start3A_410, %dma_start3A_411] : memref<10240x64xf32, #tpu.memory_space<hbm>> -> memref<10240x64xf32, #tpu.memory_space<hbm>>
        tpu.enqueue_indirect_dma source(%dma_start3A_412 : memref<10240x64xf32, #tpu.memory_space<hbm>>) target(%dma_start3A_406 : memref<128x64xf32, #tpu.memory_space<vmem>>) offsets(%dma_start3A_409 : memref<128xi32, #tpu.memory_space<vmem>>) semaphore(%arg12 : memref<!tpu.dma_semaphore, #tpu.memory_space<semaphore_mem>>)
      } else {
      }
      %lt3A_370 = arith.constant 9 : i32
      %lt3A_371 = arith.cmpi slt, %add3A_182, %lt3A_370 : i32
      %convert_element_type3A_372 = arith.extui %lt3A_371 : i1 to i32
      %cond3A_373 = arith.constant 0 : i32
      %cond3A_374 = arith.cmpi ne, %convert_element_type3A_372, %cond3A_373 : i32
      scf.if %cond3A_374 {
        %dma_wait3A_390 = arith.constant 0 : i32
        %dma_wait3A_391 = arith.constant 512 : i32
        %dma_wait3A_392 = arith.constant 0 : i32
        %dma_wait3A_393 = tpu.memref_slice %arg8[%dma_wait3A_391, %dma_wait3A_392] : memref<1024x64xf32, #tpu.memory_space<vmem>> -> memref<128x64xf32, #tpu.memory_space<vmem>>
        %dma_wait3A_394 = arith.constant 0 : i32
        %dma_wait3A_395 = tpu.memref_slice %arg7[%dma_wait3A_390, %dma_wait3A_394] : memref<80x128xi32, #tpu.memory_space<vmem>> -> memref<1x128xi32, #tpu.memory_space<vmem>>
        %dma_wait3A_396 = tpu.memref_squeeze %dma_wait3A_395 : memref<1x128xi32, #tpu.memory_space<vmem>> -> memref<128xi32, #tpu.memory_space<vmem>>
        %dma_wait3A_397 = arith.constant 0 : i32
        %dma_wait3A_398 = arith.constant 0 : i32
        %dma_wait3A_399 = tpu.memref_slice %arg25[%dma_wait3A_397, %dma_wait3A_398] : memref<10240x64xf32, #tpu.memory_space<vmem_shared>> -> memref<10240x64xf32, #tpu.memory_space<vmem_shared>>
        tpu.wait_indirect_dma semaphore(%arg21 : memref<!tpu.dma_semaphore, #tpu.memory_space<semaphore_mem>>) src(%dma_wait3A_393 : memref<128x64xf32, #tpu.memory_space<vmem>>) dst(%dma_wait3A_399 : memref<10240x64xf32, #tpu.memory_space<vmem_shared>>)
        %add3A_400 = arith.constant 8 : i32
        %add3A_401 = arith.addi %mul3A_184, %add3A_400 : i32
        %add3A_402 = arith.constant 4 : i32
        %add3A_403 = arith.addi %add3A_401, %add3A_402 : i32
        %dma_start3A_404 = arith.constant 512 : i32
        %dma_start3A_405 = arith.constant 0 : i32
        %dma_start3A_406 = tpu.memref_slice %arg8[%dma_start3A_404, %dma_start3A_405] : memref<1024x64xf32, #tpu.memory_space<vmem>> -> memref<128x64xf32, #tpu.memory_space<vmem>>
        %dma_start3A_407 = arith.constant 0 : i32
        %dma_start3A_408 = tpu.memref_slice %arg6[%add3A_403, %dma_start3A_407] : memref<80x128xi32, #tpu.memory_space<vmem>> -> memref<1x128xi32, #tpu.memory_space<vmem>>
        %dma_start3A_409 = tpu.memref_squeeze %dma_start3A_408 : memref<1x128xi32, #tpu.memory_space<vmem>> -> memref<128xi32, #tpu.memory_space<vmem>>
        %dma_start3A_410 = arith.constant 0 : i32
        %dma_start3A_411 = arith.constant 0 : i32
        %dma_start3A_412 = tpu.memref_slice %arg2[%dma_start3A_410, %dma_start3A_411] : memref<10240x64xf32, #tpu.memory_space<hbm>> -> memref<10240x64xf32, #tpu.memory_space<hbm>>
        tpu.enqueue_indirect_dma source(%dma_start3A_412 : memref<10240x64xf32, #tpu.memory_space<hbm>>) target(%dma_start3A_406 : memref<128x64xf32, #tpu.memory_space<vmem>>) offsets(%dma_start3A_409 : memref<128xi32, #tpu.memory_space<vmem>>) semaphore(%arg13 : memref<!tpu.dma_semaphore, #tpu.memory_space<semaphore_mem>>)
      } else {
      }
      %lt3A_375 = arith.constant 9 : i32
      %lt3A_376 = arith.cmpi slt, %add3A_182, %lt3A_375 : i32
      %convert_element_type3A_377 = arith.extui %lt3A_376 : i1 to i32
      %cond3A_378 = arith.constant 0 : i32
      %cond3A_379 = arith.cmpi ne, %convert_element_type3A_377, %cond3A_378 : i32
      scf.if %cond3A_379 {
        %dma_wait3A_390 = arith.constant 0 : i32
        %dma_wait3A_391 = arith.constant 640 : i32
        %dma_wait3A_392 = arith.constant 0 : i32
        %dma_wait3A_393 = tpu.memref_slice %arg8[%dma_wait3A_391, %dma_wait3A_392] : memref<1024x64xf32, #tpu.memory_space<vmem>> -> memref<128x64xf32, #tpu.memory_space<vmem>>
        %dma_wait3A_394 = arith.constant 0 : i32
        %dma_wait3A_395 = tpu.memref_slice %arg7[%dma_wait3A_390, %dma_wait3A_394] : memref<80x128xi32, #tpu.memory_space<vmem>> -> memref<1x128xi32, #tpu.memory_space<vmem>>
        %dma_wait3A_396 = tpu.memref_squeeze %dma_wait3A_395 : memref<1x128xi32, #tpu.memory_space<vmem>> -> memref<128xi32, #tpu.memory_space<vmem>>
        %dma_wait3A_397 = arith.constant 0 : i32
        %dma_wait3A_398 = arith.constant 0 : i32
        %dma_wait3A_399 = tpu.memref_slice %arg25[%dma_wait3A_397, %dma_wait3A_398] : memref<10240x64xf32, #tpu.memory_space<vmem_shared>> -> memref<10240x64xf32, #tpu.memory_space<vmem_shared>>
        tpu.wait_indirect_dma semaphore(%arg22 : memref<!tpu.dma_semaphore, #tpu.memory_space<semaphore_mem>>) src(%dma_wait3A_393 : memref<128x64xf32, #tpu.memory_space<vmem>>) dst(%dma_wait3A_399 : memref<10240x64xf32, #tpu.memory_space<vmem_shared>>)
        %add3A_400 = arith.constant 8 : i32
        %add3A_401 = arith.addi %mul3A_184, %add3A_400 : i32
        %add3A_402 = arith.constant 5 : i32
        %add3A_403 = arith.addi %add3A_401, %add3A_402 : i32
        %dma_start3A_404 = arith.constant 640 : i32
        %dma_start3A_405 = arith.constant 0 : i32
        %dma_start3A_406 = tpu.memref_slice %arg8[%dma_start3A_404, %dma_start3A_405] : memref<1024x64xf32, #tpu.memory_space<vmem>> -> memref<128x64xf32, #tpu.memory_space<vmem>>
        %dma_start3A_407 = arith.constant 0 : i32
        %dma_start3A_408 = tpu.memref_slice %arg6[%add3A_403, %dma_start3A_407] : memref<80x128xi32, #tpu.memory_space<vmem>> -> memref<1x128xi32, #tpu.memory_space<vmem>>
        %dma_start3A_409 = tpu.memref_squeeze %dma_start3A_408 : memref<1x128xi32, #tpu.memory_space<vmem>> -> memref<128xi32, #tpu.memory_space<vmem>>
        %dma_start3A_410 = arith.constant 0 : i32
        %dma_start3A_411 = arith.constant 0 : i32
        %dma_start3A_412 = tpu.memref_slice %arg2[%dma_start3A_410, %dma_start3A_411] : memref<10240x64xf32, #tpu.memory_space<hbm>> -> memref<10240x64xf32, #tpu.memory_space<hbm>>
        tpu.enqueue_indirect_dma source(%dma_start3A_412 : memref<10240x64xf32, #tpu.memory_space<hbm>>) target(%dma_start3A_406 : memref<128x64xf32, #tpu.memory_space<vmem>>) offsets(%dma_start3A_409 : memref<128xi32, #tpu.memory_space<vmem>>) semaphore(%arg14 : memref<!tpu.dma_semaphore, #tpu.memory_space<semaphore_mem>>)
      } else {
      }
      %lt3A_380 = arith.constant 9 : i32
      %lt3A_381 = arith.cmpi slt, %add3A_182, %lt3A_380 : i32
      %convert_element_type3A_382 = arith.extui %lt3A_381 : i1 to i32
      %cond3A_383 = arith.constant 0 : i32
      %cond3A_384 = arith.cmpi ne, %convert_element_type3A_382, %cond3A_383 : i32
      scf.if %cond3A_384 {
        %dma_wait3A_390 = arith.constant 0 : i32
        %dma_wait3A_391 = arith.constant 768 : i32
        %dma_wait3A_392 = arith.constant 0 : i32
        %dma_wait3A_393 = tpu.memref_slice %arg8[%dma_wait3A_391, %dma_wait3A_392] : memref<1024x64xf32, #tpu.memory_space<vmem>> -> memref<128x64xf32, #tpu.memory_space<vmem>>
        %dma_wait3A_394 = arith.constant 0 : i32
        %dma_wait3A_395 = tpu.memref_slice %arg7[%dma_wait3A_390, %dma_wait3A_394] : memref<80x128xi32, #tpu.memory_space<vmem>> -> memref<1x128xi32, #tpu.memory_space<vmem>>
        %dma_wait3A_396 = tpu.memref_squeeze %dma_wait3A_395 : memref<1x128xi32, #tpu.memory_space<vmem>> -> memref<128xi32, #tpu.memory_space<vmem>>
        %dma_wait3A_397 = arith.constant 0 : i32
        %dma_wait3A_398 = arith.constant 0 : i32
        %dma_wait3A_399 = tpu.memref_slice %arg25[%dma_wait3A_397, %dma_wait3A_398] : memref<10240x64xf32, #tpu.memory_space<vmem_shared>> -> memref<10240x64xf32, #tpu.memory_space<vmem_shared>>
        tpu.wait_indirect_dma semaphore(%arg23 : memref<!tpu.dma_semaphore, #tpu.memory_space<semaphore_mem>>) src(%dma_wait3A_393 : memref<128x64xf32, #tpu.memory_space<vmem>>) dst(%dma_wait3A_399 : memref<10240x64xf32, #tpu.memory_space<vmem_shared>>)
        %add3A_400 = arith.constant 8 : i32
        %add3A_401 = arith.addi %mul3A_184, %add3A_400 : i32
        %add3A_402 = arith.constant 6 : i32
        %add3A_403 = arith.addi %add3A_401, %add3A_402 : i32
        %dma_start3A_404 = arith.constant 768 : i32
        %dma_start3A_405 = arith.constant 0 : i32
        %dma_start3A_406 = tpu.memref_slice %arg8[%dma_start3A_404, %dma_start3A_405] : memref<1024x64xf32, #tpu.memory_space<vmem>> -> memref<128x64xf32, #tpu.memory_space<vmem>>
        %dma_start3A_407 = arith.constant 0 : i32
        %dma_start3A_408 = tpu.memref_slice %arg6[%add3A_403, %dma_start3A_407] : memref<80x128xi32, #tpu.memory_space<vmem>> -> memref<1x128xi32, #tpu.memory_space<vmem>>
        %dma_start3A_409 = tpu.memref_squeeze %dma_start3A_408 : memref<1x128xi32, #tpu.memory_space<vmem>> -> memref<128xi32, #tpu.memory_space<vmem>>
        %dma_start3A_410 = arith.constant 0 : i32
        %dma_start3A_411 = arith.constant 0 : i32
        %dma_start3A_412 = tpu.memref_slice %arg2[%dma_start3A_410, %dma_start3A_411] : memref<10240x64xf32, #tpu.memory_space<hbm>> -> memref<10240x64xf32, #tpu.memory_space<hbm>>
        tpu.enqueue_indirect_dma source(%dma_start3A_412 : memref<10240x64xf32, #tpu.memory_space<hbm>>) target(%dma_start3A_406 : memref<128x64xf32, #tpu.memory_space<vmem>>) offsets(%dma_start3A_409 : memref<128xi32, #tpu.memory_space<vmem>>) semaphore(%arg15 : memref<!tpu.dma_semaphore, #tpu.memory_space<semaphore_mem>>)
      } else {
      }
      %lt3A_385 = arith.constant 9 : i32
      %lt3A_386 = arith.cmpi slt, %add3A_182, %lt3A_385 : i32
      %convert_element_type3A_387 = arith.extui %lt3A_386 : i1 to i32
      %cond3A_388 = arith.constant 0 : i32
      %cond3A_389 = arith.cmpi ne, %convert_element_type3A_387, %cond3A_388 : i32
      scf.if %cond3A_389 {
        %dma_wait3A_390 = arith.constant 0 : i32
        %dma_wait3A_391 = arith.constant 896 : i32
        %dma_wait3A_392 = arith.constant 0 : i32
        %dma_wait3A_393 = tpu.memref_slice %arg8[%dma_wait3A_391, %dma_wait3A_392] : memref<1024x64xf32, #tpu.memory_space<vmem>> -> memref<128x64xf32, #tpu.memory_space<vmem>>
        %dma_wait3A_394 = arith.constant 0 : i32
        %dma_wait3A_395 = tpu.memref_slice %arg7[%dma_wait3A_390, %dma_wait3A_394] : memref<80x128xi32, #tpu.memory_space<vmem>> -> memref<1x128xi32, #tpu.memory_space<vmem>>
        %dma_wait3A_396 = tpu.memref_squeeze %dma_wait3A_395 : memref<1x128xi32, #tpu.memory_space<vmem>> -> memref<128xi32, #tpu.memory_space<vmem>>
        %dma_wait3A_397 = arith.constant 0 : i32
        %dma_wait3A_398 = arith.constant 0 : i32
        %dma_wait3A_399 = tpu.memref_slice %arg25[%dma_wait3A_397, %dma_wait3A_398] : memref<10240x64xf32, #tpu.memory_space<vmem_shared>> -> memref<10240x64xf32, #tpu.memory_space<vmem_shared>>
        tpu.wait_indirect_dma semaphore(%arg24 : memref<!tpu.dma_semaphore, #tpu.memory_space<semaphore_mem>>) src(%dma_wait3A_393 : memref<128x64xf32, #tpu.memory_space<vmem>>) dst(%dma_wait3A_399 : memref<10240x64xf32, #tpu.memory_space<vmem_shared>>)
        %add3A_400 = arith.constant 8 : i32
        %add3A_401 = arith.addi %mul3A_184, %add3A_400 : i32
        %add3A_402 = arith.constant 7 : i32
        %add3A_403 = arith.addi %add3A_401, %add3A_402 : i32
        %dma_start3A_404 = arith.constant 896 : i32
        %dma_start3A_405 = arith.constant 0 : i32
        %dma_start3A_406 = tpu.memref_slice %arg8[%dma_start3A_404, %dma_start3A_405] : memref<1024x64xf32, #tpu.memory_space<vmem>> -> memref<128x64xf32, #tpu.memory_space<vmem>>
        %dma_start3A_407 = arith.constant 0 : i32
        %dma_start3A_408 = tpu.memref_slice %arg6[%add3A_403, %dma_start3A_407] : memref<80x128xi32, #tpu.memory_space<vmem>> -> memref<1x128xi32, #tpu.memory_space<vmem>>
        %dma_start3A_409 = tpu.memref_squeeze %dma_start3A_408 : memref<1x128xi32, #tpu.memory_space<vmem>> -> memref<128xi32, #tpu.memory_space<vmem>>
        %dma_start3A_410 = arith.constant 0 : i32
        %dma_start3A_411 = arith.constant 0 : i32
        %dma_start3A_412 = tpu.memref_slice %arg2[%dma_start3A_410, %dma_start3A_411] : memref<10240x64xf32, #tpu.memory_space<hbm>> -> memref<10240x64xf32, #tpu.memory_space<hbm>>
        tpu.enqueue_indirect_dma source(%dma_start3A_412 : memref<10240x64xf32, #tpu.memory_space<hbm>>) target(%dma_start3A_406 : memref<128x64xf32, #tpu.memory_space<vmem>>) offsets(%dma_start3A_409 : memref<128xi32, #tpu.memory_space<vmem>>) semaphore(%arg16 : memref<!tpu.dma_semaphore, #tpu.memory_space<semaphore_mem>>)
      } else {
      }
    }
    %scan3A_93 = arith.constant 10 : i32
    %dma_wait3A = arith.constant 0 : i32
    %dma_wait3A_94 = arith.constant 0 : i32
    %dma_wait3A_95 = arith.constant 0 : i32
    %dma_wait3A_96 = tpu.memref_slice %arg8[%dma_wait3A_94, %dma_wait3A_95] : memref<1024x64xf32, #tpu.memory_space<vmem>> -> memref<128x64xf32, #tpu.memory_space<vmem>>
    %dma_wait3A_97 = arith.constant 0 : i32
    %dma_wait3A_98 = tpu.memref_slice %arg7[%dma_wait3A, %dma_wait3A_97] : memref<80x128xi32, #tpu.memory_space<vmem>> -> memref<1x128xi32, #tpu.memory_space<vmem>>
    %dma_wait3A_99 = tpu.memref_squeeze %dma_wait3A_98 : memref<1x128xi32, #tpu.memory_space<vmem>> -> memref<128xi32, #tpu.memory_space<vmem>>
    %dma_wait3A_100 = arith.constant 0 : i32
    %dma_wait3A_101 = arith.constant 0 : i32
    %dma_wait3A_102 = tpu.memref_slice %arg25[%dma_wait3A_100, %dma_wait3A_101] : memref<10240x64xf32, #tpu.memory_space<vmem_shared>> -> memref<10240x64xf32, #tpu.memory_space<vmem_shared>>
    tpu.wait_indirect_dma semaphore(%arg17 : memref<!tpu.dma_semaphore, #tpu.memory_space<semaphore_mem>>) src(%dma_wait3A_96 : memref<128x64xf32, #tpu.memory_space<vmem>>) dst(%dma_wait3A_102 : memref<10240x64xf32, #tpu.memory_space<vmem_shared>>)
    %dma_wait3A_103 = arith.constant 0 : i32
    %dma_wait3A_104 = arith.constant 128 : i32
    %dma_wait3A_105 = arith.constant 0 : i32
    %dma_wait3A_106 = tpu.memref_slice %arg8[%dma_wait3A_104, %dma_wait3A_105] : memref<1024x64xf32, #tpu.memory_space<vmem>> -> memref<128x64xf32, #tpu.memory_space<vmem>>
    %dma_wait3A_107 = arith.constant 0 : i32
    %dma_wait3A_108 = tpu.memref_slice %arg7[%dma_wait3A_103, %dma_wait3A_107] : memref<80x128xi32, #tpu.memory_space<vmem>> -> memref<1x128xi32, #tpu.memory_space<vmem>>
    %dma_wait3A_109 = tpu.memref_squeeze %dma_wait3A_108 : memref<1x128xi32, #tpu.memory_space<vmem>> -> memref<128xi32, #tpu.memory_space<vmem>>
    %dma_wait3A_110 = arith.constant 0 : i32
    %dma_wait3A_111 = arith.constant 0 : i32
    %dma_wait3A_112 = tpu.memref_slice %arg25[%dma_wait3A_110, %dma_wait3A_111] : memref<10240x64xf32, #tpu.memory_space<vmem_shared>> -> memref<10240x64xf32, #tpu.memory_space<vmem_shared>>
    tpu.wait_indirect_dma semaphore(%arg18 : memref<!tpu.dma_semaphore, #tpu.memory_space<semaphore_mem>>) src(%dma_wait3A_106 : memref<128x64xf32, #tpu.memory_space<vmem>>) dst(%dma_wait3A_112 : memref<10240x64xf32, #tpu.memory_space<vmem_shared>>)
    %dma_wait3A_113 = arith.constant 0 : i32
    %dma_wait3A_114 = arith.constant 256 : i32
    %dma_wait3A_115 = arith.constant 0 : i32
    %dma_wait3A_116 = tpu.memref_slice %arg8[%dma_wait3A_114, %dma_wait3A_115] : memref<1024x64xf32, #tpu.memory_space<vmem>> -> memref<128x64xf32, #tpu.memory_space<vmem>>
    %dma_wait3A_117 = arith.constant 0 : i32
    %dma_wait3A_118 = tpu.memref_slice %arg7[%dma_wait3A_113, %dma_wait3A_117] : memref<80x128xi32, #tpu.memory_space<vmem>> -> memref<1x128xi32, #tpu.memory_space<vmem>>
    %dma_wait3A_119 = tpu.memref_squeeze %dma_wait3A_118 : memref<1x128xi32, #tpu.memory_space<vmem>> -> memref<128xi32, #tpu.memory_space<vmem>>
    %dma_wait3A_120 = arith.constant 0 : i32
    %dma_wait3A_121 = arith.constant 0 : i32
    %dma_wait3A_122 = tpu.memref_slice %arg25[%dma_wait3A_120, %dma_wait3A_121] : memref<10240x64xf32, #tpu.memory_space<vmem_shared>> -> memref<10240x64xf32, #tpu.memory_space<vmem_shared>>
    tpu.wait_indirect_dma semaphore(%arg19 : memref<!tpu.dma_semaphore, #tpu.memory_space<semaphore_mem>>) src(%dma_wait3A_116 : memref<128x64xf32, #tpu.memory_space<vmem>>) dst(%dma_wait3A_122 : memref<10240x64xf32, #tpu.memory_space<vmem_shared>>)
    %dma_wait3A_123 = arith.constant 0 : i32
    %dma_wait3A_124 = arith.constant 384 : i32
    %dma_wait3A_125 = arith.constant 0 : i32
    %dma_wait3A_126 = tpu.memref_slice %arg8[%dma_wait3A_124, %dma_wait3A_125] : memref<1024x64xf32, #tpu.memory_space<vmem>> -> memref<128x64xf32, #tpu.memory_space<vmem>>
    %dma_wait3A_127 = arith.constant 0 : i32
    %dma_wait3A_128 = tpu.memref_slice %arg7[%dma_wait3A_123, %dma_wait3A_127] : memref<80x128xi32, #tpu.memory_space<vmem>> -> memref<1x128xi32, #tpu.memory_space<vmem>>
    %dma_wait3A_129 = tpu.memref_squeeze %dma_wait3A_128 : memref<1x128xi32, #tpu.memory_space<vmem>> -> memref<128xi32, #tpu.memory_space<vmem>>
    %dma_wait3A_130 = arith.constant 0 : i32
    %dma_wait3A_131 = arith.constant 0 : i32
    %dma_wait3A_132 = tpu.memref_slice %arg25[%dma_wait3A_130, %dma_wait3A_131] : memref<10240x64xf32, #tpu.memory_space<vmem_shared>> -> memref<10240x64xf32, #tpu.memory_space<vmem_shared>>
    tpu.wait_indirect_dma semaphore(%arg20 : memref<!tpu.dma_semaphore, #tpu.memory_space<semaphore_mem>>) src(%dma_wait3A_126 : memref<128x64xf32, #tpu.memory_space<vmem>>) dst(%dma_wait3A_132 : memref<10240x64xf32, #tpu.memory_space<vmem_shared>>)
    %dma_wait3A_133 = arith.constant 0 : i32
    %dma_wait3A_134 = arith.constant 512 : i32
    %dma_wait3A_135 = arith.constant 0 : i32
    %dma_wait3A_136 = tpu.memref_slice %arg8[%dma_wait3A_134, %dma_wait3A_135] : memref<1024x64xf32, #tpu.memory_space<vmem>> -> memref<128x64xf32, #tpu.memory_space<vmem>>
    %dma_wait3A_137 = arith.constant 0 : i32
    %dma_wait3A_138 = tpu.memref_slice %arg7[%dma_wait3A_133, %dma_wait3A_137] : memref<80x128xi32, #tpu.memory_space<vmem>> -> memref<1x128xi32, #tpu.memory_space<vmem>>
    %dma_wait3A_139 = tpu.memref_squeeze %dma_wait3A_138 : memref<1x128xi32, #tpu.memory_space<vmem>> -> memref<128xi32, #tpu.memory_space<vmem>>
    %dma_wait3A_140 = arith.constant 0 : i32
    %dma_wait3A_141 = arith.constant 0 : i32
    %dma_wait3A_142 = tpu.memref_slice %arg25[%dma_wait3A_140, %dma_wait3A_141] : memref<10240x64xf32, #tpu.memory_space<vmem_shared>> -> memref<10240x64xf32, #tpu.memory_space<vmem_shared>>
    tpu.wait_indirect_dma semaphore(%arg21 : memref<!tpu.dma_semaphore, #tpu.memory_space<semaphore_mem>>) src(%dma_wait3A_136 : memref<128x64xf32, #tpu.memory_space<vmem>>) dst(%dma_wait3A_142 : memref<10240x64xf32, #tpu.memory_space<vmem_shared>>)
    %dma_wait3A_143 = arith.constant 0 : i32
    %dma_wait3A_144 = arith.constant 640 : i32
    %dma_wait3A_145 = arith.constant 0 : i32
    %dma_wait3A_146 = tpu.memref_slice %arg8[%dma_wait3A_144, %dma_wait3A_145] : memref<1024x64xf32, #tpu.memory_space<vmem>> -> memref<128x64xf32, #tpu.memory_space<vmem>>
    %dma_wait3A_147 = arith.constant 0 : i32
    %dma_wait3A_148 = tpu.memref_slice %arg7[%dma_wait3A_143, %dma_wait3A_147] : memref<80x128xi32, #tpu.memory_space<vmem>> -> memref<1x128xi32, #tpu.memory_space<vmem>>
    %dma_wait3A_149 = tpu.memref_squeeze %dma_wait3A_148 : memref<1x128xi32, #tpu.memory_space<vmem>> -> memref<128xi32, #tpu.memory_space<vmem>>
    %dma_wait3A_150 = arith.constant 0 : i32
    %dma_wait3A_151 = arith.constant 0 : i32
    %dma_wait3A_152 = tpu.memref_slice %arg25[%dma_wait3A_150, %dma_wait3A_151] : memref<10240x64xf32, #tpu.memory_space<vmem_shared>> -> memref<10240x64xf32, #tpu.memory_space<vmem_shared>>
    tpu.wait_indirect_dma semaphore(%arg22 : memref<!tpu.dma_semaphore, #tpu.memory_space<semaphore_mem>>) src(%dma_wait3A_146 : memref<128x64xf32, #tpu.memory_space<vmem>>) dst(%dma_wait3A_152 : memref<10240x64xf32, #tpu.memory_space<vmem_shared>>)
    %dma_wait3A_153 = arith.constant 0 : i32
    %dma_wait3A_154 = arith.constant 768 : i32
    %dma_wait3A_155 = arith.constant 0 : i32
    %dma_wait3A_156 = tpu.memref_slice %arg8[%dma_wait3A_154, %dma_wait3A_155] : memref<1024x64xf32, #tpu.memory_space<vmem>> -> memref<128x64xf32, #tpu.memory_space<vmem>>
    %dma_wait3A_157 = arith.constant 0 : i32
    %dma_wait3A_158 = tpu.memref_slice %arg7[%dma_wait3A_153, %dma_wait3A_157] : memref<80x128xi32, #tpu.memory_space<vmem>> -> memref<1x128xi32, #tpu.memory_space<vmem>>
    %dma_wait3A_159 = tpu.memref_squeeze %dma_wait3A_158 : memref<1x128xi32, #tpu.memory_space<vmem>> -> memref<128xi32, #tpu.memory_space<vmem>>
    %dma_wait3A_160 = arith.constant 0 : i32
    %dma_wait3A_161 = arith.constant 0 : i32
    %dma_wait3A_162 = tpu.memref_slice %arg25[%dma_wait3A_160, %dma_wait3A_161] : memref<10240x64xf32, #tpu.memory_space<vmem_shared>> -> memref<10240x64xf32, #tpu.memory_space<vmem_shared>>
    tpu.wait_indirect_dma semaphore(%arg23 : memref<!tpu.dma_semaphore, #tpu.memory_space<semaphore_mem>>) src(%dma_wait3A_156 : memref<128x64xf32, #tpu.memory_space<vmem>>) dst(%dma_wait3A_162 : memref<10240x64xf32, #tpu.memory_space<vmem_shared>>)
    %dma_wait3A_163 = arith.constant 0 : i32
    %dma_wait3A_164 = arith.constant 896 : i32
    %dma_wait3A_165 = arith.constant 0 : i32
    %dma_wait3A_166 = tpu.memref_slice %arg8[%dma_wait3A_164, %dma_wait3A_165] : memref<1024x64xf32, #tpu.memory_space<vmem>> -> memref<128x64xf32, #tpu.memory_space<vmem>>
    %dma_wait3A_167 = arith.constant 0 : i32
    %dma_wait3A_168 = tpu.memref_slice %arg7[%dma_wait3A_163, %dma_wait3A_167] : memref<80x128xi32, #tpu.memory_space<vmem>> -> memref<1x128xi32, #tpu.memory_space<vmem>>
    %dma_wait3A_169 = tpu.memref_squeeze %dma_wait3A_168 : memref<1x128xi32, #tpu.memory_space<vmem>> -> memref<128xi32, #tpu.memory_space<vmem>>
    %dma_wait3A_170 = arith.constant 0 : i32
    %dma_wait3A_171 = arith.constant 0 : i32
    %dma_wait3A_172 = tpu.memref_slice %arg25[%dma_wait3A_170, %dma_wait3A_171] : memref<10240x64xf32, #tpu.memory_space<vmem_shared>> -> memref<10240x64xf32, #tpu.memory_space<vmem_shared>>
    tpu.wait_indirect_dma semaphore(%arg24 : memref<!tpu.dma_semaphore, #tpu.memory_space<semaphore_mem>>) src(%dma_wait3A_166 : memref<128x64xf32, #tpu.memory_space<vmem>>) dst(%dma_wait3A_172 : memref<10240x64xf32, #tpu.memory_space<vmem_shared>>)
    %barrier3A_173 = arith.constant 0 : index
    tpu.barrier barrier_id(%barrier3A_173)
    %mul3A_174 = arith.constant 640 : i32
    %mul3A_175 = arith.muli %arg1, %mul3A_174 : i32
    %mul3A_176 = arith.constant 640 : i32
    %mul3A_177 = arith.muli %arg1, %mul3A_176 : i32
    "tpu.region"() ({
      %run_scoped3A = tpu.sem_alloc : memref<!tpu.dma_semaphore, #tpu.memory_space<semaphore_mem>>
      %dma_start3A_178 = arith.constant 0 : i32
      %dma_start3A_179 = arith.constant 0 : i32
      %dma_start3A_180 = tpu.memref_slice %arg5[%arg0, %dma_start3A_178, %dma_start3A_179] : memref<2x10240x64xf32, #tpu.memory_space<hbm>> -> memref<1x10240x64xf32, #tpu.memory_space<hbm>>
      %dma_start3A_181 = tpu.memref_squeeze %dma_start3A_180 : memref<1x10240x64xf32, #tpu.memory_space<hbm>> -> memref<10240x64xf32, #tpu.memory_space<hbm>>
      %dma_start3A_182 = arith.constant 0 : i32
      %dma_start3A_183 = tpu.memref_slice %dma_start3A_181[%mul3A_177, %dma_start3A_182] : memref<10240x64xf32, #tpu.memory_space<hbm>> -> memref<640x64xf32, #tpu.memory_space<hbm>>
      %dma_start3A_184 = arith.constant 0 : i32
      %dma_start3A_185 = tpu.memref_slice %arg25[%mul3A_175, %dma_start3A_184] : memref<10240x64xf32, #tpu.memory_space<vmem_shared>> -> memref<640x64xf32, #tpu.memory_space<vmem_shared>>
      tpu.enqueue_dma source(%dma_start3A_185 : memref<640x64xf32, #tpu.memory_space<vmem_shared>>) target(%dma_start3A_183 : memref<640x64xf32, #tpu.memory_space<hbm>>) target_semaphore(%run_scoped3A : memref<!tpu.dma_semaphore, #tpu.memory_space<semaphore_mem>>)
      %dma_wait3A_186 = arith.constant 0 : i32
      %dma_wait3A_187 = arith.constant 0 : i32
      %dma_wait3A_188 = tpu.memref_slice %arg5[%arg0, %dma_wait3A_186, %dma_wait3A_187] : memref<2x10240x64xf32, #tpu.memory_space<hbm>> -> memref<1x10240x64xf32, #tpu.memory_space<hbm>>
      %dma_wait3A_189 = tpu.memref_squeeze %dma_wait3A_188 : memref<1x10240x64xf32, #tpu.memory_space<hbm>> -> memref<10240x64xf32, #tpu.memory_space<hbm>>
      %dma_wait3A_190 = arith.constant 0 : i32
      %dma_wait3A_191 = tpu.memref_slice %dma_wait3A_189[%mul3A_177, %dma_wait3A_190] : memref<10240x64xf32, #tpu.memory_space<hbm>> -> memref<640x64xf32, #tpu.memory_space<hbm>>
      %dma_wait3A_192 = arith.constant 0 : i32
      %dma_wait3A_193 = tpu.memref_slice %arg25[%mul3A_175, %dma_wait3A_192] : memref<10240x64xf32, #tpu.memory_space<vmem_shared>> -> memref<640x64xf32, #tpu.memory_space<vmem_shared>>
      tpu.wait_dma2 semaphore(%run_scoped3A : memref<!tpu.dma_semaphore, #tpu.memory_space<semaphore_mem>>) src(%dma_wait3A_193 : memref<640x64xf32, #tpu.memory_space<vmem_shared>>) dst(%dma_wait3A_191 : memref<640x64xf32, #tpu.memory_space<hbm>>)
      tpu.yield
    }) : () -> ()
    return
  }
}

#map = affine_map<(d0, d1) -> (0, 0, 0)>
module attributes {stable_mosaic.version = 14 : i64} {
  func.func @_deg_kernel(%arg0: i32, %arg1: i32, %arg2: memref<32x80x128xi32, #tpu.memory_space<hbm>>, %arg3: memref<2x10240x16xf32, #tpu.memory_space<hbm>>, %arg4: memref<80x128xi32, #tpu.memory_space<vmem>>, %arg5: memref<128x16xf32, #tpu.memory_space<vmem>>, %arg6: memref<10240x16xf32, #tpu.memory_space<vmem_shared>>, %arg7: memref<!tpu.dma_semaphore, #tpu.memory_space<semaphore_mem>>) attributes {dimension_semantics = [#tpu.dimension_semantics<core_parallel>, #tpu.dimension_semantics<subcore_parallel>], iteration_bounds = array<i64: 2, 16>, scalar_prefetch = 0 : i64, scratch_operands = 4 : i64, tpu.core_type = #tpu.core_type<sc_vector_subcore>, window_params = [{transform_indices = #map}, {transform_indices = #map}]} {
    %mul3A = arith.constant 16 : i32
    %mul3A_0 = arith.muli %arg0, %mul3A : i32
    %add3A = arith.addi %mul3A_0, %arg1 : i32
    %scan3A = arith.constant 0 : i32
    %scan3A_1 = arith.constant 128 : i32
    %scan3A_2 = arith.addi %scan3A, %scan3A_1 : i32
    %scan3A_3 = arith.constant 1 : i32
    scf.for %scan3A_135 = %scan3A to %scan3A_2 step %scan3A_3  : i32 {
      %mul3A_136 = arith.constant 1 : i32
      %mul3A_137 = arith.muli %scan3A_135, %mul3A_136 : i32
      %add3A_138 = arith.constant 0 : i32
      %add3A_139 = arith.addi %add3A_138, %mul3A_137 : i32
      %broadcast_in_dim3A = arith.constant 0.000000e+00 : f32
      %broadcast_in_dim3A_140 = vector.broadcast %broadcast_in_dim3A : f32 to vector<16xf32>
      %swap3A = arith.index_cast %add3A_139 : i32 to index
      %swap3A_141 = arith.constant 0 : index
      %swap3A_142 = tpu.vector_load %arg5[%swap3A, %swap3A_141] {strides = array<i32>} : memref<128x16xf32, #tpu.memory_space<vmem>>, vector<1x16xf32>,
      %swap3A_143 = vector.shape_cast %swap3A_142 : vector<1x16xf32> to vector<16xf32>
      %swap3A_144 = vector.shape_cast %broadcast_in_dim3A_140 : vector<16xf32> to vector<1x16xf32>
      tpu.vector_store %arg5[%swap3A, %swap3A_141], %swap3A_144 {strides = array<i32>} : memref<128x16xf32, #tpu.memory_space<vmem>>, vector<1x16xf32>,
    }
    %scan3A_4 = arith.constant 128 : i32
    %scan3A_5 = arith.constant 0 : i32
    %scan3A_6 = arith.constant 5 : i32
    %scan3A_7 = arith.addi %scan3A_5, %scan3A_6 : i32
    %scan3A_8 = arith.constant 1 : i32
    scf.for %scan3A_135 = %scan3A_5 to %scan3A_7 step %scan3A_8  : i32 {
      %mul3A_136 = arith.constant 1 : i32
      %mul3A_137 = arith.muli %scan3A_135, %mul3A_136 : i32
      %add3A_138 = arith.constant 0 : i32
      %add3A_139 = arith.addi %add3A_138, %mul3A_137 : i32
      %mul3A_140 = arith.constant 640 : i32
      %mul3A_141 = arith.muli %arg1, %mul3A_140 : i32
      %mul3A_142 = arith.constant 128 : i32
      %mul3A_143 = arith.muli %add3A_139, %mul3A_142 : i32
      %add3A_144 = arith.addi %mul3A_141, %mul3A_143 : i32
      "tpu.region"() ({
        %run_scoped3A = tpu.sem_alloc : memref<!tpu.dma_semaphore, #tpu.memory_space<semaphore_mem>>
        %dma_start3A_145 = arith.constant 0 : i32
        %dma_start3A_146 = tpu.memref_slice %arg6[%add3A_144, %dma_start3A_145] : memref<10240x16xf32, #tpu.memory_space<vmem_shared>> -> memref<128x16xf32, #tpu.memory_space<vmem_shared>>
        %dma_start3A_147 = arith.constant 0 : i32
        %dma_start3A_148 = tpu.memref_slice %arg6[%add3A_144, %dma_start3A_147] : memref<10240x16xf32, #tpu.memory_space<vmem_shared>> -> memref<128x16xf32, #tpu.memory_space<vmem_shared>>
        tpu.enqueue_dma source(%arg5 : memref<128x16xf32, #tpu.memory_space<vmem>>) target(%dma_start3A_148 : memref<128x16xf32, #tpu.memory_space<vmem_shared>>) target_semaphore(%run_scoped3A : memref<!tpu.dma_semaphore, #tpu.memory_space<semaphore_mem>>)
        %dma_wait3A_149 = arith.constant 0 : i32
        %dma_wait3A_150 = tpu.memref_slice %arg6[%add3A_144, %dma_wait3A_149] : memref<10240x16xf32, #tpu.memory_space<vmem_shared>> -> memref<128x16xf32, #tpu.memory_space<vmem_shared>>
        %dma_wait3A_151 = arith.constant 0 : i32
        %dma_wait3A_152 = tpu.memref_slice %arg6[%add3A_144, %dma_wait3A_151] : memref<10240x16xf32, #tpu.memory_space<vmem_shared>> -> memref<128x16xf32, #tpu.memory_space<vmem_shared>>
        tpu.wait_dma2 semaphore(%run_scoped3A : memref<!tpu.dma_semaphore, #tpu.memory_space<semaphore_mem>>) src(%arg5 : memref<128x16xf32, #tpu.memory_space<vmem>>) dst(%dma_wait3A_152 : memref<128x16xf32, #tpu.memory_space<vmem_shared>>)
        tpu.yield
      }) : () -> ()
    }
    %scan3A_9 = arith.constant 5 : i32
    "tpu.region"() ({
      %run_scoped3A = tpu.sem_alloc : memref<!tpu.dma_semaphore, #tpu.memory_space<semaphore_mem>>
      %dma_start3A_135 = arith.constant 0 : i32
      %dma_start3A_136 = arith.constant 0 : i32
      %dma_start3A_137 = tpu.memref_slice %arg2[%add3A, %dma_start3A_135, %dma_start3A_136] : memref<32x80x128xi32, #tpu.memory_space<hbm>> -> memref<1x80x128xi32, #tpu.memory_space<hbm>>
      %dma_start3A_138 = tpu.memref_squeeze %dma_start3A_137 : memref<1x80x128xi32, #tpu.memory_space<hbm>> -> memref<80x128xi32, #tpu.memory_space<hbm>>
      %dma_start3A_139 = arith.constant 0 : i32
      %dma_start3A_140 = arith.constant 0 : i32
      %dma_start3A_141 = tpu.memref_slice %arg2[%add3A, %dma_start3A_139, %dma_start3A_140] : memref<32x80x128xi32, #tpu.memory_space<hbm>> -> memref<1x80x128xi32, #tpu.memory_space<hbm>>
      %dma_start3A_142 = tpu.memref_squeeze %dma_start3A_141 : memref<1x80x128xi32, #tpu.memory_space<hbm>> -> memref<80x128xi32, #tpu.memory_space<hbm>>
      tpu.enqueue_dma source(%dma_start3A_142 : memref<80x128xi32, #tpu.memory_space<hbm>>) target(%arg4 : memref<80x128xi32, #tpu.memory_space<vmem>>) target_semaphore(%run_scoped3A : memref<!tpu.dma_semaphore, #tpu.memory_space<semaphore_mem>>)
      %dma_wait3A_143 = arith.constant 0 : i32
      %dma_wait3A_144 = arith.constant 0 : i32
      %dma_wait3A_145 = tpu.memref_slice %arg2[%add3A, %dma_wait3A_143, %dma_wait3A_144] : memref<32x80x128xi32, #tpu.memory_space<hbm>> -> memref<1x80x128xi32, #tpu.memory_space<hbm>>
      %dma_wait3A_146 = tpu.memref_squeeze %dma_wait3A_145 : memref<1x80x128xi32, #tpu.memory_space<hbm>> -> memref<80x128xi32, #tpu.memory_space<hbm>>
      %dma_wait3A_147 = arith.constant 0 : i32
      %dma_wait3A_148 = arith.constant 0 : i32
      %dma_wait3A_149 = tpu.memref_slice %arg2[%add3A, %dma_wait3A_147, %dma_wait3A_148] : memref<32x80x128xi32, #tpu.memory_space<hbm>> -> memref<1x80x128xi32, #tpu.memory_space<hbm>>
      %dma_wait3A_150 = tpu.memref_squeeze %dma_wait3A_149 : memref<1x80x128xi32, #tpu.memory_space<hbm>> -> memref<80x128xi32, #tpu.memory_space<hbm>>
      tpu.wait_dma2 semaphore(%run_scoped3A : memref<!tpu.dma_semaphore, #tpu.memory_space<semaphore_mem>>) src(%dma_wait3A_150 : memref<80x128xi32, #tpu.memory_space<hbm>>) dst(%arg4 : memref<80x128xi32, #tpu.memory_space<vmem>>)
      tpu.yield
    }) : () -> ()
    %scan3A_10 = arith.constant 0 : i32
    %scan3A_11 = arith.constant 128 : i32
    %scan3A_12 = arith.addi %scan3A_10, %scan3A_11 : i32
    %scan3A_13 = arith.constant 1 : i32
    scf.for %scan3A_135 = %scan3A_10 to %scan3A_12 step %scan3A_13  : i32 {
      %mul3A_136 = arith.constant 1 : i32
      %mul3A_137 = arith.muli %scan3A_135, %mul3A_136 : i32
      %add3A_138 = arith.constant 0 : i32
      %add3A_139 = arith.addi %add3A_138, %mul3A_137 : i32
      %broadcast_in_dim3A = arith.constant 1.000000e+00 : f32
      %broadcast_in_dim3A_140 = vector.broadcast %broadcast_in_dim3A : f32 to vector<16xf32>
      %swap3A = arith.index_cast %add3A_139 : i32 to index
      %swap3A_141 = arith.constant 0 : index
      %swap3A_142 = tpu.vector_load %arg5[%swap3A, %swap3A_141] {strides = array<i32>} : memref<128x16xf32, #tpu.memory_space<vmem>>, vector<1x16xf32>,
      %swap3A_143 = vector.shape_cast %swap3A_142 : vector<1x16xf32> to vector<16xf32>
      %swap3A_144 = vector.shape_cast %broadcast_in_dim3A_140 : vector<16xf32> to vector<1x16xf32>
      tpu.vector_store %arg5[%swap3A, %swap3A_141], %swap3A_144 {strides = array<i32>} : memref<128x16xf32, #tpu.memory_space<vmem>>, vector<1x16xf32>,
    }
    %scan3A_14 = arith.constant 128 : i32
    %barrier3A = arith.constant 0 : index
    tpu.barrier barrier_id(%barrier3A)
    %dma_start3A = arith.constant 0 : i32
    %dma_start3A_15 = arith.constant 0 : i32
    %dma_start3A_16 = tpu.memref_slice %arg4[%dma_start3A, %dma_start3A_15] : memref<80x128xi32, #tpu.memory_space<vmem>> -> memref<1x128xi32, #tpu.memory_space<vmem>>
    %dma_start3A_17 = tpu.memref_squeeze %dma_start3A_16 : memref<1x128xi32, #tpu.memory_space<vmem>> -> memref<128xi32, #tpu.memory_space<vmem>>
    %dma_start3A_18 = arith.constant 0 : i32
    %dma_start3A_19 = arith.constant 0 : i32
    %dma_start3A_20 = tpu.memref_slice %arg6[%dma_start3A_18, %dma_start3A_19] : memref<10240x16xf32, #tpu.memory_space<vmem_shared>> -> memref<10240x16xf32, #tpu.memory_space<vmem_shared>>
    tpu.enqueue_indirect_dma source(%arg5 : memref<128x16xf32, #tpu.memory_space<vmem>>) target(%dma_start3A_20 : memref<10240x16xf32, #tpu.memory_space<vmem_shared>>) offsets(%dma_start3A_17 : memref<128xi32, #tpu.memory_space<vmem>>) semaphore(%arg7 : memref<!tpu.dma_semaphore, #tpu.memory_space<semaphore_mem>>) {add = true}
    %dma_start3A_21 = arith.constant 1 : i32
    %dma_start3A_22 = arith.constant 0 : i32
    %dma_start3A_23 = tpu.memref_slice %arg4[%dma_start3A_21, %dma_start3A_22] : memref<80x128xi32, #tpu.memory_space<vmem>> -> memref<1x128xi32, #tpu.memory_space<vmem>>
    %dma_start3A_24 = tpu.memref_squeeze %dma_start3A_23 : memref<1x128xi32, #tpu.memory_space<vmem>> -> memref<128xi32, #tpu.memory_space<vmem>>
    %dma_start3A_25 = arith.constant 0 : i32
    %dma_start3A_26 = arith.constant 0 : i32
    %dma_start3A_27 = tpu.memref_slice %arg6[%dma_start3A_25, %dma_start3A_26] : memref<10240x16xf32, #tpu.memory_space<vmem_shared>> -> memref<10240x16xf32, #tpu.memory_space<vmem_shared>>
    tpu.enqueue_indirect_dma source(%arg5 : memref<128x16xf32, #tpu.memory_space<vmem>>) target(%dma_start3A_27 : memref<10240x16xf32, #tpu.memory_space<vmem_shared>>) offsets(%dma_start3A_24 : memref<128xi32, #tpu.memory_space<vmem>>) semaphore(%arg7 : memref<!tpu.dma_semaphore, #tpu.memory_space<semaphore_mem>>) {add = true}
    %dma_start3A_28 = arith.constant 2 : i32
    %dma_start3A_29 = arith.constant 0 : i32
    %dma_start3A_30 = tpu.memref_slice %arg4[%dma_start3A_28, %dma_start3A_29] : memref<80x128xi32, #tpu.memory_space<vmem>> -> memref<1x128xi32, #tpu.memory_space<vmem>>
    %dma_start3A_31 = tpu.memref_squeeze %dma_start3A_30 : memref<1x128xi32, #tpu.memory_space<vmem>> -> memref<128xi32, #tpu.memory_space<vmem>>
    %dma_start3A_32 = arith.constant 0 : i32
    %dma_start3A_33 = arith.constant 0 : i32
    %dma_start3A_34 = tpu.memref_slice %arg6[%dma_start3A_32, %dma_start3A_33] : memref<10240x16xf32, #tpu.memory_space<vmem_shared>> -> memref<10240x16xf32, #tpu.memory_space<vmem_shared>>
    tpu.enqueue_indirect_dma source(%arg5 : memref<128x16xf32, #tpu.memory_space<vmem>>) target(%dma_start3A_34 : memref<10240x16xf32, #tpu.memory_space<vmem_shared>>) offsets(%dma_start3A_31 : memref<128xi32, #tpu.memory_space<vmem>>) semaphore(%arg7 : memref<!tpu.dma_semaphore, #tpu.memory_space<semaphore_mem>>) {add = true}
    %dma_start3A_35 = arith.constant 3 : i32
    %dma_start3A_36 = arith.constant 0 : i32
    %dma_start3A_37 = tpu.memref_slice %arg4[%dma_start3A_35, %dma_start3A_36] : memref<80x128xi32, #tpu.memory_space<vmem>> -> memref<1x128xi32, #tpu.memory_space<vmem>>
    %dma_start3A_38 = tpu.memref_squeeze %dma_start3A_37 : memref<1x128xi32, #tpu.memory_space<vmem>> -> memref<128xi32, #tpu.memory_space<vmem>>
    %dma_start3A_39 = arith.constant 0 : i32
    %dma_start3A_40 = arith.constant 0 : i32
    %dma_start3A_41 = tpu.memref_slice %arg6[%dma_start3A_39, %dma_start3A_40] : memref<10240x16xf32, #tpu.memory_space<vmem_shared>> -> memref<10240x16xf32, #tpu.memory_space<vmem_shared>>
    tpu.enqueue_indirect_dma source(%arg5 : memref<128x16xf32, #tpu.memory_space<vmem>>) target(%dma_start3A_41 : memref<10240x16xf32, #tpu.memory_space<vmem_shared>>) offsets(%dma_start3A_38 : memref<128xi32, #tpu.memory_space<vmem>>) semaphore(%arg7 : memref<!tpu.dma_semaphore, #tpu.memory_space<semaphore_mem>>) {add = true}
    %dma_start3A_42 = arith.constant 4 : i32
    %dma_start3A_43 = arith.constant 0 : i32
    %dma_start3A_44 = tpu.memref_slice %arg4[%dma_start3A_42, %dma_start3A_43] : memref<80x128xi32, #tpu.memory_space<vmem>> -> memref<1x128xi32, #tpu.memory_space<vmem>>
    %dma_start3A_45 = tpu.memref_squeeze %dma_start3A_44 : memref<1x128xi32, #tpu.memory_space<vmem>> -> memref<128xi32, #tpu.memory_space<vmem>>
    %dma_start3A_46 = arith.constant 0 : i32
    %dma_start3A_47 = arith.constant 0 : i32
    %dma_start3A_48 = tpu.memref_slice %arg6[%dma_start3A_46, %dma_start3A_47] : memref<10240x16xf32, #tpu.memory_space<vmem_shared>> -> memref<10240x16xf32, #tpu.memory_space<vmem_shared>>
    tpu.enqueue_indirect_dma source(%arg5 : memref<128x16xf32, #tpu.memory_space<vmem>>) target(%dma_start3A_48 : memref<10240x16xf32, #tpu.memory_space<vmem_shared>>) offsets(%dma_start3A_45 : memref<128xi32, #tpu.memory_space<vmem>>) semaphore(%arg7 : memref<!tpu.dma_semaphore, #tpu.memory_space<semaphore_mem>>) {add = true}
    %dma_start3A_49 = arith.constant 5 : i32
    %dma_start3A_50 = arith.constant 0 : i32
    %dma_start3A_51 = tpu.memref_slice %arg4[%dma_start3A_49, %dma_start3A_50] : memref<80x128xi32, #tpu.memory_space<vmem>> -> memref<1x128xi32, #tpu.memory_space<vmem>>
    %dma_start3A_52 = tpu.memref_squeeze %dma_start3A_51 : memref<1x128xi32, #tpu.memory_space<vmem>> -> memref<128xi32, #tpu.memory_space<vmem>>
    %dma_start3A_53 = arith.constant 0 : i32
    %dma_start3A_54 = arith.constant 0 : i32
    %dma_start3A_55 = tpu.memref_slice %arg6[%dma_start3A_53, %dma_start3A_54] : memref<10240x16xf32, #tpu.memory_space<vmem_shared>> -> memref<10240x16xf32, #tpu.memory_space<vmem_shared>>
    tpu.enqueue_indirect_dma source(%arg5 : memref<128x16xf32, #tpu.memory_space<vmem>>) target(%dma_start3A_55 : memref<10240x16xf32, #tpu.memory_space<vmem_shared>>) offsets(%dma_start3A_52 : memref<128xi32, #tpu.memory_space<vmem>>) semaphore(%arg7 : memref<!tpu.dma_semaphore, #tpu.memory_space<semaphore_mem>>) {add = true}
    %dma_start3A_56 = arith.constant 6 : i32
    %dma_start3A_57 = arith.constant 0 : i32
    %dma_start3A_58 = tpu.memref_slice %arg4[%dma_start3A_56, %dma_start3A_57] : memref<80x128xi32, #tpu.memory_space<vmem>> -> memref<1x128xi32, #tpu.memory_space<vmem>>
    %dma_start3A_59 = tpu.memref_squeeze %dma_start3A_58 : memref<1x128xi32, #tpu.memory_space<vmem>> -> memref<128xi32, #tpu.memory_space<vmem>>
    %dma_start3A_60 = arith.constant 0 : i32
    %dma_start3A_61 = arith.constant 0 : i32
    %dma_start3A_62 = tpu.memref_slice %arg6[%dma_start3A_60, %dma_start3A_61] : memref<10240x16xf32, #tpu.memory_space<vmem_shared>> -> memref<10240x16xf32, #tpu.memory_space<vmem_shared>>
    tpu.enqueue_indirect_dma source(%arg5 : memref<128x16xf32, #tpu.memory_space<vmem>>) target(%dma_start3A_62 : memref<10240x16xf32, #tpu.memory_space<vmem_shared>>) offsets(%dma_start3A_59 : memref<128xi32, #tpu.memory_space<vmem>>) semaphore(%arg7 : memref<!tpu.dma_semaphore, #tpu.memory_space<semaphore_mem>>) {add = true}
    %dma_start3A_63 = arith.constant 7 : i32
    %dma_start3A_64 = arith.constant 0 : i32
    %dma_start3A_65 = tpu.memref_slice %arg4[%dma_start3A_63, %dma_start3A_64] : memref<80x128xi32, #tpu.memory_space<vmem>> -> memref<1x128xi32, #tpu.memory_space<vmem>>
    %dma_start3A_66 = tpu.memref_squeeze %dma_start3A_65 : memref<1x128xi32, #tpu.memory_space<vmem>> -> memref<128xi32, #tpu.memory_space<vmem>>
    %dma_start3A_67 = arith.constant 0 : i32
    %dma_start3A_68 = arith.constant 0 : i32
    %dma_start3A_69 = tpu.memref_slice %arg6[%dma_start3A_67, %dma_start3A_68] : memref<10240x16xf32, #tpu.memory_space<vmem_shared>> -> memref<10240x16xf32, #tpu.memory_space<vmem_shared>>
    tpu.enqueue_indirect_dma source(%arg5 : memref<128x16xf32, #tpu.memory_space<vmem>>) target(%dma_start3A_69 : memref<10240x16xf32, #tpu.memory_space<vmem_shared>>) offsets(%dma_start3A_66 : memref<128xi32, #tpu.memory_space<vmem>>) semaphore(%arg7 : memref<!tpu.dma_semaphore, #tpu.memory_space<semaphore_mem>>) {add = true}
    %scan3A_70 = arith.constant 0 : i32
    %scan3A_71 = arith.constant 72 : i32
    %scan3A_72 = arith.addi %scan3A_70, %scan3A_71 : i32
    %scan3A_73 = arith.constant 1 : i32
    scf.for %scan3A_135 = %scan3A_70 to %scan3A_72 step %scan3A_73  : i32 {
      %mul3A_136 = arith.constant 1 : i32
      %mul3A_137 = arith.muli %scan3A_135, %mul3A_136 : i32
      %add3A_138 = arith.constant 8 : i32
      %add3A_139 = arith.addi %add3A_138, %mul3A_137 : i32
      %dma_wait3A_140 = arith.constant 0 : i32
      %dma_wait3A_141 = arith.constant 0 : i32
      %dma_wait3A_142 = tpu.memref_slice %arg4[%dma_wait3A_140, %dma_wait3A_141] : memref<80x128xi32, #tpu.memory_space<vmem>> -> memref<1x128xi32, #tpu.memory_space<vmem>>
      %dma_wait3A_143 = tpu.memref_squeeze %dma_wait3A_142 : memref<1x128xi32, #tpu.memory_space<vmem>> -> memref<128xi32, #tpu.memory_space<vmem>>
      %dma_wait3A_144 = arith.constant 0 : i32
      %dma_wait3A_145 = arith.constant 0 : i32
      %dma_wait3A_146 = tpu.memref_slice %arg6[%dma_wait3A_144, %dma_wait3A_145] : memref<10240x16xf32, #tpu.memory_space<vmem_shared>> -> memref<10240x16xf32, #tpu.memory_space<vmem_shared>>
      tpu.wait_indirect_dma semaphore(%arg7 : memref<!tpu.dma_semaphore, #tpu.memory_space<semaphore_mem>>) src(%arg5 : memref<128x16xf32, #tpu.memory_space<vmem>>) dst(%dma_wait3A_146 : memref<10240x16xf32, #tpu.memory_space<vmem_shared>>)
      %dma_start3A_147 = arith.constant 0 : i32
      %dma_start3A_148 = tpu.memref_slice %arg4[%add3A_139, %dma_start3A_147] : memref<80x128xi32, #tpu.memory_space<vmem>> -> memref<1x128xi32, #tpu.memory_space<vmem>>
      %dma_start3A_149 = tpu.memref_squeeze %dma_start3A_148 : memref<1x128xi32, #tpu.memory_space<vmem>> -> memref<128xi32, #tpu.memory_space<vmem>>
      %dma_start3A_150 = arith.constant 0 : i32
      %dma_start3A_151 = arith.constant 0 : i32
      %dma_start3A_152 = tpu.memref_slice %arg6[%dma_start3A_150, %dma_start3A_151] : memref<10240x16xf32, #tpu.memory_space<vmem_shared>> -> memref<10240x16xf32, #tpu.memory_space<vmem_shared>>
      tpu.enqueue_indirect_dma source(%arg5 : memref<128x16xf32, #tpu.memory_space<vmem>>) target(%dma_start3A_152 : memref<10240x16xf32, #tpu.memory_space<vmem_shared>>) offsets(%dma_start3A_149 : memref<128xi32, #tpu.memory_space<vmem>>) semaphore(%arg7 : memref<!tpu.dma_semaphore, #tpu.memory_space<semaphore_mem>>) {add = true}
    }
    %scan3A_74 = arith.constant 72 : i32
    %dma_wait3A = arith.constant 0 : i32
    %dma_wait3A_75 = arith.constant 0 : i32
    %dma_wait3A_76 = tpu.memref_slice %arg4[%dma_wait3A, %dma_wait3A_75] : memref<80x128xi32, #tpu.memory_space<vmem>> -> memref<1x128xi32, #tpu.memory_space<vmem>>
    %dma_wait3A_77 = tpu.memref_squeeze %dma_wait3A_76 : memref<1x128xi32, #tpu.memory_space<vmem>> -> memref<128xi32, #tpu.memory_space<vmem>>
    %dma_wait3A_78 = arith.constant 0 : i32
    %dma_wait3A_79 = arith.constant 0 : i32
    %dma_wait3A_80 = tpu.memref_slice %arg6[%dma_wait3A_78, %dma_wait3A_79] : memref<10240x16xf32, #tpu.memory_space<vmem_shared>> -> memref<10240x16xf32, #tpu.memory_space<vmem_shared>>
    tpu.wait_indirect_dma semaphore(%arg7 : memref<!tpu.dma_semaphore, #tpu.memory_space<semaphore_mem>>) src(%arg5 : memref<128x16xf32, #tpu.memory_space<vmem>>) dst(%dma_wait3A_80 : memref<10240x16xf32, #tpu.memory_space<vmem_shared>>)
    %dma_wait3A_81 = arith.constant 0 : i32
    %dma_wait3A_82 = arith.constant 0 : i32
    %dma_wait3A_83 = tpu.memref_slice %arg4[%dma_wait3A_81, %dma_wait3A_82] : memref<80x128xi32, #tpu.memory_space<vmem>> -> memref<1x128xi32, #tpu.memory_space<vmem>>
    %dma_wait3A_84 = tpu.memref_squeeze %dma_wait3A_83 : memref<1x128xi32, #tpu.memory_space<vmem>> -> memref<128xi32, #tpu.memory_space<vmem>>
    %dma_wait3A_85 = arith.constant 0 : i32
    %dma_wait3A_86 = arith.constant 0 : i32
    %dma_wait3A_87 = tpu.memref_slice %arg6[%dma_wait3A_85, %dma_wait3A_86] : memref<10240x16xf32, #tpu.memory_space<vmem_shared>> -> memref<10240x16xf32, #tpu.memory_space<vmem_shared>>
    tpu.wait_indirect_dma semaphore(%arg7 : memref<!tpu.dma_semaphore, #tpu.memory_space<semaphore_mem>>) src(%arg5 : memref<128x16xf32, #tpu.memory_space<vmem>>) dst(%dma_wait3A_87 : memref<10240x16xf32, #tpu.memory_space<vmem_shared>>)
    %dma_wait3A_88 = arith.constant 0 : i32
    %dma_wait3A_89 = arith.constant 0 : i32
    %dma_wait3A_90 = tpu.memref_slice %arg4[%dma_wait3A_88, %dma_wait3A_89] : memref<80x128xi32, #tpu.memory_space<vmem>> -> memref<1x128xi32, #tpu.memory_space<vmem>>
    %dma_wait3A_91 = tpu.memref_squeeze %dma_wait3A_90 : memref<1x128xi32, #tpu.memory_space<vmem>> -> memref<128xi32, #tpu.memory_space<vmem>>
    %dma_wait3A_92 = arith.constant 0 : i32
    %dma_wait3A_93 = arith.constant 0 : i32
    %dma_wait3A_94 = tpu.memref_slice %arg6[%dma_wait3A_92, %dma_wait3A_93] : memref<10240x16xf32, #tpu.memory_space<vmem_shared>> -> memref<10240x16xf32, #tpu.memory_space<vmem_shared>>
    tpu.wait_indirect_dma semaphore(%arg7 : memref<!tpu.dma_semaphore, #tpu.memory_space<semaphore_mem>>) src(%arg5 : memref<128x16xf32, #tpu.memory_space<vmem>>) dst(%dma_wait3A_94 : memref<10240x16xf32, #tpu.memory_space<vmem_shared>>)
    %dma_wait3A_95 = arith.constant 0 : i32
    %dma_wait3A_96 = arith.constant 0 : i32
    %dma_wait3A_97 = tpu.memref_slice %arg4[%dma_wait3A_95, %dma_wait3A_96] : memref<80x128xi32, #tpu.memory_space<vmem>> -> memref<1x128xi32, #tpu.memory_space<vmem>>
    %dma_wait3A_98 = tpu.memref_squeeze %dma_wait3A_97 : memref<1x128xi32, #tpu.memory_space<vmem>> -> memref<128xi32, #tpu.memory_space<vmem>>
    %dma_wait3A_99 = arith.constant 0 : i32
    %dma_wait3A_100 = arith.constant 0 : i32
    %dma_wait3A_101 = tpu.memref_slice %arg6[%dma_wait3A_99, %dma_wait3A_100] : memref<10240x16xf32, #tpu.memory_space<vmem_shared>> -> memref<10240x16xf32, #tpu.memory_space<vmem_shared>>
    tpu.wait_indirect_dma semaphore(%arg7 : memref<!tpu.dma_semaphore, #tpu.memory_space<semaphore_mem>>) src(%arg5 : memref<128x16xf32, #tpu.memory_space<vmem>>) dst(%dma_wait3A_101 : memref<10240x16xf32, #tpu.memory_space<vmem_shared>>)
    %dma_wait3A_102 = arith.constant 0 : i32
    %dma_wait3A_103 = arith.constant 0 : i32
    %dma_wait3A_104 = tpu.memref_slice %arg4[%dma_wait3A_102, %dma_wait3A_103] : memref<80x128xi32, #tpu.memory_space<vmem>> -> memref<1x128xi32, #tpu.memory_space<vmem>>
    %dma_wait3A_105 = tpu.memref_squeeze %dma_wait3A_104 : memref<1x128xi32, #tpu.memory_space<vmem>> -> memref<128xi32, #tpu.memory_space<vmem>>
    %dma_wait3A_106 = arith.constant 0 : i32
    %dma_wait3A_107 = arith.constant 0 : i32
    %dma_wait3A_108 = tpu.memref_slice %arg6[%dma_wait3A_106, %dma_wait3A_107] : memref<10240x16xf32, #tpu.memory_space<vmem_shared>> -> memref<10240x16xf32, #tpu.memory_space<vmem_shared>>
    tpu.wait_indirect_dma semaphore(%arg7 : memref<!tpu.dma_semaphore, #tpu.memory_space<semaphore_mem>>) src(%arg5 : memref<128x16xf32, #tpu.memory_space<vmem>>) dst(%dma_wait3A_108 : memref<10240x16xf32, #tpu.memory_space<vmem_shared>>)
    %dma_wait3A_109 = arith.constant 0 : i32
    %dma_wait3A_110 = arith.constant 0 : i32
    %dma_wait3A_111 = tpu.memref_slice %arg4[%dma_wait3A_109, %dma_wait3A_110] : memref<80x128xi32, #tpu.memory_space<vmem>> -> memref<1x128xi32, #tpu.memory_space<vmem>>
    %dma_wait3A_112 = tpu.memref_squeeze %dma_wait3A_111 : memref<1x128xi32, #tpu.memory_space<vmem>> -> memref<128xi32, #tpu.memory_space<vmem>>
    %dma_wait3A_113 = arith.constant 0 : i32
    %dma_wait3A_114 = arith.constant 0 : i32
    %dma_wait3A_115 = tpu.memref_slice %arg6[%dma_wait3A_113, %dma_wait3A_114] : memref<10240x16xf32, #tpu.memory_space<vmem_shared>> -> memref<10240x16xf32, #tpu.memory_space<vmem_shared>>
    tpu.wait_indirect_dma semaphore(%arg7 : memref<!tpu.dma_semaphore, #tpu.memory_space<semaphore_mem>>) src(%arg5 : memref<128x16xf32, #tpu.memory_space<vmem>>) dst(%dma_wait3A_115 : memref<10240x16xf32, #tpu.memory_space<vmem_shared>>)
    %dma_wait3A_116 = arith.constant 0 : i32
    %dma_wait3A_117 = arith.constant 0 : i32
    %dma_wait3A_118 = tpu.memref_slice %arg4[%dma_wait3A_116, %dma_wait3A_117] : memref<80x128xi32, #tpu.memory_space<vmem>> -> memref<1x128xi32, #tpu.memory_space<vmem>>
    %dma_wait3A_119 = tpu.memref_squeeze %dma_wait3A_118 : memref<1x128xi32, #tpu.memory_space<vmem>> -> memref<128xi32, #tpu.memory_space<vmem>>
    %dma_wait3A_120 = arith.constant 0 : i32
    %dma_wait3A_121 = arith.constant 0 : i32
    %dma_wait3A_122 = tpu.memref_slice %arg6[%dma_wait3A_120, %dma_wait3A_121] : memref<10240x16xf32, #tpu.memory_space<vmem_shared>> -> memref<10240x16xf32, #tpu.memory_space<vmem_shared>>
    tpu.wait_indirect_dma semaphore(%arg7 : memref<!tpu.dma_semaphore, #tpu.memory_space<semaphore_mem>>) src(%arg5 : memref<128x16xf32, #tpu.memory_space<vmem>>) dst(%dma_wait3A_122 : memref<10240x16xf32, #tpu.memory_space<vmem_shared>>)
    %dma_wait3A_123 = arith.constant 0 : i32
    %dma_wait3A_124 = arith.constant 0 : i32
    %dma_wait3A_125 = tpu.memref_slice %arg4[%dma_wait3A_123, %dma_wait3A_124] : memref<80x128xi32, #tpu.memory_space<vmem>> -> memref<1x128xi32, #tpu.memory_space<vmem>>
    %dma_wait3A_126 = tpu.memref_squeeze %dma_wait3A_125 : memref<1x128xi32, #tpu.memory_space<vmem>> -> memref<128xi32, #tpu.memory_space<vmem>>
    %dma_wait3A_127 = arith.constant 0 : i32
    %dma_wait3A_128 = arith.constant 0 : i32
    %dma_wait3A_129 = tpu.memref_slice %arg6[%dma_wait3A_127, %dma_wait3A_128] : memref<10240x16xf32, #tpu.memory_space<vmem_shared>> -> memref<10240x16xf32, #tpu.memory_space<vmem_shared>>
    tpu.wait_indirect_dma semaphore(%arg7 : memref<!tpu.dma_semaphore, #tpu.memory_space<semaphore_mem>>) src(%arg5 : memref<128x16xf32, #tpu.memory_space<vmem>>) dst(%dma_wait3A_129 : memref<10240x16xf32, #tpu.memory_space<vmem_shared>>)
    %barrier3A_130 = arith.constant 0 : index
    tpu.barrier barrier_id(%barrier3A_130)
    %mul3A_131 = arith.constant 640 : i32
    %mul3A_132 = arith.muli %arg1, %mul3A_131 : i32
    %mul3A_133 = arith.constant 640 : i32
    %mul3A_134 = arith.muli %arg1, %mul3A_133 : i32
    "tpu.region"() ({
      %run_scoped3A = tpu.sem_alloc : memref<!tpu.dma_semaphore, #tpu.memory_space<semaphore_mem>>
      %dma_start3A_135 = arith.constant 0 : i32
      %dma_start3A_136 = arith.constant 0 : i32
      %dma_start3A_137 = tpu.memref_slice %arg3[%arg0, %dma_start3A_135, %dma_start3A_136] : memref<2x10240x16xf32, #tpu.memory_space<hbm>> -> memref<1x10240x16xf32, #tpu.memory_space<hbm>>
      %dma_start3A_138 = tpu.memref_squeeze %dma_start3A_137 : memref<1x10240x16xf32, #tpu.memory_space<hbm>> -> memref<10240x16xf32, #tpu.memory_space<hbm>>
      %dma_start3A_139 = arith.constant 0 : i32
      %dma_start3A_140 = tpu.memref_slice %dma_start3A_138[%mul3A_134, %dma_start3A_139] : memref<10240x16xf32, #tpu.memory_space<hbm>> -> memref<640x16xf32, #tpu.memory_space<hbm>>
      %dma_start3A_141 = arith.constant 0 : i32
      %dma_start3A_142 = tpu.memref_slice %arg6[%mul3A_132, %dma_start3A_141] : memref<10240x16xf32, #tpu.memory_space<vmem_shared>> -> memref<640x16xf32, #tpu.memory_space<vmem_shared>>
      tpu.enqueue_dma source(%dma_start3A_142 : memref<640x16xf32, #tpu.memory_space<vmem_shared>>) target(%dma_start3A_140 : memref<640x16xf32, #tpu.memory_space<hbm>>) target_semaphore(%run_scoped3A : memref<!tpu.dma_semaphore, #tpu.memory_space<semaphore_mem>>)
      %dma_wait3A_143 = arith.constant 0 : i32
      %dma_wait3A_144 = arith.constant 0 : i32
      %dma_wait3A_145 = tpu.memref_slice %arg3[%arg0, %dma_wait3A_143, %dma_wait3A_144] : memref<2x10240x16xf32, #tpu.memory_space<hbm>> -> memref<1x10240x16xf32, #tpu.memory_space<hbm>>
      %dma_wait3A_146 = tpu.memref_squeeze %dma_wait3A_145 : memref<1x10240x16xf32, #tpu.memory_space<hbm>> -> memref<10240x16xf32, #tpu.memory_space<hbm>>
      %dma_wait3A_147 = arith.constant 0 : i32
      %dma_wait3A_148 = tpu.memref_slice %dma_wait3A_146[%mul3A_134, %dma_wait3A_147] : memref<10240x16xf32, #tpu.memory_space<hbm>> -> memref<640x16xf32, #tpu.memory_space<hbm>>
      %dma_wait3A_149 = arith.constant 0 : i32
      %dma_wait3A_150 = tpu.memref_slice %arg6[%mul3A_132, %dma_wait3A_149] : memref<10240x16xf32, #tpu.memory_space<vmem_shared>> -> memref<640x16xf32, #tpu.memory_space<vmem_shared>>
      tpu.wait_dma2 semaphore(%run_scoped3A : memref<!tpu.dma_semaphore, #tpu.memory_space<semaphore_mem>>) src(%dma_wait3A_150 : memref<640x16xf32, #tpu.memory_space<vmem_shared>>) dst(%dma_wait3A_148 : memref<640x16xf32, #tpu.memory_space<hbm>>)
      tpu.yield
    }) : () -> ()
    return
  }
}

#map = affine_map<(d0, d1) -> (0, 0)>
#map1 = affine_map<(d0, d1) -> (0, 0, 0)>
module attributes {stable_mosaic.version = 14 : i64} {
  func.func @_agg_kernel(%arg0: i32, %arg1: i32, %arg2: memref<10240x64xf32, #tpu.memory_space<hbm>>, %arg3: memref<32x80x128xi32, #tpu.memory_space<hbm>>, %arg4: memref<32x80x128xi32, #tpu.memory_space<hbm>>, %arg5: memref<2x10240x64xf32, #tpu.memory_space<hbm>>, %arg6: memref<80x128xi32, #tpu.memory_space<vmem>>, %arg7: memref<80x128xi32, #tpu.memory_space<vmem>>, %arg8: memref<1024x64xf32, #tpu.memory_space<vmem>>, %arg9: memref<!tpu.dma_semaphore, #tpu.memory_space<semaphore_mem>>, %arg10: memref<!tpu.dma_semaphore, #tpu.memory_space<semaphore_mem>>, %arg11: memref<!tpu.dma_semaphore, #tpu.memory_space<semaphore_mem>>, %arg12: memref<!tpu.dma_semaphore, #tpu.memory_space<semaphore_mem>>, %arg13: memref<!tpu.dma_semaphore, #tpu.memory_space<semaphore_mem>>, %arg14: memref<!tpu.dma_semaphore, #tpu.memory_space<semaphore_mem>>, %arg15: memref<!tpu.dma_semaphore, #tpu.memory_space<semaphore_mem>>, %arg16: memref<!tpu.dma_semaphore, #tpu.memory_space<semaphore_mem>>, %arg17: memref<!tpu.dma_semaphore, #tpu.memory_space<semaphore_mem>>, %arg18: memref<!tpu.dma_semaphore, #tpu.memory_space<semaphore_mem>>, %arg19: memref<!tpu.dma_semaphore, #tpu.memory_space<semaphore_mem>>, %arg20: memref<!tpu.dma_semaphore, #tpu.memory_space<semaphore_mem>>, %arg21: memref<!tpu.dma_semaphore, #tpu.memory_space<semaphore_mem>>, %arg22: memref<!tpu.dma_semaphore, #tpu.memory_space<semaphore_mem>>, %arg23: memref<!tpu.dma_semaphore, #tpu.memory_space<semaphore_mem>>, %arg24: memref<!tpu.dma_semaphore, #tpu.memory_space<semaphore_mem>>, %arg25: memref<10240x64xf32, #tpu.memory_space<vmem_shared>>) attributes {dimension_semantics = [#tpu.dimension_semantics<core_parallel>, #tpu.dimension_semantics<subcore_parallel>], iteration_bounds = array<i64: 2, 16>, scalar_prefetch = 0 : i64, scratch_operands = 20 : i64, tpu.core_type = #tpu.core_type<sc_vector_subcore>, window_params = [{transform_indices = #map}, {transform_indices = #map1}, {transform_indices = #map1}, {transform_indices = #map1}]} {
    %mul3A = arith.constant 16 : i32
    %mul3A_0 = arith.muli %arg0, %mul3A : i32
    %add3A = arith.addi %mul3A_0, %arg1 : i32
    %scan3A = arith.constant 0 : i32
    %scan3A_1 = arith.constant 128 : i32
    %scan3A_2 = arith.addi %scan3A, %scan3A_1 : i32
    %scan3A_3 = arith.constant 1 : i32
    scf.for %scan3A_178 = %scan3A to %scan3A_2 step %scan3A_3  : i32 {
      %mul3A_179 = arith.constant 1 : i32
      %mul3A_180 = arith.muli %scan3A_178, %mul3A_179 : i32
      %add3A_181 = arith.constant 0 : i32
      %add3A_182 = arith.addi %add3A_181, %mul3A_180 : i32
      %scan3A_183 = arith.constant 0 : i32
      %scan3A_184 = arith.constant 4 : i32
      %scan3A_185 = arith.addi %scan3A_183, %scan3A_184 : i32
      %scan3A_186 = arith.constant 1 : i32
      scf.for %scan3A_188 = %scan3A_183 to %scan3A_185 step %scan3A_186  : i32 {
        %mul3A_189 = arith.constant 16 : i32
        %mul3A_190 = arith.muli %scan3A_188, %mul3A_189 : i32
        %add3A_191 = arith.constant 0 : i32
        %add3A_192 = arith.addi %add3A_191, %mul3A_190 : i32
        %broadcast_in_dim3A = arith.constant 0.000000e+00 : f32
        %broadcast_in_dim3A_193 = vector.broadcast %broadcast_in_dim3A : f32 to vector<16xf32>
        %swap3A = arith.index_cast %add3A_182 : i32 to index
        %swap3A_194 = arith.index_cast %add3A_192 : i32 to index
        %swap3A_195 = tpu.vector_load %arg8[%swap3A, %swap3A_194] {strides = array<i32>} : memref<1024x64xf32, #tpu.memory_space<vmem>>, vector<1x16xf32>,
        %swap3A_196 = vector.shape_cast %swap3A_195 : vector<1x16xf32> to vector<16xf32>
        %swap3A_197 = vector.shape_cast %broadcast_in_dim3A_193 : vector<16xf32> to vector<1x16xf32>
        tpu.vector_store %arg8[%swap3A, %swap3A_194], %swap3A_197 {strides = array<i32>} : memref<1024x64xf32, #tpu.memory_space<vmem>>, vector<1x16xf32>,
      }
      %scan3A_187 = arith.constant 4 : i32
    }
    %scan3A_4 = arith.constant 128 : i32
    %scan3A_5 = arith.constant 0 : i32
    %scan3A_6 = arith.constant 5 : i32
    %scan3A_7 = arith.addi %scan3A_5, %scan3A_6 : i32
    %scan3A_8 = arith.constant 1 : i32
    scf.for %scan3A_178 = %scan3A_5 to %scan3A_7 step %scan3A_8  : i32 {
      %mul3A_179 = arith.constant 1 : i32
      %mul3A_180 = arith.muli %scan3A_178, %mul3A_179 : i32
      %add3A_181 = arith.constant 0 : i32
      %add3A_182 = arith.addi %add3A_181, %mul3A_180 : i32
      %mul3A_183 = arith.constant 640 : i32
      %mul3A_184 = arith.muli %arg1, %mul3A_183 : i32
      %mul3A_185 = arith.constant 128 : i32
      %mul3A_186 = arith.muli %add3A_182, %mul3A_185 : i32
      %add3A_187 = arith.addi %mul3A_184, %mul3A_186 : i32
      "tpu.region"() ({
        %run_scoped3A = tpu.sem_alloc : memref<!tpu.dma_semaphore, #tpu.memory_space<semaphore_mem>>
        %dma_start3A_188 = arith.constant 0 : i32
        %dma_start3A_189 = arith.constant 0 : i32
        %dma_start3A_190 = tpu.memref_slice %arg8[%dma_start3A_188, %dma_start3A_189] : memref<1024x64xf32, #tpu.memory_space<vmem>> -> memref<128x64xf32, #tpu.memory_space<vmem>>
        %dma_start3A_191 = arith.constant 0 : i32
        %dma_start3A_192 = tpu.memref_slice %arg25[%add3A_187, %dma_start3A_191] : memref<10240x64xf32, #tpu.memory_space<vmem_shared>> -> memref<128x64xf32, #tpu.memory_space<vmem_shared>>
        %dma_start3A_193 = arith.constant 0 : i32
        %dma_start3A_194 = tpu.memref_slice %arg25[%add3A_187, %dma_start3A_193] : memref<10240x64xf32, #tpu.memory_space<vmem_shared>> -> memref<128x64xf32, #tpu.memory_space<vmem_shared>>
        %dma_start3A_195 = arith.constant 0 : i32
        %dma_start3A_196 = arith.constant 0 : i32
        %dma_start3A_197 = tpu.memref_slice %arg8[%dma_start3A_195, %dma_start3A_196] : memref<1024x64xf32, #tpu.memory_space<vmem>> -> memref<128x64xf32, #tpu.memory_space<vmem>>
        tpu.enqueue_dma source(%dma_start3A_197 : memref<128x64xf32, #tpu.memory_space<vmem>>) target(%dma_start3A_194 : memref<128x64xf32, #tpu.memory_space<vmem_shared>>) target_semaphore(%run_scoped3A : memref<!tpu.dma_semaphore, #tpu.memory_space<semaphore_mem>>)
        %dma_wait3A_198 = arith.constant 0 : i32
        %dma_wait3A_199 = arith.constant 0 : i32
        %dma_wait3A_200 = tpu.memref_slice %arg8[%dma_wait3A_198, %dma_wait3A_199] : memref<1024x64xf32, #tpu.memory_space<vmem>> -> memref<128x64xf32, #tpu.memory_space<vmem>>
        %dma_wait3A_201 = arith.constant 0 : i32
        %dma_wait3A_202 = tpu.memref_slice %arg25[%add3A_187, %dma_wait3A_201] : memref<10240x64xf32, #tpu.memory_space<vmem_shared>> -> memref<128x64xf32, #tpu.memory_space<vmem_shared>>
        %dma_wait3A_203 = arith.constant 0 : i32
        %dma_wait3A_204 = tpu.memref_slice %arg25[%add3A_187, %dma_wait3A_203] : memref<10240x64xf32, #tpu.memory_space<vmem_shared>> -> memref<128x64xf32, #tpu.memory_space<vmem_shared>>
        %dma_wait3A_205 = arith.constant 0 : i32
        %dma_wait3A_206 = arith.constant 0 : i32
        %dma_wait3A_207 = tpu.memref_slice %arg8[%dma_wait3A_205, %dma_wait3A_206] : memref<1024x64xf32, #tpu.memory_space<vmem>> -> memref<128x64xf32, #tpu.memory_space<vmem>>
        tpu.wait_dma2 semaphore(%run_scoped3A : memref<!tpu.dma_semaphore, #tpu.memory_space<semaphore_mem>>) src(%dma_wait3A_207 : memref<128x64xf32, #tpu.memory_space<vmem>>) dst(%dma_wait3A_204 : memref<128x64xf32, #tpu.memory_space<vmem_shared>>)
        tpu.yield
      }) : () -> ()
    }
    %scan3A_9 = arith.constant 5 : i32
    "tpu.region"() ({
      %run_scoped3A = tpu.sem_alloc : memref<!tpu.dma_semaphore, #tpu.memory_space<semaphore_mem>>
      %dma_start3A_178 = arith.constant 0 : i32
      %dma_start3A_179 = arith.constant 0 : i32
      %dma_start3A_180 = tpu.memref_slice %arg3[%add3A, %dma_start3A_178, %dma_start3A_179] : memref<32x80x128xi32, #tpu.memory_space<hbm>> -> memref<1x80x128xi32, #tpu.memory_space<hbm>>
      %dma_start3A_181 = tpu.memref_squeeze %dma_start3A_180 : memref<1x80x128xi32, #tpu.memory_space<hbm>> -> memref<80x128xi32, #tpu.memory_space<hbm>>
      %dma_start3A_182 = arith.constant 0 : i32
      %dma_start3A_183 = arith.constant 0 : i32
      %dma_start3A_184 = tpu.memref_slice %arg3[%add3A, %dma_start3A_182, %dma_start3A_183] : memref<32x80x128xi32, #tpu.memory_space<hbm>> -> memref<1x80x128xi32, #tpu.memory_space<hbm>>
      %dma_start3A_185 = tpu.memref_squeeze %dma_start3A_184 : memref<1x80x128xi32, #tpu.memory_space<hbm>> -> memref<80x128xi32, #tpu.memory_space<hbm>>
      tpu.enqueue_dma source(%dma_start3A_185 : memref<80x128xi32, #tpu.memory_space<hbm>>) target(%arg6 : memref<80x128xi32, #tpu.memory_space<vmem>>) target_semaphore(%run_scoped3A : memref<!tpu.dma_semaphore, #tpu.memory_space<semaphore_mem>>)
      %dma_wait3A_186 = arith.constant 0 : i32
      %dma_wait3A_187 = arith.constant 0 : i32
      %dma_wait3A_188 = tpu.memref_slice %arg3[%add3A, %dma_wait3A_186, %dma_wait3A_187] : memref<32x80x128xi32, #tpu.memory_space<hbm>> -> memref<1x80x128xi32, #tpu.memory_space<hbm>>
      %dma_wait3A_189 = tpu.memref_squeeze %dma_wait3A_188 : memref<1x80x128xi32, #tpu.memory_space<hbm>> -> memref<80x128xi32, #tpu.memory_space<hbm>>
      %dma_wait3A_190 = arith.constant 0 : i32
      %dma_wait3A_191 = arith.constant 0 : i32
      %dma_wait3A_192 = tpu.memref_slice %arg3[%add3A, %dma_wait3A_190, %dma_wait3A_191] : memref<32x80x128xi32, #tpu.memory_space<hbm>> -> memref<1x80x128xi32, #tpu.memory_space<hbm>>
      %dma_wait3A_193 = tpu.memref_squeeze %dma_wait3A_192 : memref<1x80x128xi32, #tpu.memory_space<hbm>> -> memref<80x128xi32, #tpu.memory_space<hbm>>
      tpu.wait_dma2 semaphore(%run_scoped3A : memref<!tpu.dma_semaphore, #tpu.memory_space<semaphore_mem>>) src(%dma_wait3A_193 : memref<80x128xi32, #tpu.memory_space<hbm>>) dst(%arg6 : memref<80x128xi32, #tpu.memory_space<vmem>>)
      tpu.yield
    }) : () -> ()
    "tpu.region"() ({
      %run_scoped3A = tpu.sem_alloc : memref<!tpu.dma_semaphore, #tpu.memory_space<semaphore_mem>>
      %dma_start3A_178 = arith.constant 0 : i32
      %dma_start3A_179 = arith.constant 0 : i32
      %dma_start3A_180 = tpu.memref_slice %arg4[%add3A, %dma_start3A_178, %dma_start3A_179] : memref<32x80x128xi32, #tpu.memory_space<hbm>> -> memref<1x80x128xi32, #tpu.memory_space<hbm>>
      %dma_start3A_181 = tpu.memref_squeeze %dma_start3A_180 : memref<1x80x128xi32, #tpu.memory_space<hbm>> -> memref<80x128xi32, #tpu.memory_space<hbm>>
      %dma_start3A_182 = arith.constant 0 : i32
      %dma_start3A_183 = arith.constant 0 : i32
      %dma_start3A_184 = tpu.memref_slice %arg4[%add3A, %dma_start3A_182, %dma_start3A_183] : memref<32x80x128xi32, #tpu.memory_space<hbm>> -> memref<1x80x128xi32, #tpu.memory_space<hbm>>
      %dma_start3A_185 = tpu.memref_squeeze %dma_start3A_184 : memref<1x80x128xi32, #tpu.memory_space<hbm>> -> memref<80x128xi32, #tpu.memory_space<hbm>>
      tpu.enqueue_dma source(%dma_start3A_185 : memref<80x128xi32, #tpu.memory_space<hbm>>) target(%arg7 : memref<80x128xi32, #tpu.memory_space<vmem>>) target_semaphore(%run_scoped3A : memref<!tpu.dma_semaphore, #tpu.memory_space<semaphore_mem>>)
      %dma_wait3A_186 = arith.constant 0 : i32
      %dma_wait3A_187 = arith.constant 0 : i32
      %dma_wait3A_188 = tpu.memref_slice %arg4[%add3A, %dma_wait3A_186, %dma_wait3A_187] : memref<32x80x128xi32, #tpu.memory_space<hbm>> -> memref<1x80x128xi32, #tpu.memory_space<hbm>>
      %dma_wait3A_189 = tpu.memref_squeeze %dma_wait3A_188 : memref<1x80x128xi32, #tpu.memory_space<hbm>> -> memref<80x128xi32, #tpu.memory_space<hbm>>
      %dma_wait3A_190 = arith.constant 0 : i32
      %dma_wait3A_191 = arith.constant 0 : i32
      %dma_wait3A_192 = tpu.memref_slice %arg4[%add3A, %dma_wait3A_190, %dma_wait3A_191] : memref<32x80x128xi32, #tpu.memory_space<hbm>> -> memref<1x80x128xi32, #tpu.memory_space<hbm>>
      %dma_wait3A_193 = tpu.memref_squeeze %dma_wait3A_192 : memref<1x80x128xi32, #tpu.memory_space<hbm>> -> memref<80x128xi32, #tpu.memory_space<hbm>>
      tpu.wait_dma2 semaphore(%run_scoped3A : memref<!tpu.dma_semaphore, #tpu.memory_space<semaphore_mem>>) src(%dma_wait3A_193 : memref<80x128xi32, #tpu.memory_space<hbm>>) dst(%arg7 : memref<80x128xi32, #tpu.memory_space<vmem>>)
      tpu.yield
    }) : () -> ()
    %dma_start3A = arith.constant 0 : i32
    %dma_start3A_10 = arith.constant 0 : i32
    %dma_start3A_11 = arith.constant 0 : i32
    %dma_start3A_12 = tpu.memref_slice %arg8[%dma_start3A_10, %dma_start3A_11] : memref<1024x64xf32, #tpu.memory_space<vmem>> -> memref<128x64xf32, #tpu.memory_space<vmem>>
    %dma_start3A_13 = arith.constant 0 : i32
    %dma_start3A_14 = tpu.memref_slice %arg6[%dma_start3A, %dma_start3A_13] : memref<80x128xi32, #tpu.memory_space<vmem>> -> memref<1x128xi32, #tpu.memory_space<vmem>>
    %dma_start3A_15 = tpu.memref_squeeze %dma_start3A_14 : memref<1x128xi32, #tpu.memory_space<vmem>> -> memref<128xi32, #tpu.memory_space<vmem>>
    %dma_start3A_16 = arith.constant 0 : i32
    %dma_start3A_17 = arith.constant 0 : i32
    %dma_start3A_18 = tpu.memref_slice %arg2[%dma_start3A_16, %dma_start3A_17] : memref<10240x64xf32, #tpu.memory_space<hbm>> -> memref<10240x64xf32, #tpu.memory_space<hbm>>
    tpu.enqueue_indirect_dma source(%dma_start3A_18 : memref<10240x64xf32, #tpu.memory_space<hbm>>) target(%dma_start3A_12 : memref<128x64xf32, #tpu.memory_space<vmem>>) offsets(%dma_start3A_15 : memref<128xi32, #tpu.memory_space<vmem>>) semaphore(%arg9 : memref<!tpu.dma_semaphore, #tpu.memory_space<semaphore_mem>>)
    %dma_start3A_19 = arith.constant 1 : i32
    %dma_start3A_20 = arith.constant 128 : i32
    %dma_start3A_21 = arith.constant 0 : i32
    %dma_start3A_22 = tpu.memref_slice %arg8[%dma_start3A_20, %dma_start3A_21] : memref<1024x64xf32, #tpu.memory_space<vmem>> -> memref<128x64xf32, #tpu.memory_space<vmem>>
    %dma_start3A_23 = arith.constant 0 : i32
    %dma_start3A_24 = tpu.memref_slice %arg6[%dma_start3A_19, %dma_start3A_23] : memref<80x128xi32, #tpu.memory_space<vmem>> -> memref<1x128xi32, #tpu.memory_space<vmem>>
    %dma_start3A_25 = tpu.memref_squeeze %dma_start3A_24 : memref<1x128xi32, #tpu.memory_space<vmem>> -> memref<128xi32, #tpu.memory_space<vmem>>
    %dma_start3A_26 = arith.constant 0 : i32
    %dma_start3A_27 = arith.constant 0 : i32
    %dma_start3A_28 = tpu.memref_slice %arg2[%dma_start3A_26, %dma_start3A_27] : memref<10240x64xf32, #tpu.memory_space<hbm>> -> memref<10240x64xf32, #tpu.memory_space<hbm>>
    tpu.enqueue_indirect_dma source(%dma_start3A_28 : memref<10240x64xf32, #tpu.memory_space<hbm>>) target(%dma_start3A_22 : memref<128x64xf32, #tpu.memory_space<vmem>>) offsets(%dma_start3A_25 : memref<128xi32, #tpu.memory_space<vmem>>) semaphore(%arg10 : memref<!tpu.dma_semaphore, #tpu.memory_space<semaphore_mem>>)
    %dma_start3A_29 = arith.constant 2 : i32
    %dma_start3A_30 = arith.constant 256 : i32
    %dma_start3A_31 = arith.constant 0 : i32
    %dma_start3A_32 = tpu.memref_slice %arg8[%dma_start3A_30, %dma_start3A_31] : memref<1024x64xf32, #tpu.memory_space<vmem>> -> memref<128x64xf32, #tpu.memory_space<vmem>>
    %dma_start3A_33 = arith.constant 0 : i32
    %dma_start3A_34 = tpu.memref_slice %arg6[%dma_start3A_29, %dma_start3A_33] : memref<80x128xi32, #tpu.memory_space<vmem>> -> memref<1x128xi32, #tpu.memory_space<vmem>>
    %dma_start3A_35 = tpu.memref_squeeze %dma_start3A_34 : memref<1x128xi32, #tpu.memory_space<vmem>> -> memref<128xi32, #tpu.memory_space<vmem>>
    %dma_start3A_36 = arith.constant 0 : i32
    %dma_start3A_37 = arith.constant 0 : i32
    %dma_start3A_38 = tpu.memref_slice %arg2[%dma_start3A_36, %dma_start3A_37] : memref<10240x64xf32, #tpu.memory_space<hbm>> -> memref<10240x64xf32, #tpu.memory_space<hbm>>
    tpu.enqueue_indirect_dma source(%dma_start3A_38 : memref<10240x64xf32, #tpu.memory_space<hbm>>) target(%dma_start3A_32 : memref<128x64xf32, #tpu.memory_space<vmem>>) offsets(%dma_start3A_35 : memref<128xi32, #tpu.memory_space<vmem>>) semaphore(%arg11 : memref<!tpu.dma_semaphore, #tpu.memory_space<semaphore_mem>>)
    %dma_start3A_39 = arith.constant 3 : i32
    %dma_start3A_40 = arith.constant 384 : i32
    %dma_start3A_41 = arith.constant 0 : i32
    %dma_start3A_42 = tpu.memref_slice %arg8[%dma_start3A_40, %dma_start3A_41] : memref<1024x64xf32, #tpu.memory_space<vmem>> -> memref<128x64xf32, #tpu.memory_space<vmem>>
    %dma_start3A_43 = arith.constant 0 : i32
    %dma_start3A_44 = tpu.memref_slice %arg6[%dma_start3A_39, %dma_start3A_43] : memref<80x128xi32, #tpu.memory_space<vmem>> -> memref<1x128xi32, #tpu.memory_space<vmem>>
    %dma_start3A_45 = tpu.memref_squeeze %dma_start3A_44 : memref<1x128xi32, #tpu.memory_space<vmem>> -> memref<128xi32, #tpu.memory_space<vmem>>
    %dma_start3A_46 = arith.constant 0 : i32
    %dma_start3A_47 = arith.constant 0 : i32
    %dma_start3A_48 = tpu.memref_slice %arg2[%dma_start3A_46, %dma_start3A_47] : memref<10240x64xf32, #tpu.memory_space<hbm>> -> memref<10240x64xf32, #tpu.memory_space<hbm>>
    tpu.enqueue_indirect_dma source(%dma_start3A_48 : memref<10240x64xf32, #tpu.memory_space<hbm>>) target(%dma_start3A_42 : memref<128x64xf32, #tpu.memory_space<vmem>>) offsets(%dma_start3A_45 : memref<128xi32, #tpu.memory_space<vmem>>) semaphore(%arg12 : memref<!tpu.dma_semaphore, #tpu.memory_space<semaphore_mem>>)
    %dma_start3A_49 = arith.constant 4 : i32
    %dma_start3A_50 = arith.constant 512 : i32
    %dma_start3A_51 = arith.constant 0 : i32
    %dma_start3A_52 = tpu.memref_slice %arg8[%dma_start3A_50, %dma_start3A_51] : memref<1024x64xf32, #tpu.memory_space<vmem>> -> memref<128x64xf32, #tpu.memory_space<vmem>>
    %dma_start3A_53 = arith.constant 0 : i32
    %dma_start3A_54 = tpu.memref_slice %arg6[%dma_start3A_49, %dma_start3A_53] : memref<80x128xi32, #tpu.memory_space<vmem>> -> memref<1x128xi32, #tpu.memory_space<vmem>>
    %dma_start3A_55 = tpu.memref_squeeze %dma_start3A_54 : memref<1x128xi32, #tpu.memory_space<vmem>> -> memref<128xi32, #tpu.memory_space<vmem>>
    %dma_start3A_56 = arith.constant 0 : i32
    %dma_start3A_57 = arith.constant 0 : i32
    %dma_start3A_58 = tpu.memref_slice %arg2[%dma_start3A_56, %dma_start3A_57] : memref<10240x64xf32, #tpu.memory_space<hbm>> -> memref<10240x64xf32, #tpu.memory_space<hbm>>
    tpu.enqueue_indirect_dma source(%dma_start3A_58 : memref<10240x64xf32, #tpu.memory_space<hbm>>) target(%dma_start3A_52 : memref<128x64xf32, #tpu.memory_space<vmem>>) offsets(%dma_start3A_55 : memref<128xi32, #tpu.memory_space<vmem>>) semaphore(%arg13 : memref<!tpu.dma_semaphore, #tpu.memory_space<semaphore_mem>>)
    %dma_start3A_59 = arith.constant 5 : i32
    %dma_start3A_60 = arith.constant 640 : i32
    %dma_start3A_61 = arith.constant 0 : i32
    %dma_start3A_62 = tpu.memref_slice %arg8[%dma_start3A_60, %dma_start3A_61] : memref<1024x64xf32, #tpu.memory_space<vmem>> -> memref<128x64xf32, #tpu.memory_space<vmem>>
    %dma_start3A_63 = arith.constant 0 : i32
    %dma_start3A_64 = tpu.memref_slice %arg6[%dma_start3A_59, %dma_start3A_63] : memref<80x128xi32, #tpu.memory_space<vmem>> -> memref<1x128xi32, #tpu.memory_space<vmem>>
    %dma_start3A_65 = tpu.memref_squeeze %dma_start3A_64 : memref<1x128xi32, #tpu.memory_space<vmem>> -> memref<128xi32, #tpu.memory_space<vmem>>
    %dma_start3A_66 = arith.constant 0 : i32
    %dma_start3A_67 = arith.constant 0 : i32
    %dma_start3A_68 = tpu.memref_slice %arg2[%dma_start3A_66, %dma_start3A_67] : memref<10240x64xf32, #tpu.memory_space<hbm>> -> memref<10240x64xf32, #tpu.memory_space<hbm>>
    tpu.enqueue_indirect_dma source(%dma_start3A_68 : memref<10240x64xf32, #tpu.memory_space<hbm>>) target(%dma_start3A_62 : memref<128x64xf32, #tpu.memory_space<vmem>>) offsets(%dma_start3A_65 : memref<128xi32, #tpu.memory_space<vmem>>) semaphore(%arg14 : memref<!tpu.dma_semaphore, #tpu.memory_space<semaphore_mem>>)
    %dma_start3A_69 = arith.constant 6 : i32
    %dma_start3A_70 = arith.constant 768 : i32
    %dma_start3A_71 = arith.constant 0 : i32
    %dma_start3A_72 = tpu.memref_slice %arg8[%dma_start3A_70, %dma_start3A_71] : memref<1024x64xf32, #tpu.memory_space<vmem>> -> memref<128x64xf32, #tpu.memory_space<vmem>>
    %dma_start3A_73 = arith.constant 0 : i32
    %dma_start3A_74 = tpu.memref_slice %arg6[%dma_start3A_69, %dma_start3A_73] : memref<80x128xi32, #tpu.memory_space<vmem>> -> memref<1x128xi32, #tpu.memory_space<vmem>>
    %dma_start3A_75 = tpu.memref_squeeze %dma_start3A_74 : memref<1x128xi32, #tpu.memory_space<vmem>> -> memref<128xi32, #tpu.memory_space<vmem>>
    %dma_start3A_76 = arith.constant 0 : i32
    %dma_start3A_77 = arith.constant 0 : i32
    %dma_start3A_78 = tpu.memref_slice %arg2[%dma_start3A_76, %dma_start3A_77] : memref<10240x64xf32, #tpu.memory_space<hbm>> -> memref<10240x64xf32, #tpu.memory_space<hbm>>
    tpu.enqueue_indirect_dma source(%dma_start3A_78 : memref<10240x64xf32, #tpu.memory_space<hbm>>) target(%dma_start3A_72 : memref<128x64xf32, #tpu.memory_space<vmem>>) offsets(%dma_start3A_75 : memref<128xi32, #tpu.memory_space<vmem>>) semaphore(%arg15 : memref<!tpu.dma_semaphore, #tpu.memory_space<semaphore_mem>>)
    %dma_start3A_79 = arith.constant 7 : i32
    %dma_start3A_80 = arith.constant 896 : i32
    %dma_start3A_81 = arith.constant 0 : i32
    %dma_start3A_82 = tpu.memref_slice %arg8[%dma_start3A_80, %dma_start3A_81] : memref<1024x64xf32, #tpu.memory_space<vmem>> -> memref<128x64xf32, #tpu.memory_space<vmem>>
    %dma_start3A_83 = arith.constant 0 : i32
    %dma_start3A_84 = tpu.memref_slice %arg6[%dma_start3A_79, %dma_start3A_83] : memref<80x128xi32, #tpu.memory_space<vmem>> -> memref<1x128xi32, #tpu.memory_space<vmem>>
    %dma_start3A_85 = tpu.memref_squeeze %dma_start3A_84 : memref<1x128xi32, #tpu.memory_space<vmem>> -> memref<128xi32, #tpu.memory_space<vmem>>
    %dma_start3A_86 = arith.constant 0 : i32
    %dma_start3A_87 = arith.constant 0 : i32
    %dma_start3A_88 = tpu.memref_slice %arg2[%dma_start3A_86, %dma_start3A_87] : memref<10240x64xf32, #tpu.memory_space<hbm>> -> memref<10240x64xf32, #tpu.memory_space<hbm>>
    tpu.enqueue_indirect_dma source(%dma_start3A_88 : memref<10240x64xf32, #tpu.memory_space<hbm>>) target(%dma_start3A_82 : memref<128x64xf32, #tpu.memory_space<vmem>>) offsets(%dma_start3A_85 : memref<128xi32, #tpu.memory_space<vmem>>) semaphore(%arg16 : memref<!tpu.dma_semaphore, #tpu.memory_space<semaphore_mem>>)
    %barrier3A = arith.constant 0 : index
    tpu.barrier barrier_id(%barrier3A)
    %scan3A_89 = arith.constant 0 : i32
    %scan3A_90 = arith.constant 10 : i32
    %scan3A_91 = arith.addi %scan3A_89, %scan3A_90 : i32
    %scan3A_92 = arith.constant 1 : i32
    scf.for %scan3A_178 = %scan3A_89 to %scan3A_91 step %scan3A_92  : i32 {
      %mul3A_179 = arith.constant 1 : i32
      %mul3A_180 = arith.muli %scan3A_178, %mul3A_179 : i32
      %add3A_181 = arith.constant 0 : i32
      %add3A_182 = arith.addi %add3A_181, %mul3A_180 : i32
      %mul3A_183 = arith.constant 8 : i32
      %mul3A_184 = arith.muli %add3A_182, %mul3A_183 : i32
      %dma_wait3A_185 = arith.constant 0 : i32
      %dma_wait3A_186 = arith.constant 0 : i32
      %dma_wait3A_187 = arith.constant 0 : i32
      %dma_wait3A_188 = tpu.memref_slice %arg8[%dma_wait3A_186, %dma_wait3A_187] : memref<1024x64xf32, #tpu.memory_space<vmem>> -> memref<128x64xf32, #tpu.memory_space<vmem>>
      %dma_wait3A_189 = arith.constant 0 : i32
      %dma_wait3A_190 = tpu.memref_slice %arg6[%dma_wait3A_185, %dma_wait3A_189] : memref<80x128xi32, #tpu.memory_space<vmem>> -> memref<1x128xi32, #tpu.memory_space<vmem>>
      %dma_wait3A_191 = tpu.memref_squeeze %dma_wait3A_190 : memref<1x128xi32, #tpu.memory_space<vmem>> -> memref<128xi32, #tpu.memory_space<vmem>>
      %dma_wait3A_192 = arith.constant 0 : i32
      %dma_wait3A_193 = arith.constant 0 : i32
      %dma_wait3A_194 = tpu.memref_slice %arg2[%dma_wait3A_192, %dma_wait3A_193] : memref<10240x64xf32, #tpu.memory_space<hbm>> -> memref<10240x64xf32, #tpu.memory_space<hbm>>
      tpu.wait_indirect_dma semaphore(%arg9 : memref<!tpu.dma_semaphore, #tpu.memory_space<semaphore_mem>>) src(%dma_wait3A_194 : memref<10240x64xf32, #tpu.memory_space<hbm>>) dst(%dma_wait3A_188 : memref<128x64xf32, #tpu.memory_space<vmem>>)
      %add3A_195 = arith.constant 0 : i32
      %add3A_196 = arith.addi %mul3A_184, %add3A_195 : i32
      %dma_start3A_197 = arith.constant 0 : i32
      %dma_start3A_198 = arith.constant 0 : i32
      %dma_start3A_199 = tpu.memref_slice %arg8[%dma_start3A_197, %dma_start3A_198] : memref<1024x64xf32, #tpu.memory_space<vmem>> -> memref<128x64xf32, #tpu.memory_space<vmem>>
      %dma_start3A_200 = arith.constant 0 : i32
      %dma_start3A_201 = tpu.memref_slice %arg7[%add3A_196, %dma_start3A_200] : memref<80x128xi32, #tpu.memory_space<vmem>> -> memref<1x128xi32, #tpu.memory_space<vmem>>
      %dma_start3A_202 = tpu.memref_squeeze %dma_start3A_201 : memref<1x128xi32, #tpu.memory_space<vmem>> -> memref<128xi32, #tpu.memory_space<vmem>>
      %dma_start3A_203 = arith.constant 0 : i32
      %dma_start3A_204 = arith.constant 0 : i32
      %dma_start3A_205 = tpu.memref_slice %arg25[%dma_start3A_203, %dma_start3A_204] : memref<10240x64xf32, #tpu.memory_space<vmem_shared>> -> memref<10240x64xf32, #tpu.memory_space<vmem_shared>>
      tpu.enqueue_indirect_dma source(%dma_start3A_199 : memref<128x64xf32, #tpu.memory_space<vmem>>) target(%dma_start3A_205 : memref<10240x64xf32, #tpu.memory_space<vmem_shared>>) offsets(%dma_start3A_202 : memref<128xi32, #tpu.memory_space<vmem>>) semaphore(%arg17 : memref<!tpu.dma_semaphore, #tpu.memory_space<semaphore_mem>>) {add = true}
      %dma_wait3A_206 = arith.constant 0 : i32
      %dma_wait3A_207 = arith.constant 128 : i32
      %dma_wait3A_208 = arith.constant 0 : i32
      %dma_wait3A_209 = tpu.memref_slice %arg8[%dma_wait3A_207, %dma_wait3A_208] : memref<1024x64xf32, #tpu.memory_space<vmem>> -> memref<128x64xf32, #tpu.memory_space<vmem>>
      %dma_wait3A_210 = arith.constant 0 : i32
      %dma_wait3A_211 = tpu.memref_slice %arg6[%dma_wait3A_206, %dma_wait3A_210] : memref<80x128xi32, #tpu.memory_space<vmem>> -> memref<1x128xi32, #tpu.memory_space<vmem>>
      %dma_wait3A_212 = tpu.memref_squeeze %dma_wait3A_211 : memref<1x128xi32, #tpu.memory_space<vmem>> -> memref<128xi32, #tpu.memory_space<vmem>>
      %dma_wait3A_213 = arith.constant 0 : i32
      %dma_wait3A_214 = arith.constant 0 : i32
      %dma_wait3A_215 = tpu.memref_slice %arg2[%dma_wait3A_213, %dma_wait3A_214] : memref<10240x64xf32, #tpu.memory_space<hbm>> -> memref<10240x64xf32, #tpu.memory_space<hbm>>
      tpu.wait_indirect_dma semaphore(%arg10 : memref<!tpu.dma_semaphore, #tpu.memory_space<semaphore_mem>>) src(%dma_wait3A_215 : memref<10240x64xf32, #tpu.memory_space<hbm>>) dst(%dma_wait3A_209 : memref<128x64xf32, #tpu.memory_space<vmem>>)
      %add3A_216 = arith.constant 1 : i32
      %add3A_217 = arith.addi %mul3A_184, %add3A_216 : i32
      %dma_start3A_218 = arith.constant 128 : i32
      %dma_start3A_219 = arith.constant 0 : i32
      %dma_start3A_220 = tpu.memref_slice %arg8[%dma_start3A_218, %dma_start3A_219] : memref<1024x64xf32, #tpu.memory_space<vmem>> -> memref<128x64xf32, #tpu.memory_space<vmem>>
      %dma_start3A_221 = arith.constant 0 : i32
      %dma_start3A_222 = tpu.memref_slice %arg7[%add3A_217, %dma_start3A_221] : memref<80x128xi32, #tpu.memory_space<vmem>> -> memref<1x128xi32, #tpu.memory_space<vmem>>
      %dma_start3A_223 = tpu.memref_squeeze %dma_start3A_222 : memref<1x128xi32, #tpu.memory_space<vmem>> -> memref<128xi32, #tpu.memory_space<vmem>>
      %dma_start3A_224 = arith.constant 0 : i32
      %dma_start3A_225 = arith.constant 0 : i32
      %dma_start3A_226 = tpu.memref_slice %arg25[%dma_start3A_224, %dma_start3A_225] : memref<10240x64xf32, #tpu.memory_space<vmem_shared>> -> memref<10240x64xf32, #tpu.memory_space<vmem_shared>>
      tpu.enqueue_indirect_dma source(%dma_start3A_220 : memref<128x64xf32, #tpu.memory_space<vmem>>) target(%dma_start3A_226 : memref<10240x64xf32, #tpu.memory_space<vmem_shared>>) offsets(%dma_start3A_223 : memref<128xi32, #tpu.memory_space<vmem>>) semaphore(%arg18 : memref<!tpu.dma_semaphore, #tpu.memory_space<semaphore_mem>>) {add = true}
      %dma_wait3A_227 = arith.constant 0 : i32
      %dma_wait3A_228 = arith.constant 256 : i32
      %dma_wait3A_229 = arith.constant 0 : i32
      %dma_wait3A_230 = tpu.memref_slice %arg8[%dma_wait3A_228, %dma_wait3A_229] : memref<1024x64xf32, #tpu.memory_space<vmem>> -> memref<128x64xf32, #tpu.memory_space<vmem>>
      %dma_wait3A_231 = arith.constant 0 : i32
      %dma_wait3A_232 = tpu.memref_slice %arg6[%dma_wait3A_227, %dma_wait3A_231] : memref<80x128xi32, #tpu.memory_space<vmem>> -> memref<1x128xi32, #tpu.memory_space<vmem>>
      %dma_wait3A_233 = tpu.memref_squeeze %dma_wait3A_232 : memref<1x128xi32, #tpu.memory_space<vmem>> -> memref<128xi32, #tpu.memory_space<vmem>>
      %dma_wait3A_234 = arith.constant 0 : i32
      %dma_wait3A_235 = arith.constant 0 : i32
      %dma_wait3A_236 = tpu.memref_slice %arg2[%dma_wait3A_234, %dma_wait3A_235] : memref<10240x64xf32, #tpu.memory_space<hbm>> -> memref<10240x64xf32, #tpu.memory_space<hbm>>
      tpu.wait_indirect_dma semaphore(%arg11 : memref<!tpu.dma_semaphore, #tpu.memory_space<semaphore_mem>>) src(%dma_wait3A_236 : memref<10240x64xf32, #tpu.memory_space<hbm>>) dst(%dma_wait3A_230 : memref<128x64xf32, #tpu.memory_space<vmem>>)
      %add3A_237 = arith.constant 2 : i32
      %add3A_238 = arith.addi %mul3A_184, %add3A_237 : i32
      %dma_start3A_239 = arith.constant 256 : i32
      %dma_start3A_240 = arith.constant 0 : i32
      %dma_start3A_241 = tpu.memref_slice %arg8[%dma_start3A_239, %dma_start3A_240] : memref<1024x64xf32, #tpu.memory_space<vmem>> -> memref<128x64xf32, #tpu.memory_space<vmem>>
      %dma_start3A_242 = arith.constant 0 : i32
      %dma_start3A_243 = tpu.memref_slice %arg7[%add3A_238, %dma_start3A_242] : memref<80x128xi32, #tpu.memory_space<vmem>> -> memref<1x128xi32, #tpu.memory_space<vmem>>
      %dma_start3A_244 = tpu.memref_squeeze %dma_start3A_243 : memref<1x128xi32, #tpu.memory_space<vmem>> -> memref<128xi32, #tpu.memory_space<vmem>>
      %dma_start3A_245 = arith.constant 0 : i32
      %dma_start3A_246 = arith.constant 0 : i32
      %dma_start3A_247 = tpu.memref_slice %arg25[%dma_start3A_245, %dma_start3A_246] : memref<10240x64xf32, #tpu.memory_space<vmem_shared>> -> memref<10240x64xf32, #tpu.memory_space<vmem_shared>>
      tpu.enqueue_indirect_dma source(%dma_start3A_241 : memref<128x64xf32, #tpu.memory_space<vmem>>) target(%dma_start3A_247 : memref<10240x64xf32, #tpu.memory_space<vmem_shared>>) offsets(%dma_start3A_244 : memref<128xi32, #tpu.memory_space<vmem>>) semaphore(%arg19 : memref<!tpu.dma_semaphore, #tpu.memory_space<semaphore_mem>>) {add = true}
      %dma_wait3A_248 = arith.constant 0 : i32
      %dma_wait3A_249 = arith.constant 384 : i32
      %dma_wait3A_250 = arith.constant 0 : i32
      %dma_wait3A_251 = tpu.memref_slice %arg8[%dma_wait3A_249, %dma_wait3A_250] : memref<1024x64xf32, #tpu.memory_space<vmem>> -> memref<128x64xf32, #tpu.memory_space<vmem>>
      %dma_wait3A_252 = arith.constant 0 : i32
      %dma_wait3A_253 = tpu.memref_slice %arg6[%dma_wait3A_248, %dma_wait3A_252] : memref<80x128xi32, #tpu.memory_space<vmem>> -> memref<1x128xi32, #tpu.memory_space<vmem>>
      %dma_wait3A_254 = tpu.memref_squeeze %dma_wait3A_253 : memref<1x128xi32, #tpu.memory_space<vmem>> -> memref<128xi32, #tpu.memory_space<vmem>>
      %dma_wait3A_255 = arith.constant 0 : i32
      %dma_wait3A_256 = arith.constant 0 : i32
      %dma_wait3A_257 = tpu.memref_slice %arg2[%dma_wait3A_255, %dma_wait3A_256] : memref<10240x64xf32, #tpu.memory_space<hbm>> -> memref<10240x64xf32, #tpu.memory_space<hbm>>
      tpu.wait_indirect_dma semaphore(%arg12 : memref<!tpu.dma_semaphore, #tpu.memory_space<semaphore_mem>>) src(%dma_wait3A_257 : memref<10240x64xf32, #tpu.memory_space<hbm>>) dst(%dma_wait3A_251 : memref<128x64xf32, #tpu.memory_space<vmem>>)
      %add3A_258 = arith.constant 3 : i32
      %add3A_259 = arith.addi %mul3A_184, %add3A_258 : i32
      %dma_start3A_260 = arith.constant 384 : i32
      %dma_start3A_261 = arith.constant 0 : i32
      %dma_start3A_262 = tpu.memref_slice %arg8[%dma_start3A_260, %dma_start3A_261] : memref<1024x64xf32, #tpu.memory_space<vmem>> -> memref<128x64xf32, #tpu.memory_space<vmem>>
      %dma_start3A_263 = arith.constant 0 : i32
      %dma_start3A_264 = tpu.memref_slice %arg7[%add3A_259, %dma_start3A_263] : memref<80x128xi32, #tpu.memory_space<vmem>> -> memref<1x128xi32, #tpu.memory_space<vmem>>
      %dma_start3A_265 = tpu.memref_squeeze %dma_start3A_264 : memref<1x128xi32, #tpu.memory_space<vmem>> -> memref<128xi32, #tpu.memory_space<vmem>>
      %dma_start3A_266 = arith.constant 0 : i32
      %dma_start3A_267 = arith.constant 0 : i32
      %dma_start3A_268 = tpu.memref_slice %arg25[%dma_start3A_266, %dma_start3A_267] : memref<10240x64xf32, #tpu.memory_space<vmem_shared>> -> memref<10240x64xf32, #tpu.memory_space<vmem_shared>>
      tpu.enqueue_indirect_dma source(%dma_start3A_262 : memref<128x64xf32, #tpu.memory_space<vmem>>) target(%dma_start3A_268 : memref<10240x64xf32, #tpu.memory_space<vmem_shared>>) offsets(%dma_start3A_265 : memref<128xi32, #tpu.memory_space<vmem>>) semaphore(%arg20 : memref<!tpu.dma_semaphore, #tpu.memory_space<semaphore_mem>>) {add = true}
      %dma_wait3A_269 = arith.constant 0 : i32
      %dma_wait3A_270 = arith.constant 512 : i32
      %dma_wait3A_271 = arith.constant 0 : i32
      %dma_wait3A_272 = tpu.memref_slice %arg8[%dma_wait3A_270, %dma_wait3A_271] : memref<1024x64xf32, #tpu.memory_space<vmem>> -> memref<128x64xf32, #tpu.memory_space<vmem>>
      %dma_wait3A_273 = arith.constant 0 : i32
      %dma_wait3A_274 = tpu.memref_slice %arg6[%dma_wait3A_269, %dma_wait3A_273] : memref<80x128xi32, #tpu.memory_space<vmem>> -> memref<1x128xi32, #tpu.memory_space<vmem>>
      %dma_wait3A_275 = tpu.memref_squeeze %dma_wait3A_274 : memref<1x128xi32, #tpu.memory_space<vmem>> -> memref<128xi32, #tpu.memory_space<vmem>>
      %dma_wait3A_276 = arith.constant 0 : i32
      %dma_wait3A_277 = arith.constant 0 : i32
      %dma_wait3A_278 = tpu.memref_slice %arg2[%dma_wait3A_276, %dma_wait3A_277] : memref<10240x64xf32, #tpu.memory_space<hbm>> -> memref<10240x64xf32, #tpu.memory_space<hbm>>
      tpu.wait_indirect_dma semaphore(%arg13 : memref<!tpu.dma_semaphore, #tpu.memory_space<semaphore_mem>>) src(%dma_wait3A_278 : memref<10240x64xf32, #tpu.memory_space<hbm>>) dst(%dma_wait3A_272 : memref<128x64xf32, #tpu.memory_space<vmem>>)
      %add3A_279 = arith.constant 4 : i32
      %add3A_280 = arith.addi %mul3A_184, %add3A_279 : i32
      %dma_start3A_281 = arith.constant 512 : i32
      %dma_start3A_282 = arith.constant 0 : i32
      %dma_start3A_283 = tpu.memref_slice %arg8[%dma_start3A_281, %dma_start3A_282] : memref<1024x64xf32, #tpu.memory_space<vmem>> -> memref<128x64xf32, #tpu.memory_space<vmem>>
      %dma_start3A_284 = arith.constant 0 : i32
      %dma_start3A_285 = tpu.memref_slice %arg7[%add3A_280, %dma_start3A_284] : memref<80x128xi32, #tpu.memory_space<vmem>> -> memref<1x128xi32, #tpu.memory_space<vmem>>
      %dma_start3A_286 = tpu.memref_squeeze %dma_start3A_285 : memref<1x128xi32, #tpu.memory_space<vmem>> -> memref<128xi32, #tpu.memory_space<vmem>>
      %dma_start3A_287 = arith.constant 0 : i32
      %dma_start3A_288 = arith.constant 0 : i32
      %dma_start3A_289 = tpu.memref_slice %arg25[%dma_start3A_287, %dma_start3A_288] : memref<10240x64xf32, #tpu.memory_space<vmem_shared>> -> memref<10240x64xf32, #tpu.memory_space<vmem_shared>>
      tpu.enqueue_indirect_dma source(%dma_start3A_283 : memref<128x64xf32, #tpu.memory_space<vmem>>) target(%dma_start3A_289 : memref<10240x64xf32, #tpu.memory_space<vmem_shared>>) offsets(%dma_start3A_286 : memref<128xi32, #tpu.memory_space<vmem>>) semaphore(%arg21 : memref<!tpu.dma_semaphore, #tpu.memory_space<semaphore_mem>>) {add = true}
      %dma_wait3A_290 = arith.constant 0 : i32
      %dma_wait3A_291 = arith.constant 640 : i32
      %dma_wait3A_292 = arith.constant 0 : i32
      %dma_wait3A_293 = tpu.memref_slice %arg8[%dma_wait3A_291, %dma_wait3A_292] : memref<1024x64xf32, #tpu.memory_space<vmem>> -> memref<128x64xf32, #tpu.memory_space<vmem>>
      %dma_wait3A_294 = arith.constant 0 : i32
      %dma_wait3A_295 = tpu.memref_slice %arg6[%dma_wait3A_290, %dma_wait3A_294] : memref<80x128xi32, #tpu.memory_space<vmem>> -> memref<1x128xi32, #tpu.memory_space<vmem>>
      %dma_wait3A_296 = tpu.memref_squeeze %dma_wait3A_295 : memref<1x128xi32, #tpu.memory_space<vmem>> -> memref<128xi32, #tpu.memory_space<vmem>>
      %dma_wait3A_297 = arith.constant 0 : i32
      %dma_wait3A_298 = arith.constant 0 : i32
      %dma_wait3A_299 = tpu.memref_slice %arg2[%dma_wait3A_297, %dma_wait3A_298] : memref<10240x64xf32, #tpu.memory_space<hbm>> -> memref<10240x64xf32, #tpu.memory_space<hbm>>
      tpu.wait_indirect_dma semaphore(%arg14 : memref<!tpu.dma_semaphore, #tpu.memory_space<semaphore_mem>>) src(%dma_wait3A_299 : memref<10240x64xf32, #tpu.memory_space<hbm>>) dst(%dma_wait3A_293 : memref<128x64xf32, #tpu.memory_space<vmem>>)
      %add3A_300 = arith.constant 5 : i32
      %add3A_301 = arith.addi %mul3A_184, %add3A_300 : i32
      %dma_start3A_302 = arith.constant 640 : i32
      %dma_start3A_303 = arith.constant 0 : i32
      %dma_start3A_304 = tpu.memref_slice %arg8[%dma_start3A_302, %dma_start3A_303] : memref<1024x64xf32, #tpu.memory_space<vmem>> -> memref<128x64xf32, #tpu.memory_space<vmem>>
      %dma_start3A_305 = arith.constant 0 : i32
      %dma_start3A_306 = tpu.memref_slice %arg7[%add3A_301, %dma_start3A_305] : memref<80x128xi32, #tpu.memory_space<vmem>> -> memref<1x128xi32, #tpu.memory_space<vmem>>
      %dma_start3A_307 = tpu.memref_squeeze %dma_start3A_306 : memref<1x128xi32, #tpu.memory_space<vmem>> -> memref<128xi32, #tpu.memory_space<vmem>>
      %dma_start3A_308 = arith.constant 0 : i32
      %dma_start3A_309 = arith.constant 0 : i32
      %dma_start3A_310 = tpu.memref_slice %arg25[%dma_start3A_308, %dma_start3A_309] : memref<10240x64xf32, #tpu.memory_space<vmem_shared>> -> memref<10240x64xf32, #tpu.memory_space<vmem_shared>>
      tpu.enqueue_indirect_dma source(%dma_start3A_304 : memref<128x64xf32, #tpu.memory_space<vmem>>) target(%dma_start3A_310 : memref<10240x64xf32, #tpu.memory_space<vmem_shared>>) offsets(%dma_start3A_307 : memref<128xi32, #tpu.memory_space<vmem>>) semaphore(%arg22 : memref<!tpu.dma_semaphore, #tpu.memory_space<semaphore_mem>>) {add = true}
      %dma_wait3A_311 = arith.constant 0 : i32
      %dma_wait3A_312 = arith.constant 768 : i32
      %dma_wait3A_313 = arith.constant 0 : i32
      %dma_wait3A_314 = tpu.memref_slice %arg8[%dma_wait3A_312, %dma_wait3A_313] : memref<1024x64xf32, #tpu.memory_space<vmem>> -> memref<128x64xf32, #tpu.memory_space<vmem>>
      %dma_wait3A_315 = arith.constant 0 : i32
      %dma_wait3A_316 = tpu.memref_slice %arg6[%dma_wait3A_311, %dma_wait3A_315] : memref<80x128xi32, #tpu.memory_space<vmem>> -> memref<1x128xi32, #tpu.memory_space<vmem>>
      %dma_wait3A_317 = tpu.memref_squeeze %dma_wait3A_316 : memref<1x128xi32, #tpu.memory_space<vmem>> -> memref<128xi32, #tpu.memory_space<vmem>>
      %dma_wait3A_318 = arith.constant 0 : i32
      %dma_wait3A_319 = arith.constant 0 : i32
      %dma_wait3A_320 = tpu.memref_slice %arg2[%dma_wait3A_318, %dma_wait3A_319] : memref<10240x64xf32, #tpu.memory_space<hbm>> -> memref<10240x64xf32, #tpu.memory_space<hbm>>
      tpu.wait_indirect_dma semaphore(%arg15 : memref<!tpu.dma_semaphore, #tpu.memory_space<semaphore_mem>>) src(%dma_wait3A_320 : memref<10240x64xf32, #tpu.memory_space<hbm>>) dst(%dma_wait3A_314 : memref<128x64xf32, #tpu.memory_space<vmem>>)
      %add3A_321 = arith.constant 6 : i32
      %add3A_322 = arith.addi %mul3A_184, %add3A_321 : i32
      %dma_start3A_323 = arith.constant 768 : i32
      %dma_start3A_324 = arith.constant 0 : i32
      %dma_start3A_325 = tpu.memref_slice %arg8[%dma_start3A_323, %dma_start3A_324] : memref<1024x64xf32, #tpu.memory_space<vmem>> -> memref<128x64xf32, #tpu.memory_space<vmem>>
      %dma_start3A_326 = arith.constant 0 : i32
      %dma_start3A_327 = tpu.memref_slice %arg7[%add3A_322, %dma_start3A_326] : memref<80x128xi32, #tpu.memory_space<vmem>> -> memref<1x128xi32, #tpu.memory_space<vmem>>
      %dma_start3A_328 = tpu.memref_squeeze %dma_start3A_327 : memref<1x128xi32, #tpu.memory_space<vmem>> -> memref<128xi32, #tpu.memory_space<vmem>>
      %dma_start3A_329 = arith.constant 0 : i32
      %dma_start3A_330 = arith.constant 0 : i32
      %dma_start3A_331 = tpu.memref_slice %arg25[%dma_start3A_329, %dma_start3A_330] : memref<10240x64xf32, #tpu.memory_space<vmem_shared>> -> memref<10240x64xf32, #tpu.memory_space<vmem_shared>>
      tpu.enqueue_indirect_dma source(%dma_start3A_325 : memref<128x64xf32, #tpu.memory_space<vmem>>) target(%dma_start3A_331 : memref<10240x64xf32, #tpu.memory_space<vmem_shared>>) offsets(%dma_start3A_328 : memref<128xi32, #tpu.memory_space<vmem>>) semaphore(%arg23 : memref<!tpu.dma_semaphore, #tpu.memory_space<semaphore_mem>>) {add = true}
      %dma_wait3A_332 = arith.constant 0 : i32
      %dma_wait3A_333 = arith.constant 896 : i32
      %dma_wait3A_334 = arith.constant 0 : i32
      %dma_wait3A_335 = tpu.memref_slice %arg8[%dma_wait3A_333, %dma_wait3A_334] : memref<1024x64xf32, #tpu.memory_space<vmem>> -> memref<128x64xf32, #tpu.memory_space<vmem>>
      %dma_wait3A_336 = arith.constant 0 : i32
      %dma_wait3A_337 = tpu.memref_slice %arg6[%dma_wait3A_332, %dma_wait3A_336] : memref<80x128xi32, #tpu.memory_space<vmem>> -> memref<1x128xi32, #tpu.memory_space<vmem>>
      %dma_wait3A_338 = tpu.memref_squeeze %dma_wait3A_337 : memref<1x128xi32, #tpu.memory_space<vmem>> -> memref<128xi32, #tpu.memory_space<vmem>>
      %dma_wait3A_339 = arith.constant 0 : i32
      %dma_wait3A_340 = arith.constant 0 : i32
      %dma_wait3A_341 = tpu.memref_slice %arg2[%dma_wait3A_339, %dma_wait3A_340] : memref<10240x64xf32, #tpu.memory_space<hbm>> -> memref<10240x64xf32, #tpu.memory_space<hbm>>
      tpu.wait_indirect_dma semaphore(%arg16 : memref<!tpu.dma_semaphore, #tpu.memory_space<semaphore_mem>>) src(%dma_wait3A_341 : memref<10240x64xf32, #tpu.memory_space<hbm>>) dst(%dma_wait3A_335 : memref<128x64xf32, #tpu.memory_space<vmem>>)
      %add3A_342 = arith.constant 7 : i32
      %add3A_343 = arith.addi %mul3A_184, %add3A_342 : i32
      %dma_start3A_344 = arith.constant 896 : i32
      %dma_start3A_345 = arith.constant 0 : i32
      %dma_start3A_346 = tpu.memref_slice %arg8[%dma_start3A_344, %dma_start3A_345] : memref<1024x64xf32, #tpu.memory_space<vmem>> -> memref<128x64xf32, #tpu.memory_space<vmem>>
      %dma_start3A_347 = arith.constant 0 : i32
      %dma_start3A_348 = tpu.memref_slice %arg7[%add3A_343, %dma_start3A_347] : memref<80x128xi32, #tpu.memory_space<vmem>> -> memref<1x128xi32, #tpu.memory_space<vmem>>
      %dma_start3A_349 = tpu.memref_squeeze %dma_start3A_348 : memref<1x128xi32, #tpu.memory_space<vmem>> -> memref<128xi32, #tpu.memory_space<vmem>>
      %dma_start3A_350 = arith.constant 0 : i32
      %dma_start3A_351 = arith.constant 0 : i32
      %dma_start3A_352 = tpu.memref_slice %arg25[%dma_start3A_350, %dma_start3A_351] : memref<10240x64xf32, #tpu.memory_space<vmem_shared>> -> memref<10240x64xf32, #tpu.memory_space<vmem_shared>>
      tpu.enqueue_indirect_dma source(%dma_start3A_346 : memref<128x64xf32, #tpu.memory_space<vmem>>) target(%dma_start3A_352 : memref<10240x64xf32, #tpu.memory_space<vmem_shared>>) offsets(%dma_start3A_349 : memref<128xi32, #tpu.memory_space<vmem>>) semaphore(%arg24 : memref<!tpu.dma_semaphore, #tpu.memory_space<semaphore_mem>>) {add = true}
      %lt3A = arith.constant 9 : i32
      %lt3A_353 = arith.cmpi slt, %add3A_182, %lt3A : i32
      %convert_element_type3A = arith.extui %lt3A_353 : i1 to i32
      %cond3A = arith.constant 0 : i32
      %cond3A_354 = arith.cmpi ne, %convert_element_type3A, %cond3A : i32
      scf.if %cond3A_354 {
        %dma_wait3A_390 = arith.constant 0 : i32
        %dma_wait3A_391 = arith.constant 0 : i32
        %dma_wait3A_392 = arith.constant 0 : i32
        %dma_wait3A_393 = tpu.memref_slice %arg8[%dma_wait3A_391, %dma_wait3A_392] : memref<1024x64xf32, #tpu.memory_space<vmem>> -> memref<128x64xf32, #tpu.memory_space<vmem>>
        %dma_wait3A_394 = arith.constant 0 : i32
        %dma_wait3A_395 = tpu.memref_slice %arg7[%dma_wait3A_390, %dma_wait3A_394] : memref<80x128xi32, #tpu.memory_space<vmem>> -> memref<1x128xi32, #tpu.memory_space<vmem>>
        %dma_wait3A_396 = tpu.memref_squeeze %dma_wait3A_395 : memref<1x128xi32, #tpu.memory_space<vmem>> -> memref<128xi32, #tpu.memory_space<vmem>>
        %dma_wait3A_397 = arith.constant 0 : i32
        %dma_wait3A_398 = arith.constant 0 : i32
        %dma_wait3A_399 = tpu.memref_slice %arg25[%dma_wait3A_397, %dma_wait3A_398] : memref<10240x64xf32, #tpu.memory_space<vmem_shared>> -> memref<10240x64xf32, #tpu.memory_space<vmem_shared>>
        tpu.wait_indirect_dma semaphore(%arg17 : memref<!tpu.dma_semaphore, #tpu.memory_space<semaphore_mem>>) src(%dma_wait3A_393 : memref<128x64xf32, #tpu.memory_space<vmem>>) dst(%dma_wait3A_399 : memref<10240x64xf32, #tpu.memory_space<vmem_shared>>)
        %add3A_400 = arith.constant 8 : i32
        %add3A_401 = arith.addi %mul3A_184, %add3A_400 : i32
        %add3A_402 = arith.constant 0 : i32
        %add3A_403 = arith.addi %add3A_401, %add3A_402 : i32
        %dma_start3A_404 = arith.constant 0 : i32
        %dma_start3A_405 = arith.constant 0 : i32
        %dma_start3A_406 = tpu.memref_slice %arg8[%dma_start3A_404, %dma_start3A_405] : memref<1024x64xf32, #tpu.memory_space<vmem>> -> memref<128x64xf32, #tpu.memory_space<vmem>>
        %dma_start3A_407 = arith.constant 0 : i32
        %dma_start3A_408 = tpu.memref_slice %arg6[%add3A_403, %dma_start3A_407] : memref<80x128xi32, #tpu.memory_space<vmem>> -> memref<1x128xi32, #tpu.memory_space<vmem>>
        %dma_start3A_409 = tpu.memref_squeeze %dma_start3A_408 : memref<1x128xi32, #tpu.memory_space<vmem>> -> memref<128xi32, #tpu.memory_space<vmem>>
        %dma_start3A_410 = arith.constant 0 : i32
        %dma_start3A_411 = arith.constant 0 : i32
        %dma_start3A_412 = tpu.memref_slice %arg2[%dma_start3A_410, %dma_start3A_411] : memref<10240x64xf32, #tpu.memory_space<hbm>> -> memref<10240x64xf32, #tpu.memory_space<hbm>>
        tpu.enqueue_indirect_dma source(%dma_start3A_412 : memref<10240x64xf32, #tpu.memory_space<hbm>>) target(%dma_start3A_406 : memref<128x64xf32, #tpu.memory_space<vmem>>) offsets(%dma_start3A_409 : memref<128xi32, #tpu.memory_space<vmem>>) semaphore(%arg9 : memref<!tpu.dma_semaphore, #tpu.memory_space<semaphore_mem>>)
      } else {
      }
      %lt3A_355 = arith.constant 9 : i32
      %lt3A_356 = arith.cmpi slt, %add3A_182, %lt3A_355 : i32
      %convert_element_type3A_357 = arith.extui %lt3A_356 : i1 to i32
      %cond3A_358 = arith.constant 0 : i32
      %cond3A_359 = arith.cmpi ne, %convert_element_type3A_357, %cond3A_358 : i32
      scf.if %cond3A_359 {
        %dma_wait3A_390 = arith.constant 0 : i32
        %dma_wait3A_391 = arith.constant 128 : i32
        %dma_wait3A_392 = arith.constant 0 : i32
        %dma_wait3A_393 = tpu.memref_slice %arg8[%dma_wait3A_391, %dma_wait3A_392] : memref<1024x64xf32, #tpu.memory_space<vmem>> -> memref<128x64xf32, #tpu.memory_space<vmem>>
        %dma_wait3A_394 = arith.constant 0 : i32
        %dma_wait3A_395 = tpu.memref_slice %arg7[%dma_wait3A_390, %dma_wait3A_394] : memref<80x128xi32, #tpu.memory_space<vmem>> -> memref<1x128xi32, #tpu.memory_space<vmem>>
        %dma_wait3A_396 = tpu.memref_squeeze %dma_wait3A_395 : memref<1x128xi32, #tpu.memory_space<vmem>> -> memref<128xi32, #tpu.memory_space<vmem>>
        %dma_wait3A_397 = arith.constant 0 : i32
        %dma_wait3A_398 = arith.constant 0 : i32
        %dma_wait3A_399 = tpu.memref_slice %arg25[%dma_wait3A_397, %dma_wait3A_398] : memref<10240x64xf32, #tpu.memory_space<vmem_shared>> -> memref<10240x64xf32, #tpu.memory_space<vmem_shared>>
        tpu.wait_indirect_dma semaphore(%arg18 : memref<!tpu.dma_semaphore, #tpu.memory_space<semaphore_mem>>) src(%dma_wait3A_393 : memref<128x64xf32, #tpu.memory_space<vmem>>) dst(%dma_wait3A_399 : memref<10240x64xf32, #tpu.memory_space<vmem_shared>>)
        %add3A_400 = arith.constant 8 : i32
        %add3A_401 = arith.addi %mul3A_184, %add3A_400 : i32
        %add3A_402 = arith.constant 1 : i32
        %add3A_403 = arith.addi %add3A_401, %add3A_402 : i32
        %dma_start3A_404 = arith.constant 128 : i32
        %dma_start3A_405 = arith.constant 0 : i32
        %dma_start3A_406 = tpu.memref_slice %arg8[%dma_start3A_404, %dma_start3A_405] : memref<1024x64xf32, #tpu.memory_space<vmem>> -> memref<128x64xf32, #tpu.memory_space<vmem>>
        %dma_start3A_407 = arith.constant 0 : i32
        %dma_start3A_408 = tpu.memref_slice %arg6[%add3A_403, %dma_start3A_407] : memref<80x128xi32, #tpu.memory_space<vmem>> -> memref<1x128xi32, #tpu.memory_space<vmem>>
        %dma_start3A_409 = tpu.memref_squeeze %dma_start3A_408 : memref<1x128xi32, #tpu.memory_space<vmem>> -> memref<128xi32, #tpu.memory_space<vmem>>
        %dma_start3A_410 = arith.constant 0 : i32
        %dma_start3A_411 = arith.constant 0 : i32
        %dma_start3A_412 = tpu.memref_slice %arg2[%dma_start3A_410, %dma_start3A_411] : memref<10240x64xf32, #tpu.memory_space<hbm>> -> memref<10240x64xf32, #tpu.memory_space<hbm>>
        tpu.enqueue_indirect_dma source(%dma_start3A_412 : memref<10240x64xf32, #tpu.memory_space<hbm>>) target(%dma_start3A_406 : memref<128x64xf32, #tpu.memory_space<vmem>>) offsets(%dma_start3A_409 : memref<128xi32, #tpu.memory_space<vmem>>) semaphore(%arg10 : memref<!tpu.dma_semaphore, #tpu.memory_space<semaphore_mem>>)
      } else {
      }
      %lt3A_360 = arith.constant 9 : i32
      %lt3A_361 = arith.cmpi slt, %add3A_182, %lt3A_360 : i32
      %convert_element_type3A_362 = arith.extui %lt3A_361 : i1 to i32
      %cond3A_363 = arith.constant 0 : i32
      %cond3A_364 = arith.cmpi ne, %convert_element_type3A_362, %cond3A_363 : i32
      scf.if %cond3A_364 {
        %dma_wait3A_390 = arith.constant 0 : i32
        %dma_wait3A_391 = arith.constant 256 : i32
        %dma_wait3A_392 = arith.constant 0 : i32
        %dma_wait3A_393 = tpu.memref_slice %arg8[%dma_wait3A_391, %dma_wait3A_392] : memref<1024x64xf32, #tpu.memory_space<vmem>> -> memref<128x64xf32, #tpu.memory_space<vmem>>
        %dma_wait3A_394 = arith.constant 0 : i32
        %dma_wait3A_395 = tpu.memref_slice %arg7[%dma_wait3A_390, %dma_wait3A_394] : memref<80x128xi32, #tpu.memory_space<vmem>> -> memref<1x128xi32, #tpu.memory_space<vmem>>
        %dma_wait3A_396 = tpu.memref_squeeze %dma_wait3A_395 : memref<1x128xi32, #tpu.memory_space<vmem>> -> memref<128xi32, #tpu.memory_space<vmem>>
        %dma_wait3A_397 = arith.constant 0 : i32
        %dma_wait3A_398 = arith.constant 0 : i32
        %dma_wait3A_399 = tpu.memref_slice %arg25[%dma_wait3A_397, %dma_wait3A_398] : memref<10240x64xf32, #tpu.memory_space<vmem_shared>> -> memref<10240x64xf32, #tpu.memory_space<vmem_shared>>
        tpu.wait_indirect_dma semaphore(%arg19 : memref<!tpu.dma_semaphore, #tpu.memory_space<semaphore_mem>>) src(%dma_wait3A_393 : memref<128x64xf32, #tpu.memory_space<vmem>>) dst(%dma_wait3A_399 : memref<10240x64xf32, #tpu.memory_space<vmem_shared>>)
        %add3A_400 = arith.constant 8 : i32
        %add3A_401 = arith.addi %mul3A_184, %add3A_400 : i32
        %add3A_402 = arith.constant 2 : i32
        %add3A_403 = arith.addi %add3A_401, %add3A_402 : i32
        %dma_start3A_404 = arith.constant 256 : i32
        %dma_start3A_405 = arith.constant 0 : i32
        %dma_start3A_406 = tpu.memref_slice %arg8[%dma_start3A_404, %dma_start3A_405] : memref<1024x64xf32, #tpu.memory_space<vmem>> -> memref<128x64xf32, #tpu.memory_space<vmem>>
        %dma_start3A_407 = arith.constant 0 : i32
        %dma_start3A_408 = tpu.memref_slice %arg6[%add3A_403, %dma_start3A_407] : memref<80x128xi32, #tpu.memory_space<vmem>> -> memref<1x128xi32, #tpu.memory_space<vmem>>
        %dma_start3A_409 = tpu.memref_squeeze %dma_start3A_408 : memref<1x128xi32, #tpu.memory_space<vmem>> -> memref<128xi32, #tpu.memory_space<vmem>>
        %dma_start3A_410 = arith.constant 0 : i32
        %dma_start3A_411 = arith.constant 0 : i32
        %dma_start3A_412 = tpu.memref_slice %arg2[%dma_start3A_410, %dma_start3A_411] : memref<10240x64xf32, #tpu.memory_space<hbm>> -> memref<10240x64xf32, #tpu.memory_space<hbm>>
        tpu.enqueue_indirect_dma source(%dma_start3A_412 : memref<10240x64xf32, #tpu.memory_space<hbm>>) target(%dma_start3A_406 : memref<128x64xf32, #tpu.memory_space<vmem>>) offsets(%dma_start3A_409 : memref<128xi32, #tpu.memory_space<vmem>>) semaphore(%arg11 : memref<!tpu.dma_semaphore, #tpu.memory_space<semaphore_mem>>)
      } else {
      }
      %lt3A_365 = arith.constant 9 : i32
      %lt3A_366 = arith.cmpi slt, %add3A_182, %lt3A_365 : i32
      %convert_element_type3A_367 = arith.extui %lt3A_366 : i1 to i32
      %cond3A_368 = arith.constant 0 : i32
      %cond3A_369 = arith.cmpi ne, %convert_element_type3A_367, %cond3A_368 : i32
      scf.if %cond3A_369 {
        %dma_wait3A_390 = arith.constant 0 : i32
        %dma_wait3A_391 = arith.constant 384 : i32
        %dma_wait3A_392 = arith.constant 0 : i32
        %dma_wait3A_393 = tpu.memref_slice %arg8[%dma_wait3A_391, %dma_wait3A_392] : memref<1024x64xf32, #tpu.memory_space<vmem>> -> memref<128x64xf32, #tpu.memory_space<vmem>>
        %dma_wait3A_394 = arith.constant 0 : i32
        %dma_wait3A_395 = tpu.memref_slice %arg7[%dma_wait3A_390, %dma_wait3A_394] : memref<80x128xi32, #tpu.memory_space<vmem>> -> memref<1x128xi32, #tpu.memory_space<vmem>>
        %dma_wait3A_396 = tpu.memref_squeeze %dma_wait3A_395 : memref<1x128xi32, #tpu.memory_space<vmem>> -> memref<128xi32, #tpu.memory_space<vmem>>
        %dma_wait3A_397 = arith.constant 0 : i32
        %dma_wait3A_398 = arith.constant 0 : i32
        %dma_wait3A_399 = tpu.memref_slice %arg25[%dma_wait3A_397, %dma_wait3A_398] : memref<10240x64xf32, #tpu.memory_space<vmem_shared>> -> memref<10240x64xf32, #tpu.memory_space<vmem_shared>>
        tpu.wait_indirect_dma semaphore(%arg20 : memref<!tpu.dma_semaphore, #tpu.memory_space<semaphore_mem>>) src(%dma_wait3A_393 : memref<128x64xf32, #tpu.memory_space<vmem>>) dst(%dma_wait3A_399 : memref<10240x64xf32, #tpu.memory_space<vmem_shared>>)
        %add3A_400 = arith.constant 8 : i32
        %add3A_401 = arith.addi %mul3A_184, %add3A_400 : i32
        %add3A_402 = arith.constant 3 : i32
        %add3A_403 = arith.addi %add3A_401, %add3A_402 : i32
        %dma_start3A_404 = arith.constant 384 : i32
        %dma_start3A_405 = arith.constant 0 : i32
        %dma_start3A_406 = tpu.memref_slice %arg8[%dma_start3A_404, %dma_start3A_405] : memref<1024x64xf32, #tpu.memory_space<vmem>> -> memref<128x64xf32, #tpu.memory_space<vmem>>
        %dma_start3A_407 = arith.constant 0 : i32
        %dma_start3A_408 = tpu.memref_slice %arg6[%add3A_403, %dma_start3A_407] : memref<80x128xi32, #tpu.memory_space<vmem>> -> memref<1x128xi32, #tpu.memory_space<vmem>>
        %dma_start3A_409 = tpu.memref_squeeze %dma_start3A_408 : memref<1x128xi32, #tpu.memory_space<vmem>> -> memref<128xi32, #tpu.memory_space<vmem>>
        %dma_start3A_410 = arith.constant 0 : i32
        %dma_start3A_411 = arith.constant 0 : i32
        %dma_start3A_412 = tpu.memref_slice %arg2[%dma_start3A_410, %dma_start3A_411] : memref<10240x64xf32, #tpu.memory_space<hbm>> -> memref<10240x64xf32, #tpu.memory_space<hbm>>
        tpu.enqueue_indirect_dma source(%dma_start3A_412 : memref<10240x64xf32, #tpu.memory_space<hbm>>) target(%dma_start3A_406 : memref<128x64xf32, #tpu.memory_space<vmem>>) offsets(%dma_start3A_409 : memref<128xi32, #tpu.memory_space<vmem>>) semaphore(%arg12 : memref<!tpu.dma_semaphore, #tpu.memory_space<semaphore_mem>>)
      } else {
      }
      %lt3A_370 = arith.constant 9 : i32
      %lt3A_371 = arith.cmpi slt, %add3A_182, %lt3A_370 : i32
      %convert_element_type3A_372 = arith.extui %lt3A_371 : i1 to i32
      %cond3A_373 = arith.constant 0 : i32
      %cond3A_374 = arith.cmpi ne, %convert_element_type3A_372, %cond3A_373 : i32
      scf.if %cond3A_374 {
        %dma_wait3A_390 = arith.constant 0 : i32
        %dma_wait3A_391 = arith.constant 512 : i32
        %dma_wait3A_392 = arith.constant 0 : i32
        %dma_wait3A_393 = tpu.memref_slice %arg8[%dma_wait3A_391, %dma_wait3A_392] : memref<1024x64xf32, #tpu.memory_space<vmem>> -> memref<128x64xf32, #tpu.memory_space<vmem>>
        %dma_wait3A_394 = arith.constant 0 : i32
        %dma_wait3A_395 = tpu.memref_slice %arg7[%dma_wait3A_390, %dma_wait3A_394] : memref<80x128xi32, #tpu.memory_space<vmem>> -> memref<1x128xi32, #tpu.memory_space<vmem>>
        %dma_wait3A_396 = tpu.memref_squeeze %dma_wait3A_395 : memref<1x128xi32, #tpu.memory_space<vmem>> -> memref<128xi32, #tpu.memory_space<vmem>>
        %dma_wait3A_397 = arith.constant 0 : i32
        %dma_wait3A_398 = arith.constant 0 : i32
        %dma_wait3A_399 = tpu.memref_slice %arg25[%dma_wait3A_397, %dma_wait3A_398] : memref<10240x64xf32, #tpu.memory_space<vmem_shared>> -> memref<10240x64xf32, #tpu.memory_space<vmem_shared>>
        tpu.wait_indirect_dma semaphore(%arg21 : memref<!tpu.dma_semaphore, #tpu.memory_space<semaphore_mem>>) src(%dma_wait3A_393 : memref<128x64xf32, #tpu.memory_space<vmem>>) dst(%dma_wait3A_399 : memref<10240x64xf32, #tpu.memory_space<vmem_shared>>)
        %add3A_400 = arith.constant 8 : i32
        %add3A_401 = arith.addi %mul3A_184, %add3A_400 : i32
        %add3A_402 = arith.constant 4 : i32
        %add3A_403 = arith.addi %add3A_401, %add3A_402 : i32
        %dma_start3A_404 = arith.constant 512 : i32
        %dma_start3A_405 = arith.constant 0 : i32
        %dma_start3A_406 = tpu.memref_slice %arg8[%dma_start3A_404, %dma_start3A_405] : memref<1024x64xf32, #tpu.memory_space<vmem>> -> memref<128x64xf32, #tpu.memory_space<vmem>>
        %dma_start3A_407 = arith.constant 0 : i32
        %dma_start3A_408 = tpu.memref_slice %arg6[%add3A_403, %dma_start3A_407] : memref<80x128xi32, #tpu.memory_space<vmem>> -> memref<1x128xi32, #tpu.memory_space<vmem>>
        %dma_start3A_409 = tpu.memref_squeeze %dma_start3A_408 : memref<1x128xi32, #tpu.memory_space<vmem>> -> memref<128xi32, #tpu.memory_space<vmem>>
        %dma_start3A_410 = arith.constant 0 : i32
        %dma_start3A_411 = arith.constant 0 : i32
        %dma_start3A_412 = tpu.memref_slice %arg2[%dma_start3A_410, %dma_start3A_411] : memref<10240x64xf32, #tpu.memory_space<hbm>> -> memref<10240x64xf32, #tpu.memory_space<hbm>>
        tpu.enqueue_indirect_dma source(%dma_start3A_412 : memref<10240x64xf32, #tpu.memory_space<hbm>>) target(%dma_start3A_406 : memref<128x64xf32, #tpu.memory_space<vmem>>) offsets(%dma_start3A_409 : memref<128xi32, #tpu.memory_space<vmem>>) semaphore(%arg13 : memref<!tpu.dma_semaphore, #tpu.memory_space<semaphore_mem>>)
      } else {
      }
      %lt3A_375 = arith.constant 9 : i32
      %lt3A_376 = arith.cmpi slt, %add3A_182, %lt3A_375 : i32
      %convert_element_type3A_377 = arith.extui %lt3A_376 : i1 to i32
      %cond3A_378 = arith.constant 0 : i32
      %cond3A_379 = arith.cmpi ne, %convert_element_type3A_377, %cond3A_378 : i32
      scf.if %cond3A_379 {
        %dma_wait3A_390 = arith.constant 0 : i32
        %dma_wait3A_391 = arith.constant 640 : i32
        %dma_wait3A_392 = arith.constant 0 : i32
        %dma_wait3A_393 = tpu.memref_slice %arg8[%dma_wait3A_391, %dma_wait3A_392] : memref<1024x64xf32, #tpu.memory_space<vmem>> -> memref<128x64xf32, #tpu.memory_space<vmem>>
        %dma_wait3A_394 = arith.constant 0 : i32
        %dma_wait3A_395 = tpu.memref_slice %arg7[%dma_wait3A_390, %dma_wait3A_394] : memref<80x128xi32, #tpu.memory_space<vmem>> -> memref<1x128xi32, #tpu.memory_space<vmem>>
        %dma_wait3A_396 = tpu.memref_squeeze %dma_wait3A_395 : memref<1x128xi32, #tpu.memory_space<vmem>> -> memref<128xi32, #tpu.memory_space<vmem>>
        %dma_wait3A_397 = arith.constant 0 : i32
        %dma_wait3A_398 = arith.constant 0 : i32
        %dma_wait3A_399 = tpu.memref_slice %arg25[%dma_wait3A_397, %dma_wait3A_398] : memref<10240x64xf32, #tpu.memory_space<vmem_shared>> -> memref<10240x64xf32, #tpu.memory_space<vmem_shared>>
        tpu.wait_indirect_dma semaphore(%arg22 : memref<!tpu.dma_semaphore, #tpu.memory_space<semaphore_mem>>) src(%dma_wait3A_393 : memref<128x64xf32, #tpu.memory_space<vmem>>) dst(%dma_wait3A_399 : memref<10240x64xf32, #tpu.memory_space<vmem_shared>>)
        %add3A_400 = arith.constant 8 : i32
        %add3A_401 = arith.addi %mul3A_184, %add3A_400 : i32
        %add3A_402 = arith.constant 5 : i32
        %add3A_403 = arith.addi %add3A_401, %add3A_402 : i32
        %dma_start3A_404 = arith.constant 640 : i32
        %dma_start3A_405 = arith.constant 0 : i32
        %dma_start3A_406 = tpu.memref_slice %arg8[%dma_start3A_404, %dma_start3A_405] : memref<1024x64xf32, #tpu.memory_space<vmem>> -> memref<128x64xf32, #tpu.memory_space<vmem>>
        %dma_start3A_407 = arith.constant 0 : i32
        %dma_start3A_408 = tpu.memref_slice %arg6[%add3A_403, %dma_start3A_407] : memref<80x128xi32, #tpu.memory_space<vmem>> -> memref<1x128xi32, #tpu.memory_space<vmem>>
        %dma_start3A_409 = tpu.memref_squeeze %dma_start3A_408 : memref<1x128xi32, #tpu.memory_space<vmem>> -> memref<128xi32, #tpu.memory_space<vmem>>
        %dma_start3A_410 = arith.constant 0 : i32
        %dma_start3A_411 = arith.constant 0 : i32
        %dma_start3A_412 = tpu.memref_slice %arg2[%dma_start3A_410, %dma_start3A_411] : memref<10240x64xf32, #tpu.memory_space<hbm>> -> memref<10240x64xf32, #tpu.memory_space<hbm>>
        tpu.enqueue_indirect_dma source(%dma_start3A_412 : memref<10240x64xf32, #tpu.memory_space<hbm>>) target(%dma_start3A_406 : memref<128x64xf32, #tpu.memory_space<vmem>>) offsets(%dma_start3A_409 : memref<128xi32, #tpu.memory_space<vmem>>) semaphore(%arg14 : memref<!tpu.dma_semaphore, #tpu.memory_space<semaphore_mem>>)
      } else {
      }
      %lt3A_380 = arith.constant 9 : i32
      %lt3A_381 = arith.cmpi slt, %add3A_182, %lt3A_380 : i32
      %convert_element_type3A_382 = arith.extui %lt3A_381 : i1 to i32
      %cond3A_383 = arith.constant 0 : i32
      %cond3A_384 = arith.cmpi ne, %convert_element_type3A_382, %cond3A_383 : i32
      scf.if %cond3A_384 {
        %dma_wait3A_390 = arith.constant 0 : i32
        %dma_wait3A_391 = arith.constant 768 : i32
        %dma_wait3A_392 = arith.constant 0 : i32
        %dma_wait3A_393 = tpu.memref_slice %arg8[%dma_wait3A_391, %dma_wait3A_392] : memref<1024x64xf32, #tpu.memory_space<vmem>> -> memref<128x64xf32, #tpu.memory_space<vmem>>
        %dma_wait3A_394 = arith.constant 0 : i32
        %dma_wait3A_395 = tpu.memref_slice %arg7[%dma_wait3A_390, %dma_wait3A_394] : memref<80x128xi32, #tpu.memory_space<vmem>> -> memref<1x128xi32, #tpu.memory_space<vmem>>
        %dma_wait3A_396 = tpu.memref_squeeze %dma_wait3A_395 : memref<1x128xi32, #tpu.memory_space<vmem>> -> memref<128xi32, #tpu.memory_space<vmem>>
        %dma_wait3A_397 = arith.constant 0 : i32
        %dma_wait3A_398 = arith.constant 0 : i32
        %dma_wait3A_399 = tpu.memref_slice %arg25[%dma_wait3A_397, %dma_wait3A_398] : memref<10240x64xf32, #tpu.memory_space<vmem_shared>> -> memref<10240x64xf32, #tpu.memory_space<vmem_shared>>
        tpu.wait_indirect_dma semaphore(%arg23 : memref<!tpu.dma_semaphore, #tpu.memory_space<semaphore_mem>>) src(%dma_wait3A_393 : memref<128x64xf32, #tpu.memory_space<vmem>>) dst(%dma_wait3A_399 : memref<10240x64xf32, #tpu.memory_space<vmem_shared>>)
        %add3A_400 = arith.constant 8 : i32
        %add3A_401 = arith.addi %mul3A_184, %add3A_400 : i32
        %add3A_402 = arith.constant 6 : i32
        %add3A_403 = arith.addi %add3A_401, %add3A_402 : i32
        %dma_start3A_404 = arith.constant 768 : i32
        %dma_start3A_405 = arith.constant 0 : i32
        %dma_start3A_406 = tpu.memref_slice %arg8[%dma_start3A_404, %dma_start3A_405] : memref<1024x64xf32, #tpu.memory_space<vmem>> -> memref<128x64xf32, #tpu.memory_space<vmem>>
        %dma_start3A_407 = arith.constant 0 : i32
        %dma_start3A_408 = tpu.memref_slice %arg6[%add3A_403, %dma_start3A_407] : memref<80x128xi32, #tpu.memory_space<vmem>> -> memref<1x128xi32, #tpu.memory_space<vmem>>
        %dma_start3A_409 = tpu.memref_squeeze %dma_start3A_408 : memref<1x128xi32, #tpu.memory_space<vmem>> -> memref<128xi32, #tpu.memory_space<vmem>>
        %dma_start3A_410 = arith.constant 0 : i32
        %dma_start3A_411 = arith.constant 0 : i32
        %dma_start3A_412 = tpu.memref_slice %arg2[%dma_start3A_410, %dma_start3A_411] : memref<10240x64xf32, #tpu.memory_space<hbm>> -> memref<10240x64xf32, #tpu.memory_space<hbm>>
        tpu.enqueue_indirect_dma source(%dma_start3A_412 : memref<10240x64xf32, #tpu.memory_space<hbm>>) target(%dma_start3A_406 : memref<128x64xf32, #tpu.memory_space<vmem>>) offsets(%dma_start3A_409 : memref<128xi32, #tpu.memory_space<vmem>>) semaphore(%arg15 : memref<!tpu.dma_semaphore, #tpu.memory_space<semaphore_mem>>)
      } else {
      }
      %lt3A_385 = arith.constant 9 : i32
      %lt3A_386 = arith.cmpi slt, %add3A_182, %lt3A_385 : i32
      %convert_element_type3A_387 = arith.extui %lt3A_386 : i1 to i32
      %cond3A_388 = arith.constant 0 : i32
      %cond3A_389 = arith.cmpi ne, %convert_element_type3A_387, %cond3A_388 : i32
      scf.if %cond3A_389 {
        %dma_wait3A_390 = arith.constant 0 : i32
        %dma_wait3A_391 = arith.constant 896 : i32
        %dma_wait3A_392 = arith.constant 0 : i32
        %dma_wait3A_393 = tpu.memref_slice %arg8[%dma_wait3A_391, %dma_wait3A_392] : memref<1024x64xf32, #tpu.memory_space<vmem>> -> memref<128x64xf32, #tpu.memory_space<vmem>>
        %dma_wait3A_394 = arith.constant 0 : i32
        %dma_wait3A_395 = tpu.memref_slice %arg7[%dma_wait3A_390, %dma_wait3A_394] : memref<80x128xi32, #tpu.memory_space<vmem>> -> memref<1x128xi32, #tpu.memory_space<vmem>>
        %dma_wait3A_396 = tpu.memref_squeeze %dma_wait3A_395 : memref<1x128xi32, #tpu.memory_space<vmem>> -> memref<128xi32, #tpu.memory_space<vmem>>
        %dma_wait3A_397 = arith.constant 0 : i32
        %dma_wait3A_398 = arith.constant 0 : i32
        %dma_wait3A_399 = tpu.memref_slice %arg25[%dma_wait3A_397, %dma_wait3A_398] : memref<10240x64xf32, #tpu.memory_space<vmem_shared>> -> memref<10240x64xf32, #tpu.memory_space<vmem_shared>>
        tpu.wait_indirect_dma semaphore(%arg24 : memref<!tpu.dma_semaphore, #tpu.memory_space<semaphore_mem>>) src(%dma_wait3A_393 : memref<128x64xf32, #tpu.memory_space<vmem>>) dst(%dma_wait3A_399 : memref<10240x64xf32, #tpu.memory_space<vmem_shared>>)
        %add3A_400 = arith.constant 8 : i32
        %add3A_401 = arith.addi %mul3A_184, %add3A_400 : i32
        %add3A_402 = arith.constant 7 : i32
        %add3A_403 = arith.addi %add3A_401, %add3A_402 : i32
        %dma_start3A_404 = arith.constant 896 : i32
        %dma_start3A_405 = arith.constant 0 : i32
        %dma_start3A_406 = tpu.memref_slice %arg8[%dma_start3A_404, %dma_start3A_405] : memref<1024x64xf32, #tpu.memory_space<vmem>> -> memref<128x64xf32, #tpu.memory_space<vmem>>
        %dma_start3A_407 = arith.constant 0 : i32
        %dma_start3A_408 = tpu.memref_slice %arg6[%add3A_403, %dma_start3A_407] : memref<80x128xi32, #tpu.memory_space<vmem>> -> memref<1x128xi32, #tpu.memory_space<vmem>>
        %dma_start3A_409 = tpu.memref_squeeze %dma_start3A_408 : memref<1x128xi32, #tpu.memory_space<vmem>> -> memref<128xi32, #tpu.memory_space<vmem>>
        %dma_start3A_410 = arith.constant 0 : i32
        %dma_start3A_411 = arith.constant 0 : i32
        %dma_start3A_412 = tpu.memref_slice %arg2[%dma_start3A_410, %dma_start3A_411] : memref<10240x64xf32, #tpu.memory_space<hbm>> -> memref<10240x64xf32, #tpu.memory_space<hbm>>
        tpu.enqueue_indirect_dma source(%dma_start3A_412 : memref<10240x64xf32, #tpu.memory_space<hbm>>) target(%dma_start3A_406 : memref<128x64xf32, #tpu.memory_space<vmem>>) offsets(%dma_start3A_409 : memref<128xi32, #tpu.memory_space<vmem>>) semaphore(%arg16 : memref<!tpu.dma_semaphore, #tpu.memory_space<semaphore_mem>>)
      } else {
      }
    }
    %scan3A_93 = arith.constant 10 : i32
    %dma_wait3A = arith.constant 0 : i32
    %dma_wait3A_94 = arith.constant 0 : i32
    %dma_wait3A_95 = arith.constant 0 : i32
    %dma_wait3A_96 = tpu.memref_slice %arg8[%dma_wait3A_94, %dma_wait3A_95] : memref<1024x64xf32, #tpu.memory_space<vmem>> -> memref<128x64xf32, #tpu.memory_space<vmem>>
    %dma_wait3A_97 = arith.constant 0 : i32
    %dma_wait3A_98 = tpu.memref_slice %arg7[%dma_wait3A, %dma_wait3A_97] : memref<80x128xi32, #tpu.memory_space<vmem>> -> memref<1x128xi32, #tpu.memory_space<vmem>>
    %dma_wait3A_99 = tpu.memref_squeeze %dma_wait3A_98 : memref<1x128xi32, #tpu.memory_space<vmem>> -> memref<128xi32, #tpu.memory_space<vmem>>
    %dma_wait3A_100 = arith.constant 0 : i32
    %dma_wait3A_101 = arith.constant 0 : i32
    %dma_wait3A_102 = tpu.memref_slice %arg25[%dma_wait3A_100, %dma_wait3A_101] : memref<10240x64xf32, #tpu.memory_space<vmem_shared>> -> memref<10240x64xf32, #tpu.memory_space<vmem_shared>>
    tpu.wait_indirect_dma semaphore(%arg17 : memref<!tpu.dma_semaphore, #tpu.memory_space<semaphore_mem>>) src(%dma_wait3A_96 : memref<128x64xf32, #tpu.memory_space<vmem>>) dst(%dma_wait3A_102 : memref<10240x64xf32, #tpu.memory_space<vmem_shared>>)
    %dma_wait3A_103 = arith.constant 0 : i32
    %dma_wait3A_104 = arith.constant 128 : i32
    %dma_wait3A_105 = arith.constant 0 : i32
    %dma_wait3A_106 = tpu.memref_slice %arg8[%dma_wait3A_104, %dma_wait3A_105] : memref<1024x64xf32, #tpu.memory_space<vmem>> -> memref<128x64xf32, #tpu.memory_space<vmem>>
    %dma_wait3A_107 = arith.constant 0 : i32
    %dma_wait3A_108 = tpu.memref_slice %arg7[%dma_wait3A_103, %dma_wait3A_107] : memref<80x128xi32, #tpu.memory_space<vmem>> -> memref<1x128xi32, #tpu.memory_space<vmem>>
    %dma_wait3A_109 = tpu.memref_squeeze %dma_wait3A_108 : memref<1x128xi32, #tpu.memory_space<vmem>> -> memref<128xi32, #tpu.memory_space<vmem>>
    %dma_wait3A_110 = arith.constant 0 : i32
    %dma_wait3A_111 = arith.constant 0 : i32
    %dma_wait3A_112 = tpu.memref_slice %arg25[%dma_wait3A_110, %dma_wait3A_111] : memref<10240x64xf32, #tpu.memory_space<vmem_shared>> -> memref<10240x64xf32, #tpu.memory_space<vmem_shared>>
    tpu.wait_indirect_dma semaphore(%arg18 : memref<!tpu.dma_semaphore, #tpu.memory_space<semaphore_mem>>) src(%dma_wait3A_106 : memref<128x64xf32, #tpu.memory_space<vmem>>) dst(%dma_wait3A_112 : memref<10240x64xf32, #tpu.memory_space<vmem_shared>>)
    %dma_wait3A_113 = arith.constant 0 : i32
    %dma_wait3A_114 = arith.constant 256 : i32
    %dma_wait3A_115 = arith.constant 0 : i32
    %dma_wait3A_116 = tpu.memref_slice %arg8[%dma_wait3A_114, %dma_wait3A_115] : memref<1024x64xf32, #tpu.memory_space<vmem>> -> memref<128x64xf32, #tpu.memory_space<vmem>>
    %dma_wait3A_117 = arith.constant 0 : i32
    %dma_wait3A_118 = tpu.memref_slice %arg7[%dma_wait3A_113, %dma_wait3A_117] : memref<80x128xi32, #tpu.memory_space<vmem>> -> memref<1x128xi32, #tpu.memory_space<vmem>>
    %dma_wait3A_119 = tpu.memref_squeeze %dma_wait3A_118 : memref<1x128xi32, #tpu.memory_space<vmem>> -> memref<128xi32, #tpu.memory_space<vmem>>
    %dma_wait3A_120 = arith.constant 0 : i32
    %dma_wait3A_121 = arith.constant 0 : i32
    %dma_wait3A_122 = tpu.memref_slice %arg25[%dma_wait3A_120, %dma_wait3A_121] : memref<10240x64xf32, #tpu.memory_space<vmem_shared>> -> memref<10240x64xf32, #tpu.memory_space<vmem_shared>>
    tpu.wait_indirect_dma semaphore(%arg19 : memref<!tpu.dma_semaphore, #tpu.memory_space<semaphore_mem>>) src(%dma_wait3A_116 : memref<128x64xf32, #tpu.memory_space<vmem>>) dst(%dma_wait3A_122 : memref<10240x64xf32, #tpu.memory_space<vmem_shared>>)
    %dma_wait3A_123 = arith.constant 0 : i32
    %dma_wait3A_124 = arith.constant 384 : i32
    %dma_wait3A_125 = arith.constant 0 : i32
    %dma_wait3A_126 = tpu.memref_slice %arg8[%dma_wait3A_124, %dma_wait3A_125] : memref<1024x64xf32, #tpu.memory_space<vmem>> -> memref<128x64xf32, #tpu.memory_space<vmem>>
    %dma_wait3A_127 = arith.constant 0 : i32
    %dma_wait3A_128 = tpu.memref_slice %arg7[%dma_wait3A_123, %dma_wait3A_127] : memref<80x128xi32, #tpu.memory_space<vmem>> -> memref<1x128xi32, #tpu.memory_space<vmem>>
    %dma_wait3A_129 = tpu.memref_squeeze %dma_wait3A_128 : memref<1x128xi32, #tpu.memory_space<vmem>> -> memref<128xi32, #tpu.memory_space<vmem>>
    %dma_wait3A_130 = arith.constant 0 : i32
    %dma_wait3A_131 = arith.constant 0 : i32
    %dma_wait3A_132 = tpu.memref_slice %arg25[%dma_wait3A_130, %dma_wait3A_131] : memref<10240x64xf32, #tpu.memory_space<vmem_shared>> -> memref<10240x64xf32, #tpu.memory_space<vmem_shared>>
    tpu.wait_indirect_dma semaphore(%arg20 : memref<!tpu.dma_semaphore, #tpu.memory_space<semaphore_mem>>) src(%dma_wait3A_126 : memref<128x64xf32, #tpu.memory_space<vmem>>) dst(%dma_wait3A_132 : memref<10240x64xf32, #tpu.memory_space<vmem_shared>>)
    %dma_wait3A_133 = arith.constant 0 : i32
    %dma_wait3A_134 = arith.constant 512 : i32
    %dma_wait3A_135 = arith.constant 0 : i32
    %dma_wait3A_136 = tpu.memref_slice %arg8[%dma_wait3A_134, %dma_wait3A_135] : memref<1024x64xf32, #tpu.memory_space<vmem>> -> memref<128x64xf32, #tpu.memory_space<vmem>>
    %dma_wait3A_137 = arith.constant 0 : i32
    %dma_wait3A_138 = tpu.memref_slice %arg7[%dma_wait3A_133, %dma_wait3A_137] : memref<80x128xi32, #tpu.memory_space<vmem>> -> memref<1x128xi32, #tpu.memory_space<vmem>>
    %dma_wait3A_139 = tpu.memref_squeeze %dma_wait3A_138 : memref<1x128xi32, #tpu.memory_space<vmem>> -> memref<128xi32, #tpu.memory_space<vmem>>
    %dma_wait3A_140 = arith.constant 0 : i32
    %dma_wait3A_141 = arith.constant 0 : i32
    %dma_wait3A_142 = tpu.memref_slice %arg25[%dma_wait3A_140, %dma_wait3A_141] : memref<10240x64xf32, #tpu.memory_space<vmem_shared>> -> memref<10240x64xf32, #tpu.memory_space<vmem_shared>>
    tpu.wait_indirect_dma semaphore(%arg21 : memref<!tpu.dma_semaphore, #tpu.memory_space<semaphore_mem>>) src(%dma_wait3A_136 : memref<128x64xf32, #tpu.memory_space<vmem>>) dst(%dma_wait3A_142 : memref<10240x64xf32, #tpu.memory_space<vmem_shared>>)
    %dma_wait3A_143 = arith.constant 0 : i32
    %dma_wait3A_144 = arith.constant 640 : i32
    %dma_wait3A_145 = arith.constant 0 : i32
    %dma_wait3A_146 = tpu.memref_slice %arg8[%dma_wait3A_144, %dma_wait3A_145] : memref<1024x64xf32, #tpu.memory_space<vmem>> -> memref<128x64xf32, #tpu.memory_space<vmem>>
    %dma_wait3A_147 = arith.constant 0 : i32
    %dma_wait3A_148 = tpu.memref_slice %arg7[%dma_wait3A_143, %dma_wait3A_147] : memref<80x128xi32, #tpu.memory_space<vmem>> -> memref<1x128xi32, #tpu.memory_space<vmem>>
    %dma_wait3A_149 = tpu.memref_squeeze %dma_wait3A_148 : memref<1x128xi32, #tpu.memory_space<vmem>> -> memref<128xi32, #tpu.memory_space<vmem>>
    %dma_wait3A_150 = arith.constant 0 : i32
    %dma_wait3A_151 = arith.constant 0 : i32
    %dma_wait3A_152 = tpu.memref_slice %arg25[%dma_wait3A_150, %dma_wait3A_151] : memref<10240x64xf32, #tpu.memory_space<vmem_shared>> -> memref<10240x64xf32, #tpu.memory_space<vmem_shared>>
    tpu.wait_indirect_dma semaphore(%arg22 : memref<!tpu.dma_semaphore, #tpu.memory_space<semaphore_mem>>) src(%dma_wait3A_146 : memref<128x64xf32, #tpu.memory_space<vmem>>) dst(%dma_wait3A_152 : memref<10240x64xf32, #tpu.memory_space<vmem_shared>>)
    %dma_wait3A_153 = arith.constant 0 : i32
    %dma_wait3A_154 = arith.constant 768 : i32
    %dma_wait3A_155 = arith.constant 0 : i32
    %dma_wait3A_156 = tpu.memref_slice %arg8[%dma_wait3A_154, %dma_wait3A_155] : memref<1024x64xf32, #tpu.memory_space<vmem>> -> memref<128x64xf32, #tpu.memory_space<vmem>>
    %dma_wait3A_157 = arith.constant 0 : i32
    %dma_wait3A_158 = tpu.memref_slice %arg7[%dma_wait3A_153, %dma_wait3A_157] : memref<80x128xi32, #tpu.memory_space<vmem>> -> memref<1x128xi32, #tpu.memory_space<vmem>>
    %dma_wait3A_159 = tpu.memref_squeeze %dma_wait3A_158 : memref<1x128xi32, #tpu.memory_space<vmem>> -> memref<128xi32, #tpu.memory_space<vmem>>
    %dma_wait3A_160 = arith.constant 0 : i32
    %dma_wait3A_161 = arith.constant 0 : i32
    %dma_wait3A_162 = tpu.memref_slice %arg25[%dma_wait3A_160, %dma_wait3A_161] : memref<10240x64xf32, #tpu.memory_space<vmem_shared>> -> memref<10240x64xf32, #tpu.memory_space<vmem_shared>>
    tpu.wait_indirect_dma semaphore(%arg23 : memref<!tpu.dma_semaphore, #tpu.memory_space<semaphore_mem>>) src(%dma_wait3A_156 : memref<128x64xf32, #tpu.memory_space<vmem>>) dst(%dma_wait3A_162 : memref<10240x64xf32, #tpu.memory_space<vmem_shared>>)
    %dma_wait3A_163 = arith.constant 0 : i32
    %dma_wait3A_164 = arith.constant 896 : i32
    %dma_wait3A_165 = arith.constant 0 : i32
    %dma_wait3A_166 = tpu.memref_slice %arg8[%dma_wait3A_164, %dma_wait3A_165] : memref<1024x64xf32, #tpu.memory_space<vmem>> -> memref<128x64xf32, #tpu.memory_space<vmem>>
    %dma_wait3A_167 = arith.constant 0 : i32
    %dma_wait3A_168 = tpu.memref_slice %arg7[%dma_wait3A_163, %dma_wait3A_167] : memref<80x128xi32, #tpu.memory_space<vmem>> -> memref<1x128xi32, #tpu.memory_space<vmem>>
    %dma_wait3A_169 = tpu.memref_squeeze %dma_wait3A_168 : memref<1x128xi32, #tpu.memory_space<vmem>> -> memref<128xi32, #tpu.memory_space<vmem>>
    %dma_wait3A_170 = arith.constant 0 : i32
    %dma_wait3A_171 = arith.constant 0 : i32
    %dma_wait3A_172 = tpu.memref_slice %arg25[%dma_wait3A_170, %dma_wait3A_171] : memref<10240x64xf32, #tpu.memory_space<vmem_shared>> -> memref<10240x64xf32, #tpu.memory_space<vmem_shared>>
    tpu.wait_indirect_dma semaphore(%arg24 : memref<!tpu.dma_semaphore, #tpu.memory_space<semaphore_mem>>) src(%dma_wait3A_166 : memref<128x64xf32, #tpu.memory_space<vmem>>) dst(%dma_wait3A_172 : memref<10240x64xf32, #tpu.memory_space<vmem_shared>>)
    %barrier3A_173 = arith.constant 0 : index
    tpu.barrier barrier_id(%barrier3A_173)
    %mul3A_174 = arith.constant 640 : i32
    %mul3A_175 = arith.muli %arg1, %mul3A_174 : i32
    %mul3A_176 = arith.constant 640 : i32
    %mul3A_177 = arith.muli %arg1, %mul3A_176 : i32
    "tpu.region"() ({
      %run_scoped3A = tpu.sem_alloc : memref<!tpu.dma_semaphore, #tpu.memory_space<semaphore_mem>>
      %dma_start3A_178 = arith.constant 0 : i32
      %dma_start3A_179 = arith.constant 0 : i32
      %dma_start3A_180 = tpu.memref_slice %arg5[%arg0, %dma_start3A_178, %dma_start3A_179] : memref<2x10240x64xf32, #tpu.memory_space<hbm>> -> memref<1x10240x64xf32, #tpu.memory_space<hbm>>
      %dma_start3A_181 = tpu.memref_squeeze %dma_start3A_180 : memref<1x10240x64xf32, #tpu.memory_space<hbm>> -> memref<10240x64xf32, #tpu.memory_space<hbm>>
      %dma_start3A_182 = arith.constant 0 : i32
      %dma_start3A_183 = tpu.memref_slice %dma_start3A_181[%mul3A_177, %dma_start3A_182] : memref<10240x64xf32, #tpu.memory_space<hbm>> -> memref<640x64xf32, #tpu.memory_space<hbm>>
      %dma_start3A_184 = arith.constant 0 : i32
      %dma_start3A_185 = tpu.memref_slice %arg25[%mul3A_175, %dma_start3A_184] : memref<10240x64xf32, #tpu.memory_space<vmem_shared>> -> memref<640x64xf32, #tpu.memory_space<vmem_shared>>
      tpu.enqueue_dma source(%dma_start3A_185 : memref<640x64xf32, #tpu.memory_space<vmem_shared>>) target(%dma_start3A_183 : memref<640x64xf32, #tpu.memory_space<hbm>>) target_semaphore(%run_scoped3A : memref<!tpu.dma_semaphore, #tpu.memory_space<semaphore_mem>>)
      %dma_wait3A_186 = arith.constant 0 : i32
      %dma_wait3A_187 = arith.constant 0 : i32
      %dma_wait3A_188 = tpu.memref_slice %arg5[%arg0, %dma_wait3A_186, %dma_wait3A_187] : memref<2x10240x64xf32, #tpu.memory_space<hbm>> -> memref<1x10240x64xf32, #tpu.memory_space<hbm>>
      %dma_wait3A_189 = tpu.memref_squeeze %dma_wait3A_188 : memref<1x10240x64xf32, #tpu.memory_space<hbm>> -> memref<10240x64xf32, #tpu.memory_space<hbm>>
      %dma_wait3A_190 = arith.constant 0 : i32
      %dma_wait3A_191 = tpu.memref_slice %dma_wait3A_189[%mul3A_177, %dma_wait3A_190] : memref<10240x64xf32, #tpu.memory_space<hbm>> -> memref<640x64xf32, #tpu.memory_space<hbm>>
      %dma_wait3A_192 = arith.constant 0 : i32
      %dma_wait3A_193 = tpu.memref_slice %arg25[%mul3A_175, %dma_wait3A_192] : memref<10240x64xf32, #tpu.memory_space<vmem_shared>> -> memref<640x64xf32, #tpu.memory_space<vmem_shared>>
      tpu.wait_dma2 semaphore(%run_scoped3A : memref<!tpu.dma_semaphore, #tpu.memory_space<semaphore_mem>>) src(%dma_wait3A_193 : memref<640x64xf32, #tpu.memory_space<vmem_shared>>) dst(%dma_wait3A_191 : memref<640x64xf32, #tpu.memory_space<hbm>>)
      tpu.yield
    }) : () -> ()
    return
  }
}

module attributes {stable_mosaic.version = 14 : i64} {
  func.func @_tca_body(%arg0: i32, %arg1: memref<2560x128xf32, #tpu.memory_space<vmem>>, %arg2: memref<64x128xf32, #tpu.memory_space<vmem>>, %arg3: memref<2560x64xf32, #tpu.memory_space<vmem>>) attributes {dimension_semantics = [#tpu.dimension_semantics<arbitrary>], iteration_bounds = array<i64: 4>, scalar_prefetch = 0 : i64, scratch_operands = 0 : i64, tpu.core_type = #tpu.core_type<tc>, window_params = [{transform_indices = @transform_0, window_bounds = array<i64: 2560, 128>}, {pipeline_mode = #tpu.pipeline_mode<synchronous>, transform_indices = @transform_1, window_bounds = array<i64: 64, 128>}, {transform_indices = @transform_2, window_bounds = array<i64: 2560, 64>}]} {
    %get3A = arith.constant 0 : index
    %get3A_0 = arith.constant 0 : index
    %get3A_1 = vector.load %arg1[%get3A, %get3A_0] : memref<2560x128xf32, #tpu.memory_space<vmem>>, vector<2560x128xf32>
    %get3A_2 = arith.constant 0 : index
    %get3A_3 = arith.constant 0 : index
    %get3A_4 = vector.load %arg2[%get3A_2, %get3A_3] : memref<64x128xf32, #tpu.memory_space<vmem>>, vector<64x128xf32>
    %dot_general3A = arith.constant dense<0.000000e+00> : vector<2560x64xf32>
    %dot_general3A_5 = tpu.matmul %get3A_1, %get3A_4, %dot_general3A {dimension_numbers = #tpu.dot_dimension_numbers<[1], [1], [0], [0], [0, 0, 1, 0], [], []>, transpose_lhs_hint = false} : vector<2560x128xf32>, vector<64x128xf32>, vector<2560x64xf32> -> vector<2560x64xf32>
    %mul3A = arith.constant 2560 : i32
    %mul3A_6 = arith.muli %arg0, %mul3A : i32
    %iota3A = tpu.iota {dimensions = array<i32: 0>} : vector<2560x1xi32>
    %add3A = vector.broadcast %mul3A_6 : i32 to vector<2560x1xi32>
    %add3A_7 = arith.addi %add3A, %iota3A : vector<2560x1xi32>
    %lt3A = arith.constant 10000 : i32
    %lt3A_8 = vector.broadcast %lt3A : i32 to vector<2560x1xi32>
    %lt3A_9 = arith.cmpi slt, %add3A_7, %lt3A_8 : vector<2560x1xi32>
    %jit3A = arith.constant 0.000000e+00 : f32
    %broadcast_in_dim3A = vector.shape_cast %lt3A_9 : vector<2560x1xi1> to vector<2560x1xi1>
    %broadcast_in_dim3A_10 = vector.broadcast %broadcast_in_dim3A : vector<2560x1xi1> to vector<2560x64xi1>
    %broadcast_in_dim3A_11 = vector.broadcast %jit3A : f32 to vector<2560x64xf32>
    %select_n3A = arith.select %broadcast_in_dim3A_10, %dot_general3A_5, %broadcast_in_dim3A_11 : vector<2560x64xi1>, vector<2560x64xf32>
    %swap3A = arith.constant 0 : index
    %swap3A_12 = arith.constant 0 : index
    %swap3A_13 = vector.load %arg3[%swap3A, %swap3A_12] : memref<2560x64xf32, #tpu.memory_space<vmem>>, vector<2560x64xf32>
    tpu.vector_store %arg3[%swap3A, %swap3A_12], %select_n3A {strides = array<i32>} : memref<2560x64xf32, #tpu.memory_space<vmem>>, vector<2560x64xf32>,
    return
  }
  func.func @transform_0(%arg0: i32) -> (i32, i32) {
    %c0_i32 = arith.constant 0 : i32
    %c0_i32_0 = arith.constant 0 : i32
    return %arg0, %c0_i32 : i32, i32
  }
  func.func @transform_1(%arg0: i32) -> (i32, i32) {
    %c0_i32 = arith.constant 0 : i32
    %c0_i32_0 = arith.constant 0 : i32
    %c0_i32_1 = arith.constant 0 : i32
    return %c0_i32, %c0_i32_0 : i32, i32
  }
  func.func @transform_2(%arg0: i32) -> (i32, i32) {
    %c0_i32 = arith.constant 0 : i32
    %c0_i32_0 = arith.constant 0 : i32
    return %arg0, %c0_i32 : i32, i32
  }
}

module attributes {stable_mosaic.version = 14 : i64} {
  func.func @_tcb_body(%arg0: i32, %arg1: memref<2x2560x16xf32, #tpu.memory_space<vmem>>, %arg2: memref<2560x64xf32, #tpu.memory_space<vmem>>, %arg3: memref<2560x64xf32, #tpu.memory_space<vmem>>, %arg4: memref<2560x16xf32, #tpu.memory_space<vmem>>) attributes {dimension_semantics = [#tpu.dimension_semantics<arbitrary>], iteration_bounds = array<i64: 4>, scalar_prefetch = 0 : i64, scratch_operands = 0 : i64, tpu.core_type = #tpu.core_type<tc>, window_params = [{transform_indices = @transform_0, window_bounds = array<i64: 2, 2560, 16>}, {transform_indices = @transform_1, window_bounds = array<i64: 2560, 64>}, {transform_indices = @transform_2, window_bounds = array<i64: 2560, 64>}, {transform_indices = @transform_3, window_bounds = array<i64: 2560, 16>}]} {
    %get3A = arith.constant 0 : index
    %get3A_0 = arith.constant 0 : index
    %get3A_1 = arith.constant 0 : index
    %get3A_2 = vector.load %arg1[%get3A, %get3A_0, %get3A_1] : memref<2x2560x16xf32, #tpu.memory_space<vmem>>, vector<1x2560x1xf32>
    %get3A_3 = vector.shape_cast %get3A_2 : vector<1x2560x1xf32> to vector<2560x1xf32>
    %get3A_4 = arith.constant 1 : index
    %get3A_5 = arith.constant 0 : index
    %get3A_6 = arith.constant 0 : index
    %get3A_7 = vector.load %arg1[%get3A_4, %get3A_5, %get3A_6] : memref<2x2560x16xf32, #tpu.memory_space<vmem>>, vector<1x2560x1xf32>
    %get3A_8 = vector.shape_cast %get3A_7 : vector<1x2560x1xf32> to vector<2560x1xf32>
    %add3A = arith.addf %get3A_3, %get3A_8 : vector<2560x1xf32>
    %add3A_9 = arith.constant 1.000000e+00 : f32
    %add3A_10 = vector.broadcast %add3A_9 : f32 to vector<2560x1xf32>
    %add3A_11 = arith.addf %add3A, %add3A_10 : vector<2560x1xf32>
    %rsqrt3A = math.rsqrt %add3A_11 : vector<2560x1xf32>
    %broadcast_in_dim3A = vector.shape_cast %rsqrt3A : vector<2560x1xf32> to vector<2560x1xf32>
    %broadcast_in_dim3A_12 = vector.broadcast %broadcast_in_dim3A : vector<2560x1xf32> to vector<2560x16xf32>
    %swap3A = arith.constant 0 : index
    %swap3A_13 = arith.constant 0 : index
    %swap3A_14 = vector.load %arg4[%swap3A, %swap3A_13] : memref<2560x16xf32, #tpu.memory_space<vmem>>, vector<2560x16xf32>
    tpu.vector_store %arg4[%swap3A, %swap3A_13], %broadcast_in_dim3A_12 {strides = array<i32>} : memref<2560x16xf32, #tpu.memory_space<vmem>>, vector<2560x16xf32>,
    %get3A_15 = arith.constant 0 : index
    %get3A_16 = arith.constant 0 : index
    %get3A_17 = vector.load %arg2[%get3A_15, %get3A_16] : memref<2560x64xf32, #tpu.memory_space<vmem>>, vector<2560x64xf32>
    %mul3A = vector.broadcast %rsqrt3A : vector<2560x1xf32> to vector<2560x64xf32>
    %mul3A_18 = arith.mulf %get3A_17, %mul3A : vector<2560x64xf32>
    %swap3A_19 = arith.constant 0 : index
    %swap3A_20 = arith.constant 0 : index
    %swap3A_21 = vector.load %arg3[%swap3A_19, %swap3A_20] : memref<2560x64xf32, #tpu.memory_space<vmem>>, vector<2560x64xf32>
    tpu.vector_store %arg3[%swap3A_19, %swap3A_20], %mul3A_18 {strides = array<i32>} : memref<2560x64xf32, #tpu.memory_space<vmem>>, vector<2560x64xf32>,
    return
  }
  func.func @transform_0(%arg0: i32) -> (i32, i32, i32) {
    %c0_i32 = arith.constant 0 : i32
    %c0_i32_0 = arith.constant 0 : i32
    %c0_i32_1 = arith.constant 0 : i32
    return %c0_i32, %arg0, %c0_i32_0 : i32, i32, i32
  }
  func.func @transform_1(%arg0: i32) -> (i32, i32) {
    %c0_i32 = arith.constant 0 : i32
    %c0_i32_0 = arith.constant 0 : i32
    return %arg0, %c0_i32 : i32, i32
  }
  func.func @transform_2(%arg0: i32) -> (i32, i32) {
    %c0_i32 = arith.constant 0 : i32
    %c0_i32_0 = arith.constant 0 : i32
    return %arg0, %c0_i32 : i32, i32
  }
  func.func @transform_3(%arg0: i32) -> (i32, i32) {
    %c0_i32 = arith.constant 0 : i32
    %c0_i32_0 = arith.constant 0 : i32
    return %arg0, %c0_i32 : i32, i32
  }
}

module attributes {stable_mosaic.version = 14 : i64} {
  func.func @_tc2_body(%arg0: i32, %arg1: memref<2x2560x64xf32, #tpu.memory_space<vmem>>, %arg2: memref<2560x64xf32, #tpu.memory_space<vmem>>, %arg3: memref<2560x16xf32, #tpu.memory_space<vmem>>, %arg4: memref<1x64xf32, #tpu.memory_space<vmem>>, %arg5: memref<64x64xf32, #tpu.memory_space<vmem>>, %arg6: memref<2560x64xf32, #tpu.memory_space<vmem>>) attributes {dimension_semantics = [#tpu.dimension_semantics<arbitrary>], iteration_bounds = array<i64: 4>, scalar_prefetch = 0 : i64, scratch_operands = 0 : i64, tpu.core_type = #tpu.core_type<tc>, window_params = [{transform_indices = @transform_0, window_bounds = array<i64: 2, 2560, 64>}, {transform_indices = @transform_1, window_bounds = array<i64: 2560, 64>}, {transform_indices = @transform_2, window_bounds = array<i64: 2560, 16>}, {pipeline_mode = #tpu.pipeline_mode<synchronous>, transform_indices = @transform_3, window_bounds = array<i64: 1, 64>}, {pipeline_mode = #tpu.pipeline_mode<synchronous>, transform_indices = @transform_4, window_bounds = array<i64: 64, 64>}, {transform_indices = @transform_5, window_bounds = array<i64: 2560, 64>}]} {
    %get3A = arith.constant 0 : index
    %get3A_0 = arith.constant 0 : index
    %get3A_1 = vector.load %arg3[%get3A, %get3A_0] : memref<2560x16xf32, #tpu.memory_space<vmem>>, vector<2560x1xf32>
    %get3A_2 = arith.constant 0 : index
    %get3A_3 = arith.constant 0 : index
    %get3A_4 = arith.constant 0 : index
    %get3A_5 = vector.load %arg1[%get3A_2, %get3A_3, %get3A_4] : memref<2x2560x64xf32, #tpu.memory_space<vmem>>, vector<1x2560x64xf32>
    %get3A_6 = vector.shape_cast %get3A_5 : vector<1x2560x64xf32> to vector<2560x64xf32>
    %get3A_7 = arith.constant 1 : index
    %get3A_8 = arith.constant 0 : index
    %get3A_9 = arith.constant 0 : index
    %get3A_10 = vector.load %arg1[%get3A_7, %get3A_8, %get3A_9] : memref<2x2560x64xf32, #tpu.memory_space<vmem>>, vector<1x2560x64xf32>
    %get3A_11 = vector.shape_cast %get3A_10 : vector<1x2560x64xf32> to vector<2560x64xf32>
    %add3A = arith.addf %get3A_6, %get3A_11 : vector<2560x64xf32>
    %get3A_12 = arith.constant 0 : index
    %get3A_13 = arith.constant 0 : index
    %get3A_14 = vector.load %arg2[%get3A_12, %get3A_13] : memref<2560x64xf32, #tpu.memory_space<vmem>>, vector<2560x64xf32>
    %add3A_15 = arith.addf %add3A, %get3A_14 : vector<2560x64xf32>
    %mul3A = vector.broadcast %get3A_1 : vector<2560x1xf32> to vector<2560x64xf32>
    %mul3A_16 = arith.mulf %mul3A, %add3A_15 : vector<2560x64xf32>
    %get3A_17 = arith.constant 0 : index
    %get3A_18 = arith.constant 0 : index
    %get3A_19 = vector.load %arg4[%get3A_17, %get3A_18] : memref<1x64xf32, #tpu.memory_space<vmem>>, vector<1x64xf32>
    %add3A_20 = vector.broadcast %get3A_19 : vector<1x64xf32> to vector<2560x64xf32>
    %add3A_21 = arith.addf %mul3A_16, %add3A_20 : vector<2560x64xf32>
    %max3A = arith.constant 0.000000e+00 : f32
    %max3A_22 = vector.broadcast %max3A : f32 to vector<2560x64xf32>
    %max3A_23 = arith.maximumf %add3A_21, %max3A_22 : vector<2560x64xf32>
    %get3A_24 = arith.constant 0 : index
    %get3A_25 = arith.constant 0 : index
    %get3A_26 = vector.load %arg5[%get3A_24, %get3A_25] : memref<64x64xf32, #tpu.memory_space<vmem>>, vector<64x64xf32>
    %dot_general3A = arith.constant dense<0.000000e+00> : vector<2560x64xf32>
    %dot_general3A_27 = tpu.matmul %max3A_23, %get3A_26, %dot_general3A {dimension_numbers = #tpu.dot_dimension_numbers<[1], [1], [0], [0], [0, 0, 1, 0], [], []>, transpose_lhs_hint = false} : vector<2560x64xf32>, vector<64x64xf32>, vector<2560x64xf32> -> vector<2560x64xf32>
    %mul3A_28 = vector.broadcast %get3A_1 : vector<2560x1xf32> to vector<2560x64xf32>
    %mul3A_29 = arith.mulf %dot_general3A_27, %mul3A_28 : vector<2560x64xf32>
    %swap3A = arith.constant 0 : index
    %swap3A_30 = arith.constant 0 : index
    %swap3A_31 = vector.load %arg6[%swap3A, %swap3A_30] : memref<2560x64xf32, #tpu.memory_space<vmem>>, vector<2560x64xf32>
    tpu.vector_store %arg6[%swap3A, %swap3A_30], %mul3A_29 {strides = array<i32>} : memref<2560x64xf32, #tpu.memory_space<vmem>>, vector<2560x64xf32>,
    return
  }
  func.func @transform_0(%arg0: i32) -> (i32, i32, i32) {
    %c0_i32 = arith.constant 0 : i32
    %c0_i32_0 = arith.constant 0 : i32
    %c0_i32_1 = arith.constant 0 : i32
    return %c0_i32, %arg0, %c0_i32_0 : i32, i32, i32
  }
  func.func @transform_1(%arg0: i32) -> (i32, i32) {
    %c0_i32 = arith.constant 0 : i32
    %c0_i32_0 = arith.constant 0 : i32
    return %arg0, %c0_i32 : i32, i32
  }
  func.func @transform_2(%arg0: i32) -> (i32, i32) {
    %c0_i32 = arith.constant 0 : i32
    %c0_i32_0 = arith.constant 0 : i32
    return %arg0, %c0_i32 : i32, i32
  }
  func.func @transform_3(%arg0: i32) -> (i32, i32) {
    %c0_i32 = arith.constant 0 : i32
    %c0_i32_0 = arith.constant 0 : i32
    %c0_i32_1 = arith.constant 0 : i32
    return %c0_i32, %c0_i32_0 : i32, i32
  }
  func.func @transform_4(%arg0: i32) -> (i32, i32) {
    %c0_i32 = arith.constant 0 : i32
    %c0_i32_0 = arith.constant 0 : i32
    %c0_i32_1 = arith.constant 0 : i32
    return %c0_i32, %c0_i32_0 : i32, i32
  }
  func.func @transform_5(%arg0: i32) -> (i32, i32) {
    %c0_i32 = arith.constant 0 : i32
    %c0_i32_0 = arith.constant 0 : i32
    return %arg0, %c0_i32 : i32, i32
  }
}

module attributes {stable_mosaic.version = 14 : i64} {
  func.func @_tc3_body(%arg0: i32, %arg1: memref<2x2560x64xf32, #tpu.memory_space<vmem>>, %arg2: memref<2560x64xf32, #tpu.memory_space<vmem>>, %arg3: memref<2560x16xf32, #tpu.memory_space<vmem>>, %arg4: memref<1x64xf32, #tpu.memory_space<vmem>>, %arg5: memref<2560x1xi32, #tpu.memory_space<vmem>>, %arg6: memref<29x64xf32, #tpu.memory_space<vmem>>, %arg7: memref<1x29xf32, #tpu.memory_space<vmem>>, %arg8: memref<256x29xf32, #tpu.memory_space<vmem>>, %arg9: memref<256x65xf32, #tpu.memory_space<vmem>>) attributes {dimension_semantics = [#tpu.dimension_semantics<arbitrary>], iteration_bounds = array<i64: 4>, scalar_prefetch = 0 : i64, scratch_operands = 1 : i64, tpu.core_type = #tpu.core_type<tc>, window_params = [{transform_indices = @transform_0, window_bounds = array<i64: 2, 2560, 64>}, {transform_indices = @transform_1, window_bounds = array<i64: 2560, 64>}, {transform_indices = @transform_2, window_bounds = array<i64: 2560, 16>}, {pipeline_mode = #tpu.pipeline_mode<synchronous>, transform_indices = @transform_3, window_bounds = array<i64: 1, 64>}, {transform_indices = @transform_4, window_bounds = array<i64: 2560, 1>}, {pipeline_mode = #tpu.pipeline_mode<synchronous>, transform_indices = @transform_5, window_bounds = array<i64: 29, 64>}, {pipeline_mode = #tpu.pipeline_mode<synchronous>, transform_indices = @transform_6, window_bounds = array<i64: 1, 29>}, {pipeline_mode = #tpu.pipeline_mode<synchronous>, transform_indices = @transform_7, window_bounds = array<i64: 256, 29>}]} {
    %get3A = arith.constant 0 : index
    %get3A_0 = arith.constant 0 : index
    %get3A_1 = vector.load %arg3[%get3A, %get3A_0] : memref<2560x16xf32, #tpu.memory_space<vmem>>, vector<2560x1xf32>
    %get3A_2 = arith.constant 0 : index
    %get3A_3 = arith.constant 0 : index
    %get3A_4 = arith.constant 0 : index
    %get3A_5 = vector.load %arg1[%get3A_2, %get3A_3, %get3A_4] : memref<2x2560x64xf32, #tpu.memory_space<vmem>>, vector<1x2560x64xf32>
    %get3A_6 = vector.shape_cast %get3A_5 : vector<1x2560x64xf32> to vector<2560x64xf32>
    %get3A_7 = arith.constant 1 : index
    %get3A_8 = arith.constant 0 : index
    %get3A_9 = arith.constant 0 : index
    %get3A_10 = vector.load %arg1[%get3A_7, %get3A_8, %get3A_9] : memref<2x2560x64xf32, #tpu.memory_space<vmem>>, vector<1x2560x64xf32>
    %get3A_11 = vector.shape_cast %get3A_10 : vector<1x2560x64xf32> to vector<2560x64xf32>
    %add3A = arith.addf %get3A_6, %get3A_11 : vector<2560x64xf32>
    %get3A_12 = arith.constant 0 : index
    %get3A_13 = arith.constant 0 : index
    %get3A_14 = vector.load %arg2[%get3A_12, %get3A_13] : memref<2560x64xf32, #tpu.memory_space<vmem>>, vector<2560x64xf32>
    %add3A_15 = arith.addf %add3A, %get3A_14 : vector<2560x64xf32>
    %mul3A = vector.broadcast %get3A_1 : vector<2560x1xf32> to vector<2560x64xf32>
    %mul3A_16 = arith.mulf %mul3A, %add3A_15 : vector<2560x64xf32>
    %get3A_17 = arith.constant 0 : index
    %get3A_18 = arith.constant 0 : index
    %get3A_19 = vector.load %arg4[%get3A_17, %get3A_18] : memref<1x64xf32, #tpu.memory_space<vmem>>, vector<1x64xf32>
    %add3A_20 = vector.broadcast %get3A_19 : vector<1x64xf32> to vector<2560x64xf32>
    %add3A_21 = arith.addf %mul3A_16, %add3A_20 : vector<2560x64xf32>
    %max3A = arith.constant 0.000000e+00 : f32
    %max3A_22 = vector.broadcast %max3A : f32 to vector<2560x64xf32>
    %max3A_23 = arith.maximumf %add3A_21, %max3A_22 : vector<2560x64xf32>
    %mul3A_24 = arith.constant 2560 : i32
    %mul3A_25 = arith.muli %arg0, %mul3A_24 : i32
    %iota3A = tpu.iota {dimensions = array<i32: 0>} : vector<2560x1xi32>
    %add3A_26 = vector.broadcast %mul3A_25 : i32 to vector<2560x1xi32>
    %add3A_27 = arith.addi %add3A_26, %iota3A : vector<2560x1xi32>
    %lt3A = arith.constant 10000 : i32
    %lt3A_28 = vector.broadcast %lt3A : i32 to vector<2560x1xi32>
    %lt3A_29 = arith.cmpi slt, %add3A_27, %lt3A_28 : vector<2560x1xi32>
    %get3A_30 = arith.constant 0 : index
    %get3A_31 = arith.constant 0 : index
    %get3A_32 = vector.load %arg5[%get3A_30, %get3A_31] : memref<2560x1xi32, #tpu.memory_space<vmem>>, vector<2560x1xi32>
    %iota3A_33 = tpu.iota {dimensions = array<i32: 1>} : vector<1x256xi32>
    %iota3A_34 = vector.shape_cast %iota3A_33 : vector<1x256xi32> to vector<256xi32>
    %broadcast_in_dim3A = vector.shape_cast %iota3A_34 : vector<256xi32> to vector<1x256xi32>
    %eq3A = vector.broadcast %get3A_32 : vector<2560x1xi32> to vector<2560x256xi32>
    %eq3A_35 = vector.broadcast %broadcast_in_dim3A : vector<1x256xi32> to vector<2560x256xi32>
    %eq3A_36 = arith.cmpi eq, %eq3A, %eq3A_35 : vector<2560x256xi32>
    %convert_element_type3A = arith.extui %eq3A_36 : vector<2560x256xi1> to vector<2560x256xi32>
    %convert_element_type3A_37 = arith.sitofp %convert_element_type3A : vector<2560x256xi32> to vector<2560x256xf32>
    %jit3A = arith.constant 0.000000e+00 : f32
    %broadcast_in_dim3A_38 = vector.shape_cast %lt3A_29 : vector<2560x1xi1> to vector<2560x1xi1>
    %broadcast_in_dim3A_39 = vector.broadcast %broadcast_in_dim3A_38 : vector<2560x1xi1> to vector<2560x256xi1>
    %broadcast_in_dim3A_40 = vector.broadcast %jit3A : f32 to vector<2560x256xf32>
    %select_n3A = arith.select %broadcast_in_dim3A_39, %convert_element_type3A_37, %broadcast_in_dim3A_40 : vector<2560x256xi1>, vector<2560x256xf32>
    %broadcast_in_dim3A_41 = arith.constant 1.000000e+00 : f32
    %broadcast_in_dim3A_42 = vector.broadcast %broadcast_in_dim3A_41 : f32 to vector<2560x1xf32>
    %concatenate3A = tpu.concatenate %max3A_23, %broadcast_in_dim3A_42 in 1 : vector<2560x64xf32>, vector<2560x1xf32> -> vector<2560x65xf32>
    %dot_general3A = arith.constant dense<0.000000e+00> : vector<256x65xf32>
    %dot_general3A_43 = tpu.matmul %select_n3A, %concatenate3A, %dot_general3A {dimension_numbers = #tpu.dot_dimension_numbers<[0], [0], [1], [1], [0, 1, 1, 1], [], []>, transpose_lhs_hint = false} : vector<2560x256xf32>, vector<2560x65xf32>, vector<256x65xf32> -> vector<256x65xf32>
    %eq3A_44 = arith.constant 0 : i32
    %eq3A_45 = arith.cmpi eq, %arg0, %eq3A_44 : i32
    %convert_element_type3A_46 = arith.extui %eq3A_45 : i1 to i32
    %cond3A = arith.constant 0 : i32
    %cond3A_47 = arith.cmpi ne, %convert_element_type3A_46, %cond3A : i32
    scf.if %cond3A_47 {
      %swap3A = arith.constant 0 : index
      %swap3A_57 = arith.constant 0 : index
      %swap3A_58 = vector.load %arg9[%swap3A, %swap3A_57] : memref<256x65xf32, #tpu.memory_space<vmem>>, vector<256x65xf32>
      tpu.vector_store %arg9[%swap3A, %swap3A_57], %dot_general3A_43 {strides = array<i32>} : memref<256x65xf32, #tpu.memory_space<vmem>>, vector<256x65xf32>,
    } else {
    }
    %gt3A = arith.constant 0 : i32
    %gt3A_48 = arith.cmpi sgt, %arg0, %gt3A : i32
    %convert_element_type3A_49 = arith.extui %gt3A_48 : i1 to i32
    %cond3A_50 = arith.constant 0 : i32
    %cond3A_51 = arith.cmpi ne, %convert_element_type3A_49, %cond3A_50 : i32
    scf.if %cond3A_51 {
      %get3A_57 = arith.constant 0 : index
      %get3A_58 = arith.constant 0 : index
      %get3A_59 = vector.load %arg9[%get3A_57, %get3A_58] : memref<256x65xf32, #tpu.memory_space<vmem>>, vector<256x65xf32>
      %add3A_60 = arith.addf %get3A_59, %dot_general3A_43 : vector<256x65xf32>
      %swap3A = arith.constant 0 : index
      %swap3A_61 = arith.constant 0 : index
      %swap3A_62 = vector.load %arg9[%swap3A, %swap3A_61] : memref<256x65xf32, #tpu.memory_space<vmem>>, vector<256x65xf32>
      tpu.vector_store %arg9[%swap3A, %swap3A_61], %add3A_60 {strides = array<i32>} : memref<256x65xf32, #tpu.memory_space<vmem>>, vector<256x65xf32>,
    } else {
    }
    %eq3A_52 = arith.constant 3 : i32
    %eq3A_53 = arith.cmpi eq, %arg0, %eq3A_52 : i32
    %convert_element_type3A_54 = arith.extui %eq3A_53 : i1 to i32
    %cond3A_55 = arith.constant 0 : i32
    %cond3A_56 = arith.cmpi ne, %convert_element_type3A_54, %cond3A_55 : i32
    scf.if %cond3A_56 {
      %get3A_57 = arith.constant 0 : index
      %get3A_58 = arith.constant 0 : index
      %get3A_59 = vector.load %arg9[%get3A_57, %get3A_58] : memref<256x65xf32, #tpu.memory_space<vmem>>, vector<256x64xf32>
      %get3A_60 = arith.constant 0 : index
      %get3A_61 = arith.constant 64 : index
      %get3A_62 = vector.load %arg9[%get3A_60, %get3A_61] : memref<256x65xf32, #tpu.memory_space<vmem>>, vector<256x1xf32>
      %max3A_63 = arith.constant 1.000000e+00 : f32
      %max3A_64 = vector.broadcast %max3A_63 : f32 to vector<256x1xf32>
      %max3A_65 = arith.maximumf %get3A_62, %max3A_64 : vector<256x1xf32>
      %div3A = vector.broadcast %max3A_65 : vector<256x1xf32> to vector<256x64xf32>
      %div3A_66 = arith.divf %get3A_59, %div3A : vector<256x64xf32>
      %get3A_67 = arith.constant 0 : index
      %get3A_68 = arith.constant 0 : index
      %get3A_69 = vector.load %arg6[%get3A_67, %get3A_68] : memref<29x64xf32, #tpu.memory_space<vmem>>, vector<29x64xf32>
      %dot_general3A_70 = arith.constant dense<0.000000e+00> : vector<256x29xf32>
      %dot_general3A_71 = tpu.matmul %div3A_66, %get3A_69, %dot_general3A_70 {dimension_numbers = #tpu.dot_dimension_numbers<[1], [1], [0], [0], [0, 0, 1, 0], [], []>, transpose_lhs_hint = false} : vector<256x64xf32>, vector<29x64xf32>, vector<256x29xf32> -> vector<256x29xf32>
      %get3A_72 = arith.constant 0 : index
      %get3A_73 = arith.constant 0 : index
      %get3A_74 = vector.load %arg7[%get3A_72, %get3A_73] : memref<1x29xf32, #tpu.memory_space<vmem>>, vector<1x29xf32>
      %add3A_75 = vector.broadcast %get3A_74 : vector<1x29xf32> to vector<256x29xf32>
      %add3A_76 = arith.addf %dot_general3A_71, %add3A_75 : vector<256x29xf32>
      %swap3A = arith.constant 0 : index
      %swap3A_77 = arith.constant 0 : index
      %swap3A_78 = vector.load %arg8[%swap3A, %swap3A_77] : memref<256x29xf32, #tpu.memory_space<vmem>>, vector<256x29xf32>
      tpu.vector_store %arg8[%swap3A, %swap3A_77], %add3A_76 {strides = array<i32>} : memref<256x29xf32, #tpu.memory_space<vmem>>, vector<256x29xf32>,
    } else {
    }
    return
  }
  func.func @transform_0(%arg0: i32) -> (i32, i32, i32) {
    %c0_i32 = arith.constant 0 : i32
    %c0_i32_0 = arith.constant 0 : i32
    %c0_i32_1 = arith.constant 0 : i32
    return %c0_i32, %arg0, %c0_i32_0 : i32, i32, i32
  }
  func.func @transform_1(%arg0: i32) -> (i32, i32) {
    %c0_i32 = arith.constant 0 : i32
    %c0_i32_0 = arith.constant 0 : i32
    return %arg0, %c0_i32 : i32, i32
  }
  func.func @transform_2(%arg0: i32) -> (i32, i32) {
    %c0_i32 = arith.constant 0 : i32
    %c0_i32_0 = arith.constant 0 : i32
    return %arg0, %c0_i32 : i32, i32
  }
  func.func @transform_3(%arg0: i32) -> (i32, i32) {
    %c0_i32 = arith.constant 0 : i32
    %c0_i32_0 = arith.constant 0 : i32
    %c0_i32_1 = arith.constant 0 : i32
    return %c0_i32, %c0_i32_0 : i32, i32
  }
  func.func @transform_4(%arg0: i32) -> (i32, i32) {
    %c0_i32 = arith.constant 0 : i32
    %c0_i32_0 = arith.constant 0 : i32
    return %arg0, %c0_i32 : i32, i32
  }
  func.func @transform_5(%arg0: i32) -> (i32, i32) {
    %c0_i32 = arith.constant 0 : i32
    %c0_i32_0 = arith.constant 0 : i32
    %c0_i32_1 = arith.constant 0 : i32
    return %c0_i32, %c0_i32_0 : i32, i32
  }
  func.func @transform_6(%arg0: i32) -> (i32, i32) {
    %c0_i32 = arith.constant 0 : i32
    %c0_i32_0 = arith.constant 0 : i32
    %c0_i32_1 = arith.constant 0 : i32
    return %c0_i32, %c0_i32_0 : i32, i32
  }
  func.func @transform_7(%arg0: i32) -> (i32, i32) {
    %c0_i32 = arith.constant 0 : i32
    %c0_i32_0 = arith.constant 0 : i32
    %c0_i32_1 = arith.constant 0 : i32
    return %c0_i32, %c0_i32_0 : i32, i32
  }
}

</mosaic_0001>

<sc_bundles>
// kernel: kernel.12.cloned.1.call-start
scs
__scs_entry_jumppad:
0x0: {  	(pc) =	sbr.rel $0x88, $3  }
0x1: {  	(tag) =	ssettag $0x0;
	lr =	simm.s32 $0x1  }
0x2: {  	[smem:$0x3F98] =	sst lr;
	_ =	strace $0xD0000000  }
0x3: {  	_ = 	snop  }
0x4: {  	_ = 	snop  }
0x5: {  	_ = 	snop  }
0x6: {  	_ = 	snop  }
0x7: {  	_ = 	snop  }
__scs_overlays_trampoline_lowered:
0x8: {  	[smem:$0x3FA7] =	sst s0  }
0x9: {  	[smem:$0x3FA8] =	sst s1  }
0xa: {  	[smem:$0x3FA9] =	sst s2  }
0xb: {  	[smem:$0x3FAA] =	sst s3  }
0xc: {  	[smem:$0x3FAB] =	sst s4  }
0xd: {  	[smem:$0x3FAC] =	sst s5  }
0xe: {  	[smem:$0x3FAD] =	sst s6  }
0xf: {  	[smem:$0x3FAE] =	sst s7  }
0x10: {  	[smem:$0x3FAF] =	sst s8  }
0x11: {  	[smem:$0x3FB0] =	sst s9;
	s0 =	simm.s32 @!p0 $0x0  }
0x12: {  	s1 =	sld [smem:$0x3F96];
	s0 =	simm.s32 @p0 $0x1  }
0x13: {  	[smem:$0x3FB1] =	sst s0;
	s0 =	simm.s32 @!p1 $0x0  }
0x14: {  	s2 =	sld [smem:$0x3F95];
	s0 =	simm.s32 @p1 $0x1  }
0x15: {  	[smem:$0x3FB2] =	sst s0;
	s0 =	simm.s32 @!p2 $0x0  }
0x16: {  	s3 =	sld [smem:$0x3FDB];
	s0 =	simm.s32 @p2 $0x1  }
0x17: {  	s4 =	simm.s32 $0x1BF5;
	[smem:$0x3FB4] =	sst s0  }
0x18: {  	s0 =	sld [smem:$0x3F97];
	_ =	swait.ge [sflag:s4], $0x0  }
0x19: {  	s7 =	sld [smem:$0x3F98]  }
0x1a: {  	s8 =	sadd.s32 $0xFFFFE003, lr  }
0x1b: {  	s9 =	sadd.s32 $0xFFFFFEF7, lr;
	s5 =	simm.s32 $0xFFFFFFFF;
	p2 =	slt.u32 s8, $0xFFFFF086  }
0x1c: {  	p1 =	slt.u32 s9, $0xF7A;
	s5 =	simm.s32 @!p2 $0x0  }
0x1d: {  	s5 =	simm.s32 @p1 $0x1;
	p0 =	seq.s32 s7, s2  }
0x1e: {  	s7 =	smul.u32 @!p0 $0xF7A, s2;
	p2 =	seq.s32 @!p0 s5, $0x0  }
0x1f: {  	s9 =	smul.u32 $0xF7A, s1;
	s8 =	simm.s32 @!p0 $0x1BF5;
	p2 =	por !p2, p0  }
0x20: {  	[sflag:s8] =	ssyncset.s32 @!p0 $0xFFFFF086;
	s6 =	sadd.s32 @!p0 s3, s7;
	s7 =	simm.s32 @!p0 $0x108  }
0x21: {  	s3 =	sadd.s32 s3, s9;
	s6 =	sadd.s32 @!p0 $0x88, s6;
	s7 =	simm.s32 @p2 $0x1082  }
0x22: {  	[simem:s7], [sflag:s8] =	dma.local @!p0 [hbm:s6], $0xF7A  }
0x23: {  	s9 =	sor.u32 $0xD0000000, s2;
	s6 =	simm.s32 $0x108;
	_ =	swait.ge @!p0 [sflag:s8], $0x0  }
0x24: {  	s3 =	sadd.s32 $0x88, s3;
	s6 =	simm.s32 @!p1 $0x1082;
	[sflag:s4] =	ssyncset.s32 $0xFFFFF086  }
0x25: {  	[simem:s6], [sflag:s4] =	dma.local [hbm:s3], $0xF7A  }
0x26: {  	[smem:$0x3F98] =	sst s1;
	(tag) =	ssettag s2;
	_ =	strace s9  }
0x27: {  	s1 =	sld [smem:$0x3FA8]  }
0x28: {  	s2 =	sld [smem:$0x3FA9]  }
0x29: {  	s4 =	sld [smem:$0x3FAB]  }
0x2a: {  	p0 =	seq.s32 s5, $0x0;
	s5 =	sld [smem:$0x3FAC]  }
0x2b: {  	s6 =	sld [smem:$0x3FAD]  }
0x2c: {  	s7 =	sld [smem:$0x3FAE]  }
0x2d: {  	s3 =	simm.s32 $0x108;
	s8 =	sld [smem:$0x3FAF]  }
0x2e: {  	s3 =	simm.s32 @!p0 $0x1082;
	s9 =	sld [smem:$0x3FB0]  }
0x2f: {  	lr =	sadd.s32 s0, s3;
	s0 =	sld [smem:$0x3FA7]  }
0x30: {  	s3 =	sld [smem:$0x3FAA]  }
0x31: {  	[smem:$0x3FB3] =	sst s10  }
0x32: {  	s10 =	sld [smem:$0x3FB1];
	_ =	sdelay $0x3  }
0x33: {  	p0 =	seq.s32 s10, $0x1;
	s10 =	sld [smem:$0x3FB3];
	_ =	sdelay $0x3  }
0x34: {  	[smem:$0x3FB3] =	sst s10  }
0x35: {  	s10 =	sld [smem:$0x3FB2];
	_ =	sdelay $0x3  }
0x36: {  	p1 =	seq.s32 s10, $0x1;
	s10 =	sld [smem:$0x3FB3];
	_ =	sdelay $0x3  }
0x37: {  	[smem:$0x3FB3] =	sst s10  }
0x38: {  	s10 =	sld [smem:$0x3FB4]  }
0x39: {  	_ = 	snop;
	(pc) =	sbr.ind lr, $3  }
0x3a: {  	_ = 	snop  }
0x3b: {  	_ = 	snop  }
0x3c: {  	p2 =	seq.s32 s10, $0x1;
	s10 =	sld [smem:$0x3FB3]  }
0x3d: {  	_ =	shalt  }
0x3e: {  	_ =	shalt  }
0x3f: {  	_ =	shalt  }
0x40: {  	_ =	shalt  }
0x41: {  	_ =	shalt  }
0x42: {  	_ =	shalt  }
0x43: {  	_ =	shalt  }
0x44: {  	_ =	shalt  }
0x45: {  	_ =	shalt  }
0x46: {  	_ =	shalt  }
0x47: {  	_ =	shalt  }
0x48: {  	_ =	shalt  }
0x49: {  	_ =	shalt  }
0x4a: {  	_ =	shalt  }
0x4b: {  	_ =	shalt  }
0x4c: {  	_ =	shalt  }
0x4d: {  	_ =	shalt  }
0x4e: {  	_ =	shalt  }
0x4f: {  	_ =	shalt  }
0x50: {  	_ =	shalt  }
0x51: {  	_ =	shalt  }
0x52: {  	_ =	shalt  }
0x53: {  	_ =	shalt  }
0x54: {  	_ =	shalt  }
0x55: {  	_ =	shalt  }
0x56: {  	_ =	shalt  }
0x57: {  	_ =	shalt  }
0x58: {  	_ =	shalt  }
0x59: {  	_ =	shalt  }
0x5a: {  	_ =	shalt  }
0x5b: {  	_ =	shalt  }
0x5c: {  	_ =	shalt  }
0x5d: {  	_ =	shalt  }
0x5e: {  	_ =	shalt  }
0x5f: {  	_ =	shalt  }
0x60: {  	_ =	shalt  }
0x61: {  	_ =	shalt  }
0x62: {  	_ =	shalt  }
0x63: {  	_ =	shalt  }
0x64: {  	_ =	shalt  }
0x65: {  	_ =	shalt  }
0x66: {  	_ =	shalt  }
0x67: {  	_ =	shalt  }
0x68: {  	_ =	shalt  }
0x69: {  	_ =	shalt  }
0x6a: {  	_ =	shalt  }
0x6b: {  	_ =	shalt  }
0x6c: {  	_ =	shalt  }
0x6d: {  	_ =	shalt  }
0x6e: {  	_ =	shalt  }
0x6f: {  	_ =	shalt  }
0x70: {  	_ =	shalt  }
0x71: {  	_ =	shalt  }
0x72: {  	_ =	shalt  }
0x73: {  	_ =	shalt  }
0x74: {  	_ =	shalt  }
0x75: {  	_ =	shalt  }
0x76: {  	_ =	shalt  }
0x77: {  	_ =	shalt  }
0x78: {  	_ =	shalt  }
0x79: {  	_ =	shalt  }
0x7a: {  	_ =	shalt  }
0x7b: {  	_ =	shalt  }
0x7c: {  	_ =	shalt  }
0x7d: {  	_ =	shalt  }
0x7e: {  	_ =	shalt  }
0x7f: {  	_ =	shalt  }
0x80: {  	_ =	shalt  }
0x81: {  	_ =	shalt  }
0x82: {  	_ =	shalt  }
0x83: {  	_ =	shalt  }
0x84: {  	_ =	shalt  }
0x85: {  	_ =	shalt  }
0x86: {  	_ =	shalt  }
0x87: {  	_ =	shalt  }
.Lfunc_end0:
.L_simem_size_0:
called_computation.1_lowered:
.L_overlay_start_0:
0x88: {  	s2 =	sld [smem:$0x3FD9]  }
0x89: {  	s3 =	sld [smem:$0x3FFE];
	_ =	sdelay $0x1  }
0x8a: {  	s1 =	srdreg.scid  }
0x8b: {  	s0 =	sand.u32 $0x1, s1  }
0x8c: {  	s16 =	sshll.u32 s0, $0xA;
	s2 =	sadd.s32 s3, s2  }
0x8d: {  	s2 =	sadd.s32 s2, s16  }
0x8e: {  	[smem:$0x3FBF] =	sst s2  }
0x8f: {  	_ = 	snop  }
0x90: {  	(tm) =	ssettm $0x1  }
0x91: {  	s17 =	sld [smem:$0x3FFB];
	_ =	sdelay $0x3  }
0x92: {  	_ =	strace s17  }
0x93: {  	s2 =	sld [smem:$0x3FFC];
	_ =	sdelay $0x3  }
0x94: {  	_ =	strace s2  }
0x95: {  	s2 =	sld [smem:$0x3FFD];
	_ =	sdelay $0x3  }
0x96: {  	_ =	strace s2  }
0x97: {  	_ =	strace $0x8FFFFFFF  }
0x98: {  	s18 =	sld [smem:$0x3FDB];
	_ =	sdelay $0x1  }
0x99: {  	s19 =	simm.s32 $_scs_section_size  }
0x9a: {  	s4 =	simm.s32 $_size__tile_overlayer_lowered;
	s5 =	simm.s32 $_tile_overlayer_lowered  }
0x9b: {  	s22 =	simm.s32 $0x1BFF;
	s21 =	sshll.u32 s5, $0x1;
	s2 =	sadd.s32 s19, s18  }
0x9c: {  	s6 =	simm.s32 $0x0;
	s20 =	sshll.u32 s4, $0x1;
	s4 =	sadd.s32 s21, s2  }
0x9d: {  	[timem:s6], [sflag:s22] =	dma.local [hbm:s4], s20  }
0x9e: {  	_ =	swait.ge [sflag:s22], s20  }
0x9f: {  	s3 =	ssub.s32 $0x0, s20;
	[sflag:s22] =	ssyncset.done $0x0  }
0xa0: {  	[sflag:s22] =	ssyncadd.s32 s3;
	_ =	sdelay $0x1  }
0xa1: {  	s23 =	simm.s32 $0x1B8B  }
0xa2: {  	_ =	swait.ge [sflag:s23], $0x1  }
0xa3: {  	[sflag:s23] =	ssyncset.done $0x0  }
0xa4: {  	s25 =	simm.s32 $0x1B8E;
	s24 =	sld [smem:$0x3FFE];
	[sflag:s23] =	ssyncadd.s32 $0xFFFFFFFF  }
0xa5: {  	s26 =	simm.s32 $execute0_lowered;
	[smem:$0x3FD2] =	sst s25  }
0xa6: {  	s4 =	sshll.u32 s26, $0x1;
	_ =	strace $0x80000049;
	[dreg:$0x1] =	wrdreg $0xFFFFFFFF  }
0xa7: {  	s28 =	simm.s32 $_size_execute0_lowered;
	s2 =	sadd.s32 s2, s4;
	[dreg:$0x0] =	wrdreg $0x0  }
0xa8: {  	s4 =	sshll.u32 s28, $0x1;
	[dreg:$0x2] =	wrdreg s2  }
0xa9: {  	[dreg:$0x3] =	wrdreg s4  }
0xaa: {  	[dreg:$0x4] =	wrdreg $0xC0  }
0xab: {  	_ =	task [dreg:s6], $0x5FFFF  }
0xac: {  	[dreg:$0x1] =	wrdreg $0xFFFFFFFF  }
0xad: {  	[dreg:$0x0] =	wrdreg $0x60  }
0xae: {  	[dreg:$0x2] =	wrdreg s24  }
0xaf: {  	[dreg:$0x3] =	wrdreg $0x150000  }
0xb0: {  	[dreg:$0x4] =	wrdreg $0x9  }
0xb1: {  	_ =	task.clear_ibuf [dreg:s6], $0x5FFFF;
	_ =	strace $0x90000049  }
0xb2: {  	s29 =	simm.s32 $0x9;
	_ =	strace $0x8000004B  }
0xb3: {  	_ =	swait.ge [sflag:s29], $0x1  }
0xb4: {  	[sflag:s29] =	ssyncadd.s32 $0xFFFFFFFF  }
0xb5: {  	_ =	strace $0x9000004B  }
0xb6: {  	_ =	sfence  }
0xb7: {  	s30 =	sld [smem:$0x0];
	_ =	sdelay $0x2  }
0xb8: {  	s31 =	sshll.u32 s1, $0xD;
	s1 =	sshrl.u32 s1, $0x2  }
0xb9: {  	s3 =	sand.u32 $0x4000, s31;
	s1 =	sadd.s32 s1, s30  }
0xba: {  	s0 =	sor.u32 s3, s0;
	s1 =	sshll.u32 s1, $0x11  }
0xbb: {  	s0 =	sor.u32 s1, s0  }
0xbc: {  	s0 =	sadd.s32 $0x8F2B, s0  }
0xbd: {  	[sflag:s0] =	ssyncadd.remote.s32 $0x1  }
0xbe: {  	_ =	sfence.sel $0xFFFF  }
0xbf: {  	[dreg:$0x0] =	wrdreg $0xFFFFFFFF;
	(pc) =	sbr.abs _section_cstart, $3  }
0xc0: {  	[dreg:$0x1] =	wrdreg $0xFFFFFFFF  }
0xc1: {  	_ =	task.clear_ibuf [dreg:s6], $0x2FFFF;
	_ =	strace $0x9FFFFFFF  }
0xc2: {  	(tm) =	ssettm $0x7FFFFFFF  }
0xc3: {  	_ =	shalt  }
tec
execute0_lowered:
.L_overlay_start_1:
0x0: {  	(tag) =	ssettag $0x1  }
0x1: {  	s0 =	srdreg.scid;
	s1 =	rddreg [dreg:$0x0]  }
0x2: {  	s2 =	rddreg [dreg:$0x1];
	s3 =	stileid.u32  }
0x3: {  	s25 =	simm.s32 $0x0;
	s16 =	simm.s32 $0x80;
	s17 =	simm.s32 $0x7000  }
0x4: {  	s19 =	simm.s32 $0x9000;
	s28 =	simm.s32 $0xF000;
	s30 =	simm.s32 $0x11000  }
0x5: {  	s29 =	simm.s32 $0x6;
	s31 =	simm.s32 $0x7;
	s8 =	simm.s32 $0xB  }
0x6: {  	s9 =	simm.s32 $0xC;
	s0 =	sand.u32 $0x1, s0;
	s7 =	smul.u32 $0x28000, s3  }
0x7: {  	[smem:$0x7FF] =	sst s25;
	s12 =	smul.u32 $0xA000, s3;
	s4 =	sshll.u32 s0, $0x4  }
0x8: {  	_ =	strace $0x8000004A;
	s6 =	smul.u32 $0x14000, s0;
	s0 =	ssub.s32 $0x2, s0  }
0x9: {  	s4 =	sor.u32 s3, s4;
	s10 =	sshrl.u32 s0, $0x1;
	s11 =	sshrl.u32 s7, $0x2  }
0xa: {  	s15 =	sshrl.u32 s12, $0x3;
	s18 =	sadd.s32 s12, s2;
	s7 =	simm.s32 $0xA  }
0xb: {  	s12 =	simm.s32 $0xF;
	s5 =	smul.u32 $0x500, s4;
	s4 =	sadd.s32 $0x15E00, s1  }
0xc: {  	s0 =	ssub.s32 s0, s10;
	s13 =	sadd.s32 s11, s2;
	s26 =	sshrl.u32 s18, $0x3  }
0xd: {  	s18 =	simm.s32 $0x2;
	s10 =	simm.s32 $0xD;
	[dreg:$0x4] =	wrdreg s13  }
0xe: {  	s11 =	simm.s32 $0xE;
	s0 =	smax.u32 s0, $0x1;
	[dreg:$0xd] =	wrdreg s26  }
0xf: {  	s20 =	sadd.s32 $0x2000, s13;
	s21 =	sadd.s32 $0x4000, s13;
	[dreg:$0x7] =	wrdreg s0  }
0x10: {  	s22 =	sadd.s32 $0x6000, s13;
	s23 =	sadd.s32 $0x8000, s13;
	[dreg:$0x8] =	wrdreg s20  }
0x11: {  	s13 =	simm.s32 $0x5000;
	s26 =	simm.s32 $0x5;
	[dreg:$0x9] =	wrdreg s21  }
0x12: {  	s5 =	sadd.s32 s5, s1;
	s1 =	sadd.s32 s6, s1;
	[dreg:$0xa] =	wrdreg s22  }
0x13: {  	[dreg:$0xb] =	wrdreg s23;
	s21 =	simm.s32 $0xB000;
	s0 =	simm.s32 $0x13000  }
0x14: {  	s20 =	simm.s32 $0x3;
	s22 =	simm.s32 $0x4;
	s14 =	sadd.s32 $0x1E00, s5  }
0x15: {  	s6 =	simm.s32 $0x9;
	s5 =	sadd.s32 $0xBE00, s5;
	[dreg:$0x5] =	wrdreg s14  }
0x16: {  	s23 =	simm.s32 $0x10;
	s1 =	sadd.s32 $0x29E00, s1;
	[dreg:$0x6] =	wrdreg s5  }
0x17: {  	s14 =	simm.s32 $0x11;
	s24 =	sadd.s32 s15, s1;
	s15 =	simm.s32 $0x1  }
0x18: {  	v0 =	vimm.f32 $0.0e+00;
	s1 =	simm.s32 $0x8;
	[dreg:$0xc] =	wrdreg s24;
	s24 =	simm.s32 $0xD000  }
.LBB2_1:
0x19: {  	[dreg:$0x3] =	wrdreg s25;
	s25 =	simm.s32 $0x100;
	s5 =	simm.s32 $0x0  }
.LBB2_2:
0x1a: {  	p0 =	sne.s32 s25, $0x7F00;
	[tilespmem:s5+$0x5030] =	vst v0;
	s3 =	smov.u32 s25;
	s25 =	sadd.s32 $0x100, s25  }
.Ltmp0:
0x1b: {  	[tilespmem:s5+$0x5020] =	vst v0;
	(pc) =	sbr.rel @p0 .LBB2_2-.Ltmp0, $3  }
0x1c: {  	[tilespmem:s5+$0x5000] =	vst v0  }
0x1d: {  	[tilespmem:s5+$0x5010] =	vst v0;
	_ =	sdelay $0x1  }
0x1e: {  	s5 =	sshra.s32 s3, $0x2  }
0x1f: {  	[tilespmem:s5+$0x5030] =	vst v0  }
0x20: {  	[tilespmem:s5+$0x5020] =	vst v0  }
0x21: {  	[tilespmem:s5+$0x5000] =	vst v0  }
0x22: {  	[tilespmem:s5+$0x5010] =	vst v0;
	s3 =	rddreg [dreg:$0x4]  }
0x23: {  	[spmem:s3] =	stream.linear.scatter [tilespmem:s13], [sflag:$0x11], $0x2000, $0x38;
	[tilespmem:$0x1F000] =	vst v63  }
0x24: {  	_ =	swait.ge [sflag:s14], $0x2000  }
0x25: {  	[sflag:s14] =	ssyncset.done $0x0  }
0x26: {  	s25 =	rddreg [dreg:$0x8];
	[sflag:s14] =	ssyncadd.s32 $0xFFFFE000  }
0x27: {  	[spmem:s25] =	stream.linear.scatter [tilespmem:s13], [sflag:$0x11], $0x2000, $0x38;
	[tilespmem:$0x1F000] =	vst v63  }
0x28: {  	_ =	swait.ge [sflag:s14], $0x2000  }
0x29: {  	[sflag:s14] =	ssyncset.done $0x0  }
0x2a: {  	s5 =	rddreg [dreg:$0x9];
	[sflag:s14] =	ssyncadd.s32 $0xFFFFE000  }
0x2b: {  	[spmem:s5] =	stream.linear.scatter [tilespmem:s13], [sflag:$0x11], $0x2000, $0x38;
	[tilespmem:$0x1F000] =	vst v63  }
0x2c: {  	_ =	swait.ge [sflag:s14], $0x2000  }
0x2d: {  	[sflag:s14] =	ssyncset.done $0x0  }
0x2e: {  	s25 =	rddreg [dreg:$0xa];
	[sflag:s14] =	ssyncadd.s32 $0xFFFFE000  }
0x2f: {  	[spmem:s25] =	stream.linear.scatter [tilespmem:s13], [sflag:$0x11], $0x2000, $0x38;
	[tilespmem:$0x1F000] =	vst v63  }
0x30: {  	_ =	swait.ge [sflag:s14], $0x2000  }
0x31: {  	[sflag:s14] =	ssyncset.done $0x0  }
0x32: {  	s5 =	rddreg [dreg:$0xb];
	[sflag:s14] =	ssyncadd.s32 $0xFFFFE000  }
0x33: {  	[spmem:s5] =	stream.linear.scatter [tilespmem:s13], [sflag:$0x11], $0x2000, $0x38;
	[tilespmem:$0x1F000] =	vst v63  }
0x34: {  	_ =	swait.ge [sflag:s14], $0x2000  }
0x35: {  	[sflag:s14] =	ssyncset.done $0x0  }
0x36: {  	s3 =	simm.s32 $0x0;
	s25 =	rddreg [dreg:$0x5];
	[sflag:s14] =	ssyncadd.s32 $0xFFFFE000  }
0x37: {  	[tilespmem:s3], [sflag:$0x11] =	stream.linear.gather [hbm4b:s25+s3], $0x2800, $0x38;
	[tilespmem:$0x1F000] =	vst v63  }
0x38: {  	_ =	swait.ge [sflag:s14], $0x2800  }
0x39: {  	[sflag:s14] =	ssyncset.done $0x0  }
0x3a: {  	s25 =	simm.s32 $0x2800;
	s5 =	rddreg [dreg:$0x6];
	[sflag:s14] =	ssyncadd.s32 $0xFFFFD800  }
0x3b: {  	[tilespmem:s25], [sflag:$0x11] =	stream.linear.gather [hbm4b:s5+s3], $0x2800, $0x38;
	[tilespmem:$0x1F000] =	vst v63  }
0x3c: {  	_ =	swait.ge [sflag:s14], $0x2800  }
0x3d: {  	[sflag:s14] =	ssyncset.done $0x0  }
0x3e: {  	[sflag:s14] =	ssyncadd.s32 $0xFFFFD800  }
0x3f: {  	[tilespmem:s13], [sflag:$0x1] =	stream.indirect.gather [hbm4b:s4+s16], $0x40, s3, s16, $0xb8;
	[tilespmem:$0x1F000] =	vst v63  }
0x40: {  	_ = 	snop  }
0x41: {  	[tilespmem:s17], [sflag:$0x2] =	stream.indirect.gather [hbm4b:s4+s16], $0x40, s16, s16, $0xb8;
	[tilespmem:$0x1F000] =	vst v63  }
0x42: {  	s25 =	simm.s32 $0x100  }
0x43: {  	[tilespmem:s19], [sflag:$0x3] =	stream.indirect.gather [hbm4b:s4+s16], $0x40, s25, s16, $0xb8;
	[tilespmem:$0x1F000] =	vst v63  }
0x44: {  	s5 =	simm.s32 $0x180  }
0x45: {  	[tilespmem:s21], [sflag:$0x4] =	stream.indirect.gather [hbm4b:s4+s16], $0x40, s5, s16, $0xb8;
	[tilespmem:$0x1F000] =	vst v63  }
0x46: {  	s25 =	simm.s32 $0x200  }
0x47: {  	[tilespmem:s24], [sflag:$0x5] =	stream.indirect.gather [hbm4b:s4+s16], $0x40, s25, s16, $0xb8;
	[tilespmem:$0x1F000] =	vst v63  }
0x48: {  	s5 =	simm.s32 $0x280  }
0x49: {  	[tilespmem:s28], [sflag:$0x6] =	stream.indirect.gather [hbm4b:s4+s16], $0x40, s5, s16, $0xb8;
	[tilespmem:$0x1F000] =	vst v63  }
0x4a: {  	s25 =	simm.s32 $0x300  }
0x4b: {  	[tilespmem:s30], [sflag:$0x7] =	stream.indirect.gather [hbm4b:s4+s16], $0x40, s25, s16, $0xb8;
	[tilespmem:$0x1F000] =	vst v63  }
0x4c: {  	s5 =	simm.s32 $0x380  }
0x4d: {  	[tilespmem:s0], [sflag:$0x8] =	stream.indirect.gather [hbm4b:s4+s16], $0x40, s5, s16, $0xb8;
	[tilespmem:$0x1F000] =	vst v63  }
0x4e: {  	[bflag:$0x0] =	sbarrier.arrive $0xFFFF  }
0x4f: {  	_ =	swait.ge [sflag:s15], $0x2000  }
0x50: {  	[sflag:s15] =	ssyncset.done $0x0  }
0x51: {  	s25 =	simm.s32 $0x2800;
	[sflag:s15] =	ssyncadd.s32 $0xFFFFE000  }
0x52: {  	[spmem:s2] =	stream.indirect.scatter.add.f32 [tilespmem:s13], [sflag:$0x9], $0x40, s25, s16, $0xb8;
	[tilespmem:$0x1F000] =	vst v63  }
0x53: {  	_ =	swait.ge [sflag:s18], $0x2000  }
0x54: {  	[sflag:s18] =	ssyncset.done $0x0  }
0x55: {  	s5 =	simm.s32 $0x2880;
	[sflag:s18] =	ssyncadd.s32 $0xFFFFE000  }
0x56: {  	[spmem:s2] =	stream.indirect.scatter.add.f32 [tilespmem:s17], [sflag:$0xA], $0x40, s5, s16, $0xb8;
	[tilespmem:$0x1F000] =	vst v63  }
0x57: {  	_ =	swait.ge [sflag:s20], $0x2000  }
0x58: {  	[sflag:s20] =	ssyncset.done $0x0  }
0x59: {  	s25 =	simm.s32 $0x2900;
	[sflag:s20] =	ssyncadd.s32 $0xFFFFE000  }
0x5a: {  	[spmem:s2] =	stream.indirect.scatter.add.f32 [tilespmem:s19], [sflag:$0xB], $0x40, s25, s16, $0xb8;
	[tilespmem:$0x1F000] =	vst v63  }
0x5b: {  	_ =	swait.ge [sflag:s22], $0x2000  }
0x5c: {  	[sflag:s22] =	ssyncset.done $0x0  }
0x5d: {  	s5 =	simm.s32 $0x2980;
	[sflag:s22] =	ssyncadd.s32 $0xFFFFE000  }
0x5e: {  	[spmem:s2] =	stream.indirect.scatter.add.f32 [tilespmem:s21], [sflag:$0xC], $0x40, s5, s16, $0xb8;
	[tilespmem:$0x1F000] =	vst v63  }
0x5f: {  	_ =	swait.ge [sflag:s26], $0x2000  }
0x60: {  	[sflag:s26] =	ssyncset.done $0x0  }
0x61: {  	s25 =	simm.s32 $0x2A00;
	[sflag:s26] =	ssyncadd.s32 $0xFFFFE000  }
0x62: {  	[spmem:s2] =	stream.indirect.scatter.add.f32 [tilespmem:s24], [sflag:$0xD], $0x40, s25, s16, $0xb8;
	[tilespmem:$0x1F000] =	vst v63  }
0x63: {  	_ =	swait.ge [sflag:s29], $0x2000  }
0x64: {  	[sflag:s29] =	ssyncset.done $0x0  }
0x65: {  	s5 =	simm.s32 $0x2A80;
	[sflag:s29] =	ssyncadd.s32 $0xFFFFE000  }
0x66: {  	[spmem:s2] =	stream.indirect.scatter.add.f32 [tilespmem:s28], [sflag:$0xE], $0x40, s5, s16, $0xb8;
	[tilespmem:$0x1F000] =	vst v63  }
0x67: {  	_ =	swait.ge [sflag:s31], $0x2000  }
0x68: {  	[sflag:s31] =	ssyncset.done $0x0  }
0x69: {  	s25 =	simm.s32 $0x2B00;
	[sflag:s31] =	ssyncadd.s32 $0xFFFFE000  }
0x6a: {  	[spmem:s2] =	stream.indirect.scatter.add.f32 [tilespmem:s30], [sflag:$0xF], $0x40, s25, s16, $0xb8;
	[tilespmem:$0x1F000] =	vst v63  }
0x6b: {  	_ =	swait.ge [sflag:s1], $0x2000  }
0x6c: {  	[sflag:s1] =	ssyncset.done $0x0  }
0x6d: {  	s5 =	simm.s32 $0x2B80;
	[sflag:s1] =	ssyncadd.s32 $0xFFFFE000  }
0x6e: {  	[spmem:s2] =	stream.indirect.scatter.add.f32 [tilespmem:s0], [sflag:$0x10], $0x40, s5, s16, $0xb8;
	[tilespmem:$0x1F000] =	vst v63  }
0x6f: {  	_ =	swait.ge [sflag:s6], $0x2000  }
0x70: {  	[sflag:s6] =	ssyncset.done $0x0  }
0x71: {  	s25 =	simm.s32 $0x400;
	[sflag:s6] =	ssyncadd.s32 $0xFFFFE000  }
0x72: {  	[tilespmem:s13], [sflag:$0x1] =	stream.indirect.gather [hbm4b:s4+s16], $0x40, s25, s16, $0xb8;
	[tilespmem:$0x1F000] =	vst v63  }
0x73: {  	_ =	swait.ge [sflag:s7], $0x2000  }
0x74: {  	[sflag:s7] =	ssyncset.done $0x0  }
0x75: {  	s5 =	simm.s32 $0x480;
	[sflag:s7] =	ssyncadd.s32 $0xFFFFE000  }
0x76: {  	[tilespmem:s17], [sflag:$0x2] =	stream.indirect.gather [hbm4b:s4+s16], $0x40, s5, s16, $0xb8;
	[tilespmem:$0x1F000] =	vst v63  }
0x77: {  	_ =	swait.ge [sflag:s8], $0x2000  }
0x78: {  	[sflag:s8] =	ssyncset.done $0x0  }
0x79: {  	s25 =	simm.s32 $0x500;
	[sflag:s8] =	ssyncadd.s32 $0xFFFFE000  }
0x7a: {  	[tilespmem:s19], [sflag:$0x3] =	stream.indirect.gather [hbm4b:s4+s16], $0x40, s25, s16, $0xb8;
	[tilespmem:$0x1F000] =	vst v63  }
0x7b: {  	_ =	swait.ge [sflag:s9], $0x2000  }
0x7c: {  	[sflag:s9] =	ssyncset.done $0x0  }
0x7d: {  	s5 =	simm.s32 $0x580;
	[sflag:s9] =	ssyncadd.s32 $0xFFFFE000  }
0x7e: {  	[tilespmem:s21], [sflag:$0x4] =	stream.indirect.gather [hbm4b:s4+s16], $0x40, s5, s16, $0xb8;
	[tilespmem:$0x1F000] =	vst v63  }
0x7f: {  	_ =	swait.ge [sflag:s10], $0x2000  }
0x80: {  	[sflag:s10] =	ssyncset.done $0x0  }
0x81: {  	s25 =	simm.s32 $0x600;
	[sflag:s10] =	ssyncadd.s32 $0xFFFFE000  }
0x82: {  	[tilespmem:s24], [sflag:$0x5] =	stream.indirect.gather [hbm4b:s4+s16], $0x40, s25, s16, $0xb8;
	[tilespmem:$0x1F000] =	vst v63  }
0x83: {  	_ =	swait.ge [sflag:s11], $0x2000  }
0x84: {  	[sflag:s11] =	ssyncset.done $0x0  }
0x85: {  	s5 =	simm.s32 $0x680;
	[sflag:s11] =	ssyncadd.s32 $0xFFFFE000  }
0x86: {  	[tilespmem:s28], [sflag:$0x6] =	stream.indirect.gather [hbm4b:s4+s16], $0x40, s5, s16, $0xb8;
	[tilespmem:$0x1F000] =	vst v63  }
0x87: {  	_ =	swait.ge [sflag:s12], $0x2000  }
0x88: {  	[sflag:s12] =	ssyncset.done $0x0  }
0x89: {  	s25 =	simm.s32 $0x700;
	[sflag:s12] =	ssyncadd.s32 $0xFFFFE000  }
0x8a: {  	[tilespmem:s30], [sflag:$0x7] =	stream.indirect.gather [hbm4b:s4+s16], $0x40, s25, s16, $0xb8;
	[tilespmem:$0x1F000] =	vst v63  }
0x8b: {  	_ =	swait.ge [sflag:s23], $0x2000  }
0x8c: {  	[sflag:s23] =	ssyncset.done $0x0  }
0x8d: {  	s5 =	simm.s32 $0x780;
	s25 =	simm.s32 $0x1000;
	[sflag:s23] =	ssyncadd.s32 $0xFFFFE000  }
.LBB2_4:
0x8e: {  	[tilespmem:s0], [sflag:$0x8] =	stream.indirect.gather [hbm4b:s4+s16], $0x40, s5, s16, $0xb8;
	[tilespmem:$0x1F000] =	vst v63  }
0x8f: {  	s3 =	smov.u32 s25  }
0x90: {  	p0 =	sne.s32 s25, $0x8000;
	s25 =	sadd.s32 $0x1000, s25;
	_ =	swait.ge [sflag:s15], $0x2000  }
0x91: {  	s5 =	sshra.s32 s3, $0x2;
	[sflag:s15] =	ssyncset.done $0x0  }
0x92: {  	s3 =	sadd.s32 $0x2800, s5;
	[sflag:s15] =	ssyncadd.s32 $0xFFFFE000  }
0x93: {  	[spmem:s2] =	stream.indirect.scatter.add.f32 [tilespmem:s13], [sflag:$0x9], $0x40, s3, s16, $0xb8;
	[tilespmem:$0x1F000] =	vst v63  }
0x94: {  	_ =	swait.ge [sflag:s18], $0x2000  }
0x95: {  	[sflag:s18] =	ssyncset.done $0x0  }
0x96: {  	s3 =	sadd.s32 $0x2880, s5;
	[sflag:s18] =	ssyncadd.s32 $0xFFFFE000  }
0x97: {  	[spmem:s2] =	stream.indirect.scatter.add.f32 [tilespmem:s17], [sflag:$0xA], $0x40, s3, s16, $0xb8;
	[tilespmem:$0x1F000] =	vst v63  }
0x98: {  	_ =	swait.ge [sflag:s20], $0x2000  }
0x99: {  	[sflag:s20] =	ssyncset.done $0x0  }
0x9a: {  	s3 =	sadd.s32 $0x2900, s5;
	[sflag:s20] =	ssyncadd.s32 $0xFFFFE000  }
0x9b: {  	[spmem:s2] =	stream.indirect.scatter.add.f32 [tilespmem:s19], [sflag:$0xB], $0x40, s3, s16, $0xb8;
	[tilespmem:$0x1F000] =	vst v63  }
0x9c: {  	_ =	swait.ge [sflag:s22], $0x2000  }
0x9d: {  	[sflag:s22] =	ssyncset.done $0x0  }
0x9e: {  	s3 =	sadd.s32 $0x2980, s5;
	[sflag:s22] =	ssyncadd.s32 $0xFFFFE000  }
0x9f: {  	[spmem:s2] =	stream.indirect.scatter.add.f32 [tilespmem:s21], [sflag:$0xC], $0x40, s3, s16, $0xb8;
	[tilespmem:$0x1F000] =	vst v63  }
0xa0: {  	_ =	swait.ge [sflag:s26], $0x2000  }
0xa1: {  	[sflag:s26] =	ssyncset.done $0x0  }
0xa2: {  	s3 =	sadd.s32 $0x2A00, s5;
	[sflag:s26] =	ssyncadd.s32 $0xFFFFE000  }
0xa3: {  	[spmem:s2] =	stream.indirect.scatter.add.f32 [tilespmem:s24], [sflag:$0xD], $0x40, s3, s16, $0xb8;
	[tilespmem:$0x1F000] =	vst v63  }
0xa4: {  	_ =	swait.ge [sflag:s29], $0x2000  }
0xa5: {  	[sflag:s29] =	ssyncset.done $0x0  }
0xa6: {  	s3 =	sadd.s32 $0x2A80, s5;
	[sflag:s29] =	ssyncadd.s32 $0xFFFFE000  }
0xa7: {  	[spmem:s2] =	stream.indirect.scatter.add.f32 [tilespmem:s28], [sflag:$0xE], $0x40, s3, s16, $0xb8;
	[tilespmem:$0x1F000] =	vst v63  }
0xa8: {  	_ =	swait.ge [sflag:s31], $0x2000  }
0xa9: {  	[sflag:s31] =	ssyncset.done $0x0  }
0xaa: {  	s3 =	sadd.s32 $0x2B00, s5;
	[sflag:s31] =	ssyncadd.s32 $0xFFFFE000  }
0xab: {  	[spmem:s2] =	stream.indirect.scatter.add.f32 [tilespmem:s30], [sflag:$0xF], $0x40, s3, s16, $0xb8;
	[tilespmem:$0x1F000] =	vst v63  }
0xac: {  	_ =	swait.ge [sflag:s1], $0x2000  }
0xad: {  	[sflag:s1] =	ssyncset.done $0x0  }
0xae: {  	s3 =	sadd.s32 $0x2B80, s5;
	[sflag:s1] =	ssyncadd.s32 $0xFFFFE000  }
0xaf: {  	[spmem:s2] =	stream.indirect.scatter.add.f32 [tilespmem:s0], [sflag:$0x10], $0x40, s3, s16, $0xb8;
	[tilespmem:$0x1F000] =	vst v63  }
0xb0: {  	_ =	swait.ge [sflag:s6], $0x2000  }
0xb1: {  	[sflag:s6] =	ssyncset.done $0x0  }
0xb2: {  	s3 =	sadd.s32 $0x400, s5;
	[sflag:s6] =	ssyncadd.s32 $0xFFFFE000  }
0xb3: {  	[tilespmem:s13], [sflag:$0x1] =	stream.indirect.gather [hbm4b:s4+s16], $0x40, s3, s16, $0xb8;
	[tilespmem:$0x1F000] =	vst v63  }
0xb4: {  	_ =	swait.ge [sflag:s7], $0x2000  }
0xb5: {  	[sflag:s7] =	ssyncset.done $0x0  }
0xb6: {  	s3 =	sadd.s32 $0x480, s5;
	[sflag:s7] =	ssyncadd.s32 $0xFFFFE000  }
0xb7: {  	[tilespmem:s17], [sflag:$0x2] =	stream.indirect.gather [hbm4b:s4+s16], $0x40, s3, s16, $0xb8;
	[tilespmem:$0x1F000] =	vst v63  }
0xb8: {  	_ =	swait.ge [sflag:s8], $0x2000  }
0xb9: {  	[sflag:s8] =	ssyncset.done $0x0  }
0xba: {  	s3 =	sadd.s32 $0x500, s5;
	[sflag:s8] =	ssyncadd.s32 $0xFFFFE000  }
0xbb: {  	[tilespmem:s19], [sflag:$0x3] =	stream.indirect.gather [hbm4b:s4+s16], $0x40, s3, s16, $0xb8;
	[tilespmem:$0x1F000] =	vst v63  }
0xbc: {  	_ =	swait.ge [sflag:s9], $0x2000  }
0xbd: {  	[sflag:s9] =	ssyncset.done $0x0  }
0xbe: {  	s3 =	sadd.s32 $0x580, s5;
	[sflag:s9] =	ssyncadd.s32 $0xFFFFE000  }
0xbf: {  	[tilespmem:s21], [sflag:$0x4] =	stream.indirect.gather [hbm4b:s4+s16], $0x40, s3, s16, $0xb8;
	[tilespmem:$0x1F000] =	vst v63  }
0xc0: {  	_ =	swait.ge [sflag:s10], $0x2000  }
0xc1: {  	[sflag:s10] =	ssyncset.done $0x0  }
0xc2: {  	s3 =	sadd.s32 $0x600, s5;
	[sflag:s10] =	ssyncadd.s32 $0xFFFFE000  }
0xc3: {  	[tilespmem:s24], [sflag:$0x5] =	stream.indirect.gather [hbm4b:s4+s16], $0x40, s3, s16, $0xb8;
	[tilespmem:$0x1F000] =	vst v63  }
0xc4: {  	_ =	swait.ge [sflag:s11], $0x2000  }
0xc5: {  	[sflag:s11] =	ssyncset.done $0x0  }
0xc6: {  	s3 =	sadd.s32 $0x680, s5;
	[sflag:s11] =	ssyncadd.s32 $0xFFFFE000  }
0xc7: {  	[tilespmem:s28], [sflag:$0x6] =	stream.indirect.gather [hbm4b:s4+s16], $0x40, s3, s16, $0xb8;
	[tilespmem:$0x1F000] =	vst v63  }
0xc8: {  	_ =	swait.ge [sflag:s12], $0x2000  }
0xc9: {  	[sflag:s12] =	ssyncset.done $0x0  }
.Ltmp1:
0xca: {  	s3 =	sadd.s32 $0x700, s5;
	[sflag:s12] =	ssyncadd.s32 $0xFFFFE000;
	(pc) =	sbr.rel @p0 .LBB2_4-.Ltmp1, $4  }
0xcb: {  	[tilespmem:s30], [sflag:$0x7] =	stream.indirect.gather [hbm4b:s4+s16], $0x40, s3, s16, $0xb8;
	[tilespmem:$0x1F000] =	vst v63  }
0xcc: {  	_ =	swait.ge [sflag:s23], $0x2000  }
0xcd: {  	[sflag:s23] =	ssyncset.done $0x0  }
0xce: {  	s5 =	sadd.s32 $0x780, s5;
	[sflag:s23] =	ssyncadd.s32 $0xFFFFE000  }
0xcf: {  	[tilespmem:s0], [sflag:$0x8] =	stream.indirect.gather [hbm4b:s4+s16], $0x40, s5, s16, $0xb8;
	[tilespmem:$0x1F000] =	vst v63  }
0xd0: {  	_ =	swait.ge [sflag:s15], $0x2000  }
0xd1: {  	[sflag:s15] =	ssyncset.done $0x0  }
0xd2: {  	s3 =	simm.s32 $0x4C00;
	[sflag:s15] =	ssyncadd.s32 $0xFFFFE000  }
0xd3: {  	[spmem:s2] =	stream.indirect.scatter.add.f32 [tilespmem:s13], [sflag:$0x9], $0x40, s3, s16, $0xb8;
	[tilespmem:$0x1F000] =	vst v63  }
0xd4: {  	_ =	swait.ge [sflag:s18], $0x2000  }
0xd5: {  	[sflag:s18] =	ssyncset.done $0x0  }
0xd6: {  	s5 =	simm.s32 $0x4C80;
	[sflag:s18] =	ssyncadd.s32 $0xFFFFE000  }
0xd7: {  	[spmem:s2] =	stream.indirect.scatter.add.f32 [tilespmem:s17], [sflag:$0xA], $0x40, s5, s16, $0xb8;
	[tilespmem:$0x1F000] =	vst v63  }
0xd8: {  	_ =	swait.ge [sflag:s20], $0x2000  }
0xd9: {  	[sflag:s20] =	ssyncset.done $0x0  }
0xda: {  	s25 =	simm.s32 $0x4D00;
	[sflag:s20] =	ssyncadd.s32 $0xFFFFE000  }
0xdb: {  	[spmem:s2] =	stream.indirect.scatter.add.f32 [tilespmem:s19], [sflag:$0xB], $0x40, s25, s16, $0xb8;
	[tilespmem:$0x1F000] =	vst v63  }
0xdc: {  	_ =	swait.ge [sflag:s22], $0x2000  }
0xdd: {  	[sflag:s22] =	ssyncset.done $0x0  }
0xde: {  	s5 =	simm.s32 $0x4D80;
	[sflag:s22] =	ssyncadd.s32 $0xFFFFE000  }
0xdf: {  	[spmem:s2] =	stream.indirect.scatter.add.f32 [tilespmem:s21], [sflag:$0xC], $0x40, s5, s16, $0xb8;
	[tilespmem:$0x1F000] =	vst v63  }
0xe0: {  	_ =	swait.ge [sflag:s26], $0x2000  }
0xe1: {  	[sflag:s26] =	ssyncset.done $0x0  }
0xe2: {  	s25 =	simm.s32 $0x4E00;
	[sflag:s26] =	ssyncadd.s32 $0xFFFFE000  }
0xe3: {  	[spmem:s2] =	stream.indirect.scatter.add.f32 [tilespmem:s24], [sflag:$0xD], $0x40, s25, s16, $0xb8;
	[tilespmem:$0x1F000] =	vst v63  }
0xe4: {  	_ =	swait.ge [sflag:s29], $0x2000  }
0xe5: {  	[sflag:s29] =	ssyncset.done $0x0  }
0xe6: {  	s5 =	simm.s32 $0x4E80;
	[sflag:s29] =	ssyncadd.s32 $0xFFFFE000  }
0xe7: {  	[spmem:s2] =	stream.indirect.scatter.add.f32 [tilespmem:s28], [sflag:$0xE], $0x40, s5, s16, $0xb8;
	[tilespmem:$0x1F000] =	vst v63  }
0xe8: {  	_ =	swait.ge [sflag:s31], $0x2000  }
0xe9: {  	[sflag:s31] =	ssyncset.done $0x0  }
0xea: {  	s25 =	simm.s32 $0x4F00;
	[sflag:s31] =	ssyncadd.s32 $0xFFFFE000  }
0xeb: {  	[spmem:s2] =	stream.indirect.scatter.add.f32 [tilespmem:s30], [sflag:$0xF], $0x40, s25, s16, $0xb8;
	[tilespmem:$0x1F000] =	vst v63  }
0xec: {  	_ =	swait.ge [sflag:s1], $0x2000  }
0xed: {  	[sflag:s1] =	ssyncset.done $0x0  }
0xee: {  	s5 =	simm.s32 $0x4F80;
	[sflag:s1] =	ssyncadd.s32 $0xFFFFE000  }
0xef: {  	[spmem:s2] =	stream.indirect.scatter.add.f32 [tilespmem:s0], [sflag:$0x10], $0x40, s5, s16, $0xb8;
	[tilespmem:$0x1F000] =	vst v63  }
0xf0: {  	_ =	swait.ge [sflag:s6], $0x2000  }
0xf1: {  	[sflag:s6] =	ssyncset.done $0x0  }
0xf2: {  	[sflag:s6] =	ssyncadd.s32 $0xFFFFE000  }
0xf3: {  	_ =	swait.ge [sflag:s7], $0x2000  }
0xf4: {  	[sflag:s7] =	ssyncset.done $0x0  }
0xf5: {  	[sflag:s7] =	ssyncadd.s32 $0xFFFFE000  }
0xf6: {  	_ =	swait.ge [sflag:s8], $0x2000  }
0xf7: {  	[sflag:s8] =	ssyncset.done $0x0  }
0xf8: {  	[sflag:s8] =	ssyncadd.s32 $0xFFFFE000  }
0xf9: {  	_ =	swait.ge [sflag:s9], $0x2000  }
0xfa: {  	[sflag:s9] =	ssyncset.done $0x0  }
0xfb: {  	[sflag:s9] =	ssyncadd.s32 $0xFFFFE000  }
0xfc: {  	_ =	swait.ge [sflag:s10], $0x2000  }
0xfd: {  	[sflag:s10] =	ssyncset.done $0x0  }
0xfe: {  	[sflag:s10] =	ssyncadd.s32 $0xFFFFE000  }
0xff: {  	_ =	swait.ge [sflag:s11], $0x2000  }
0x100: {  	[sflag:s11] =	ssyncset.done $0x0  }
0x101: {  	[sflag:s11] =	ssyncadd.s32 $0xFFFFE000  }
0x102: {  	_ =	swait.ge [sflag:s12], $0x2000  }
0x103: {  	[sflag:s12] =	ssyncset.done $0x0  }
0x104: {  	[sflag:s12] =	ssyncadd.s32 $0xFFFFE000  }
0x105: {  	_ =	swait.ge [sflag:s23], $0x2000  }
0x106: {  	[sflag:s23] =	ssyncset.done $0x0  }
0x107: {  	[sflag:s23] =	ssyncadd.s32 $0xFFFFE000  }
0x108: {  	s25 =	stileid.u32;
	[bflag:$0x0] =	sbarrier.arrive $0xFFFF  }
0x109: {  	s3 =	sshll.u32 s25, $0x6;
	s5 =	rddreg [dreg:$0xc]  }
0x10a: {  	s3 =	sor.u32 $0x1C11, s3;
	s25 =	rddreg [dreg:$0xd]  }
0x10b: {  	[hbm:s5], [sflag:s3] =	dma.local [spmem:s25], $0x1400  }
0x10c: {  	_ =	swait.ge [sflag:s14], $0x1400  }
0x10d: {  	s3 =	rddreg [dreg:$0x3]  }
0x10e: {  	s5 =	rddreg [dreg:$0x7];
	s25 =	sadd.s32 $0x1, s3  }
0x10f: {  	p0 =	sne.s32 s25, s5  }
.Ltmp2:
0x110: {  	_ = 	snop;
	(pc) =	sbr.rel @p0 .LBB2_1-.Ltmp2, $3  }
0x111: {  	_ =	sdelay $0x1  }
0x112: {  	[sflag:s14] =	ssyncset.done $0x0  }
0x113: {  	[sflag:s14] =	ssyncadd.s32 $0xFFFFEC00  }
0x114: {  	_ =	sfence.sel $0x180000  }
0x115: {  	[bflag:$0x0] =	sbarrier.arrive $0xFFFF  }
0x116: {  	_ =	strace $0x9000004A  }
0x117: {  	s0 =	stileid.u32;
	[bflag:$0x2] =	sbarrier.arrive $0xFFFF  }
0x118: {  	p0 =	sne.s32 s0, $0x0;
	s0 =	rddreg [dreg:$0x2]  }
0x119: {  	s0 =	sadd.s32 @!p0 $0x100000, s0  }
0x11a: {  	[sflag:s0] =	ssyncadd.tile.s32 @!p0 $0x1;
	_ =	shalt  }
.Lfunc_end2:
_tile_overlayer_lowered:
.L_overlay_start_2:
0x11b: {  	(tag) =	ssettag $0x2  }
0x11c: {  	s0 =	rddreg [dreg:$0x0];
	s2 =	stileid.u32  }
0x11d: {  	s1 =	rddreg [dreg:$0x1];
	p0 =	sne.s32 s2, $0x0  }
0x11e: {  	s3 =	rddreg [dreg:$0x2];
	[bflag:$0x3] =	sbarrier.arrive $0xFFFF;
	s2 =	simm.s32 @!p0 $0x1C11  }
0x11f: {  	[timem:s3], [sflag:s2] =	dma.local @!p0 [hbm:s0], s1  }
0x120: {  	s0 =	simm.s32 @!p0 $0x11  }
0x121: {  	_ =	swait.ge @!p0 [sflag:s0], s1  }
0x122: {  	s1 =	ssub.s32 @!p0 $0x0, s1;
	[sflag:s0] =	ssyncset.done @!p0 $0x0  }
0x123: {  	[sflag:s0] =	ssyncadd.s32 @!p0 s1  }
0x124: {  	[bflag:$0x3] =	sbarrier.arrive $0xFFFF  }
0x125: {  	_ =	shalt  }

// kernel: kernel.15.cloned.1.call-start
scs
__scs_entry_jumppad:
0x0: {  	(pc) =	sbr.rel $0x88, $3  }
0x1: {  	(tag) =	ssettag $0x0;
	lr =	simm.s32 $0x1  }
0x2: {  	[smem:$0x3F98] =	sst lr;
	_ =	strace $0xD0000000  }
0x3: {  	_ = 	snop  }
0x4: {  	_ = 	snop  }
0x5: {  	_ = 	snop  }
0x6: {  	_ = 	snop  }
0x7: {  	_ = 	snop  }
__scs_overlays_trampoline_lowered:
0x8: {  	[smem:$0x3FA7] =	sst s0  }
0x9: {  	[smem:$0x3FA8] =	sst s1  }
0xa: {  	[smem:$0x3FA9] =	sst s2  }
0xb: {  	[smem:$0x3FAA] =	sst s3  }
0xc: {  	[smem:$0x3FAB] =	sst s4  }
0xd: {  	[smem:$0x3FAC] =	sst s5  }
0xe: {  	[smem:$0x3FAD] =	sst s6  }
0xf: {  	[smem:$0x3FAE] =	sst s7  }
0x10: {  	[smem:$0x3FAF] =	sst s8  }
0x11: {  	[smem:$0x3FB0] =	sst s9;
	s0 =	simm.s32 @!p0 $0x0  }
0x12: {  	s1 =	sld [smem:$0x3F96];
	s0 =	simm.s32 @p0 $0x1  }
0x13: {  	[smem:$0x3FB1] =	sst s0;
	s0 =	simm.s32 @!p1 $0x0  }
0x14: {  	s2 =	sld [smem:$0x3F95];
	s0 =	simm.s32 @p1 $0x1  }
0x15: {  	[smem:$0x3FB2] =	sst s0;
	s0 =	simm.s32 @!p2 $0x0  }
0x16: {  	s3 =	sld [smem:$0x3FDB];
	s0 =	simm.s32 @p2 $0x1  }
0x17: {  	s4 =	simm.s32 $0x1BF5;
	[smem:$0x3FB4] =	sst s0  }
0x18: {  	s0 =	sld [smem:$0x3F97];
	_ =	swait.ge [sflag:s4], $0x0  }
0x19: {  	s7 =	sld [smem:$0x3F98]  }
0x1a: {  	s8 =	sadd.s32 $0xFFFFE003, lr  }
0x1b: {  	s9 =	sadd.s32 $0xFFFFFEF7, lr;
	s5 =	simm.s32 $0xFFFFFFFF;
	p2 =	slt.u32 s8, $0xFFFFF086  }
0x1c: {  	p1 =	slt.u32 s9, $0xF7A;
	s5 =	simm.s32 @!p2 $0x0  }
0x1d: {  	s5 =	simm.s32 @p1 $0x1;
	p0 =	seq.s32 s7, s2  }
0x1e: {  	s7 =	smul.u32 @!p0 $0xF7A, s2;
	p2 =	seq.s32 @!p0 s5, $0x0  }
0x1f: {  	s9 =	smul.u32 $0xF7A, s1;
	s8 =	simm.s32 @!p0 $0x1BF5;
	p2 =	por !p2, p0  }
0x20: {  	[sflag:s8] =	ssyncset.s32 @!p0 $0xFFFFF086;
	s6 =	sadd.s32 @!p0 s3, s7;
	s7 =	simm.s32 @!p0 $0x108  }
0x21: {  	s3 =	sadd.s32 s3, s9;
	s6 =	sadd.s32 @!p0 $0x88, s6;
	s7 =	simm.s32 @p2 $0x1082  }
0x22: {  	[simem:s7], [sflag:s8] =	dma.local @!p0 [hbm:s6], $0xF7A  }
0x23: {  	s9 =	sor.u32 $0xD0000000, s2;
	s6 =	simm.s32 $0x108;
	_ =	swait.ge @!p0 [sflag:s8], $0x0  }
0x24: {  	s3 =	sadd.s32 $0x88, s3;
	s6 =	simm.s32 @!p1 $0x1082;
	[sflag:s4] =	ssyncset.s32 $0xFFFFF086  }
0x25: {  	[simem:s6], [sflag:s4] =	dma.local [hbm:s3], $0xF7A  }
0x26: {  	[smem:$0x3F98] =	sst s1;
	(tag) =	ssettag s2;
	_ =	strace s9  }
0x27: {  	s1 =	sld [smem:$0x3FA8]  }
0x28: {  	s2 =	sld [smem:$0x3FA9]  }
0x29: {  	s4 =	sld [smem:$0x3FAB]  }
0x2a: {  	p0 =	seq.s32 s5, $0x0;
	s5 =	sld [smem:$0x3FAC]  }
0x2b: {  	s6 =	sld [smem:$0x3FAD]  }
0x2c: {  	s7 =	sld [smem:$0x3FAE]  }
0x2d: {  	s3 =	simm.s32 $0x108;
	s8 =	sld [smem:$0x3FAF]  }
0x2e: {  	s3 =	simm.s32 @!p0 $0x1082;
	s9 =	sld [smem:$0x3FB0]  }
0x2f: {  	lr =	sadd.s32 s0, s3;
	s0 =	sld [smem:$0x3FA7]  }
0x30: {  	s3 =	sld [smem:$0x3FAA]  }
0x31: {  	[smem:$0x3FB3] =	sst s10  }
0x32: {  	s10 =	sld [smem:$0x3FB1];
	_ =	sdelay $0x3  }
0x33: {  	p0 =	seq.s32 s10, $0x1;
	s10 =	sld [smem:$0x3FB3];
	_ =	sdelay $0x3  }
0x34: {  	[smem:$0x3FB3] =	sst s10  }
0x35: {  	s10 =	sld [smem:$0x3FB2];
	_ =	sdelay $0x3  }
0x36: {  	p1 =	seq.s32 s10, $0x1;
	s10 =	sld [smem:$0x3FB3];
	_ =	sdelay $0x3  }
0x37: {  	[smem:$0x3FB3] =	sst s10  }
0x38: {  	s10 =	sld [smem:$0x3FB4]  }
0x39: {  	_ = 	snop;
	(pc) =	sbr.ind lr, $3  }
0x3a: {  	_ = 	snop  }
0x3b: {  	_ = 	snop  }
0x3c: {  	p2 =	seq.s32 s10, $0x1;
	s10 =	sld [smem:$0x3FB3]  }
0x3d: {  	_ =	shalt  }
0x3e: {  	_ =	shalt  }
0x3f: {  	_ =	shalt  }
0x40: {  	_ =	shalt  }
0x41: {  	_ =	shalt  }
0x42: {  	_ =	shalt  }
0x43: {  	_ =	shalt  }
0x44: {  	_ =	shalt  }
0x45: {  	_ =	shalt  }
0x46: {  	_ =	shalt  }
0x47: {  	_ =	shalt  }
0x48: {  	_ =	shalt  }
0x49: {  	_ =	shalt  }
0x4a: {  	_ =	shalt  }
0x4b: {  	_ =	shalt  }
0x4c: {  	_ =	shalt  }
0x4d: {  	_ =	shalt  }
0x4e: {  	_ =	shalt  }
0x4f: {  	_ =	shalt  }
0x50: {  	_ =	shalt  }
0x51: {  	_ =	shalt  }
0x52: {  	_ =	shalt  }
0x53: {  	_ =	shalt  }
0x54: {  	_ =	shalt  }
0x55: {  	_ =	shalt  }
0x56: {  	_ =	shalt  }
0x57: {  	_ =	shalt  }
0x58: {  	_ =	shalt  }
0x59: {  	_ =	shalt  }
0x5a: {  	_ =	shalt  }
0x5b: {  	_ =	shalt  }
0x5c: {  	_ =	shalt  }
0x5d: {  	_ =	shalt  }
0x5e: {  	_ =	shalt  }
0x5f: {  	_ =	shalt  }
0x60: {  	_ =	shalt  }
0x61: {  	_ =	shalt  }
0x62: {  	_ =	shalt  }
0x63: {  	_ =	shalt  }
0x64: {  	_ =	shalt  }
0x65: {  	_ =	shalt  }
0x66: {  	_ =	shalt  }
0x67: {  	_ =	shalt  }
0x68: {  	_ =	shalt  }
0x69: {  	_ =	shalt  }
0x6a: {  	_ =	shalt  }
0x6b: {  	_ =	shalt  }
0x6c: {  	_ =	shalt  }
0x6d: {  	_ =	shalt  }
0x6e: {  	_ =	shalt  }
0x6f: {  	_ =	shalt  }
0x70: {  	_ =	shalt  }
0x71: {  	_ =	shalt  }
0x72: {  	_ =	shalt  }
0x73: {  	_ =	shalt  }
0x74: {  	_ =	shalt  }
0x75: {  	_ =	shalt  }
0x76: {  	_ =	shalt  }
0x77: {  	_ =	shalt  }
0x78: {  	_ =	shalt  }
0x79: {  	_ =	shalt  }
0x7a: {  	_ =	shalt  }
0x7b: {  	_ =	shalt  }
0x7c: {  	_ =	shalt  }
0x7d: {  	_ =	shalt  }
0x7e: {  	_ =	shalt  }
0x7f: {  	_ =	shalt  }
0x80: {  	_ =	shalt  }
0x81: {  	_ =	shalt  }
0x82: {  	_ =	shalt  }
0x83: {  	_ =	shalt  }
0x84: {  	_ =	shalt  }
0x85: {  	_ =	shalt  }
0x86: {  	_ =	shalt  }
0x87: {  	_ =	shalt  }
.Lfunc_end0:
.L_simem_size_0:
called_computation.2_lowered:
.L_overlay_start_0:
0x88: {  	s2 =	sld [smem:$0x3FD9]  }
0x89: {  	s3 =	sld [smem:$0x3FFE];
	_ =	sdelay $0x1  }
0x8a: {  	s1 =	srdreg.scid  }
0x8b: {  	s0 =	sand.u32 $0x1, s1  }
0x8c: {  	s16 =	sshll.u32 s0, $0xA;
	s2 =	sadd.s32 s3, s2  }
0x8d: {  	s2 =	sadd.s32 s2, s16  }
0x8e: {  	[smem:$0x3FBF] =	sst s2  }
0x8f: {  	_ = 	snop  }
0x90: {  	(tm) =	ssettm $0x1  }
0x91: {  	s17 =	sld [smem:$0x3FFB];
	_ =	sdelay $0x3  }
0x92: {  	_ =	strace s17  }
0x93: {  	s2 =	sld [smem:$0x3FFC];
	_ =	sdelay $0x3  }
0x94: {  	_ =	strace s2  }
0x95: {  	s2 =	sld [smem:$0x3FFD];
	_ =	sdelay $0x3  }
0x96: {  	_ =	strace s2  }
0x97: {  	_ =	strace $0x8FFFFFFF  }
0x98: {  	s18 =	sld [smem:$0x3FDB];
	_ =	sdelay $0x1  }
0x99: {  	s19 =	simm.s32 $_scs_section_size  }
0x9a: {  	s4 =	simm.s32 $_size__tile_overlayer_lowered;
	s5 =	simm.s32 $_tile_overlayer_lowered  }
0x9b: {  	s22 =	simm.s32 $0x1BFF;
	s21 =	sshll.u32 s5, $0x1;
	s2 =	sadd.s32 s19, s18  }
0x9c: {  	s6 =	simm.s32 $0x0;
	s20 =	sshll.u32 s4, $0x1;
	s4 =	sadd.s32 s21, s2  }
0x9d: {  	[timem:s6], [sflag:s22] =	dma.local [hbm:s4], s20  }
0x9e: {  	_ =	swait.ge [sflag:s22], s20  }
0x9f: {  	s3 =	ssub.s32 $0x0, s20;
	[sflag:s22] =	ssyncset.done $0x0  }
0xa0: {  	[sflag:s22] =	ssyncadd.s32 s3;
	_ =	sdelay $0x1  }
0xa1: {  	s23 =	simm.s32 $0x1B8B  }
0xa2: {  	_ =	swait.ge [sflag:s23], $0x1  }
0xa3: {  	[sflag:s23] =	ssyncset.done $0x0  }
0xa4: {  	s25 =	simm.s32 $0x1B8E;
	s24 =	sld [smem:$0x3FFE];
	[sflag:s23] =	ssyncadd.s32 $0xFFFFFFFF  }
0xa5: {  	s26 =	simm.s32 $execute0_lowered;
	[smem:$0x3FD2] =	sst s25  }
0xa6: {  	s4 =	sshll.u32 s26, $0x1;
	_ =	strace $0x8000004C;
	[dreg:$0x1] =	wrdreg $0xFFFFFFFF  }
0xa7: {  	s28 =	simm.s32 $_size_execute0_lowered;
	s2 =	sadd.s32 s2, s4;
	[dreg:$0x0] =	wrdreg $0x0  }
0xa8: {  	s4 =	sshll.u32 s28, $0x1;
	[dreg:$0x2] =	wrdreg s2  }
0xa9: {  	[dreg:$0x3] =	wrdreg s4  }
0xaa: {  	[dreg:$0x4] =	wrdreg $0xC0  }
0xab: {  	_ =	task [dreg:s6], $0x5FFFF  }
0xac: {  	[dreg:$0x1] =	wrdreg $0xFFFFFFFF  }
0xad: {  	[dreg:$0x0] =	wrdreg $0x60  }
0xae: {  	[dreg:$0x2] =	wrdreg s24  }
0xaf: {  	[dreg:$0x3] =	wrdreg $0x150000  }
0xb0: {  	[dreg:$0x4] =	wrdreg $0x9  }
0xb1: {  	_ =	task.clear_ibuf [dreg:s6], $0x5FFFF;
	_ =	strace $0x9000004C  }
0xb2: {  	s29 =	simm.s32 $0x9;
	_ =	strace $0x8000004E  }
0xb3: {  	_ =	swait.ge [sflag:s29], $0x1  }
0xb4: {  	[sflag:s29] =	ssyncadd.s32 $0xFFFFFFFF  }
0xb5: {  	_ =	strace $0x9000004E  }
0xb6: {  	_ =	sfence  }
0xb7: {  	s30 =	sld [smem:$0x0];
	_ =	sdelay $0x2  }
0xb8: {  	s31 =	sshll.u32 s1, $0xD;
	s1 =	sshrl.u32 s1, $0x2  }
0xb9: {  	s3 =	sand.u32 $0x4000, s31;
	s1 =	sadd.s32 s1, s30  }
0xba: {  	s0 =	sor.u32 s3, s0;
	s1 =	sshll.u32 s1, $0x11  }
0xbb: {  	s0 =	sor.u32 s1, s0  }
0xbc: {  	s0 =	sadd.s32 $0x8F2B, s0  }
0xbd: {  	[sflag:s0] =	ssyncadd.remote.s32 $0x1  }
0xbe: {  	_ =	sfence.sel $0xFFFF  }
0xbf: {  	[dreg:$0x0] =	wrdreg $0xFFFFFFFF;
	(pc) =	sbr.abs _section_cstart, $3  }
0xc0: {  	[dreg:$0x1] =	wrdreg $0xFFFFFFFF  }
0xc1: {  	_ =	task.clear_ibuf [dreg:s6], $0x2FFFF;
	_ =	strace $0x9FFFFFFF  }
0xc2: {  	(tm) =	ssettm $0x7FFFFFFF  }
0xc3: {  	_ =	shalt  }
tec
execute0_lowered:
.L_overlay_start_1:
0x0: {  	(tag) =	ssettag $0x1  }
0x1: {  	s0 =	srdreg.scid;
	s1 =	rddreg [dreg:$0x0]  }
0x2: {  	s2 =	rddreg [dreg:$0x1];
	s3 =	stileid.u32  }
0x3: {  	s25 =	simm.s32 $0x0;
	s16 =	simm.s32 $0x80;
	s17 =	simm.s32 $0x7000  }
0x4: {  	s19 =	simm.s32 $0x9000;
	s28 =	simm.s32 $0xF000;
	s30 =	simm.s32 $0x11000  }
0x5: {  	s29 =	simm.s32 $0x6;
	s31 =	simm.s32 $0x7;
	s8 =	simm.s32 $0xB  }
0x6: {  	s9 =	simm.s32 $0xC;
	s0 =	sand.u32 $0x1, s0;
	s7 =	smul.u32 $0x28000, s3  }
0x7: {  	[smem:$0x7FF] =	sst s25;
	s12 =	smul.u32 $0xA000, s3;
	s4 =	sshll.u32 s0, $0x4  }
0x8: {  	_ =	strace $0x8000004D;
	s6 =	smul.u32 $0x14000, s0;
	s0 =	ssub.s32 $0x2, s0  }
0x9: {  	s4 =	sor.u32 s3, s4;
	s10 =	sshrl.u32 s0, $0x1;
	s11 =	sshrl.u32 s7, $0x2  }
0xa: {  	s15 =	sshrl.u32 s12, $0x3;
	s18 =	sadd.s32 s12, s2;
	s7 =	simm.s32 $0xA  }
0xb: {  	s12 =	simm.s32 $0xF;
	s5 =	smul.u32 $0x500, s4;
	s4 =	sadd.s32 $0x15E00, s1  }
0xc: {  	s0 =	ssub.s32 s0, s10;
	s13 =	sadd.s32 s11, s2;
	s26 =	sshrl.u32 s18, $0x3  }
0xd: {  	s18 =	simm.s32 $0x2;
	s10 =	simm.s32 $0xD;
	[dreg:$0x4] =	wrdreg s13  }
0xe: {  	s11 =	simm.s32 $0xE;
	s0 =	smax.u32 s0, $0x1;
	[dreg:$0xd] =	wrdreg s26  }
0xf: {  	s20 =	sadd.s32 $0x2000, s13;
	s21 =	sadd.s32 $0x4000, s13;
	[dreg:$0x7] =	wrdreg s0  }
0x10: {  	s22 =	sadd.s32 $0x6000, s13;
	s23 =	sadd.s32 $0x8000, s13;
	[dreg:$0x8] =	wrdreg s20  }
0x11: {  	s13 =	simm.s32 $0x5000;
	s26 =	simm.s32 $0x5;
	[dreg:$0x9] =	wrdreg s21  }
0x12: {  	s5 =	sadd.s32 s5, s1;
	s1 =	sadd.s32 s6, s1;
	[dreg:$0xa] =	wrdreg s22  }
0x13: {  	[dreg:$0xb] =	wrdreg s23;
	s21 =	simm.s32 $0xB000;
	s0 =	simm.s32 $0x13000  }
0x14: {  	s20 =	simm.s32 $0x3;
	s22 =	simm.s32 $0x4;
	s14 =	sadd.s32 $0x1E00, s5  }
0x15: {  	s6 =	simm.s32 $0x9;
	s5 =	sadd.s32 $0xBE00, s5;
	[dreg:$0x5] =	wrdreg s14  }
0x16: {  	s23 =	simm.s32 $0x10;
	s1 =	sadd.s32 $0x29E00, s1;
	[dreg:$0x6] =	wrdreg s5  }
0x17: {  	s14 =	simm.s32 $0x11;
	s24 =	sadd.s32 s15, s1;
	s15 =	simm.s32 $0x1  }
0x18: {  	v0 =	vimm.f32 $0.0e+00;
	s1 =	simm.s32 $0x8;
	[dreg:$0xc] =	wrdreg s24;
	s24 =	simm.s32 $0xD000  }
.LBB2_1:
0x19: {  	[dreg:$0x3] =	wrdreg s25;
	s25 =	simm.s32 $0x100;
	s5 =	simm.s32 $0x0  }
.LBB2_2:
0x1a: {  	p0 =	sne.s32 s25, $0x7F00;
	[tilespmem:s5+$0x5030] =	vst v0;
	s3 =	smov.u32 s25;
	s25 =	sadd.s32 $0x100, s25  }
.Ltmp0:
0x1b: {  	[tilespmem:s5+$0x5020] =	vst v0;
	(pc) =	sbr.rel @p0 .LBB2_2-.Ltmp0, $3  }
0x1c: {  	[tilespmem:s5+$0x5000] =	vst v0  }
0x1d: {  	[tilespmem:s5+$0x5010] =	vst v0;
	_ =	sdelay $0x1  }
0x1e: {  	s5 =	sshra.s32 s3, $0x2  }
0x1f: {  	[tilespmem:s5+$0x5030] =	vst v0  }
0x20: {  	[tilespmem:s5+$0x5020] =	vst v0  }
0x21: {  	[tilespmem:s5+$0x5000] =	vst v0  }
0x22: {  	[tilespmem:s5+$0x5010] =	vst v0;
	s3 =	rddreg [dreg:$0x4]  }
0x23: {  	[spmem:s3] =	stream.linear.scatter [tilespmem:s13], [sflag:$0x11], $0x2000, $0x38;
	[tilespmem:$0x1F000] =	vst v63  }
0x24: {  	_ =	swait.ge [sflag:s14], $0x2000  }
0x25: {  	[sflag:s14] =	ssyncset.done $0x0  }
0x26: {  	s25 =	rddreg [dreg:$0x8];
	[sflag:s14] =	ssyncadd.s32 $0xFFFFE000  }
0x27: {  	[spmem:s25] =	stream.linear.scatter [tilespmem:s13], [sflag:$0x11], $0x2000, $0x38;
	[tilespmem:$0x1F000] =	vst v63  }
0x28: {  	_ =	swait.ge [sflag:s14], $0x2000  }
0x29: {  	[sflag:s14] =	ssyncset.done $0x0  }
0x2a: {  	s5 =	rddreg [dreg:$0x9];
	[sflag:s14] =	ssyncadd.s32 $0xFFFFE000  }
0x2b: {  	[spmem:s5] =	stream.linear.scatter [tilespmem:s13], [sflag:$0x11], $0x2000, $0x38;
	[tilespmem:$0x1F000] =	vst v63  }
0x2c: {  	_ =	swait.ge [sflag:s14], $0x2000  }
0x2d: {  	[sflag:s14] =	ssyncset.done $0x0  }
0x2e: {  	s25 =	rddreg [dreg:$0xa];
	[sflag:s14] =	ssyncadd.s32 $0xFFFFE000  }
0x2f: {  	[spmem:s25] =	stream.linear.scatter [tilespmem:s13], [sflag:$0x11], $0x2000, $0x38;
	[tilespmem:$0x1F000] =	vst v63  }
0x30: {  	_ =	swait.ge [sflag:s14], $0x2000  }
0x31: {  	[sflag:s14] =	ssyncset.done $0x0  }
0x32: {  	s5 =	rddreg [dreg:$0xb];
	[sflag:s14] =	ssyncadd.s32 $0xFFFFE000  }
0x33: {  	[spmem:s5] =	stream.linear.scatter [tilespmem:s13], [sflag:$0x11], $0x2000, $0x38;
	[tilespmem:$0x1F000] =	vst v63  }
0x34: {  	_ =	swait.ge [sflag:s14], $0x2000  }
0x35: {  	[sflag:s14] =	ssyncset.done $0x0  }
0x36: {  	s3 =	simm.s32 $0x0;
	s25 =	rddreg [dreg:$0x5];
	[sflag:s14] =	ssyncadd.s32 $0xFFFFE000  }
0x37: {  	[tilespmem:s3], [sflag:$0x11] =	stream.linear.gather [hbm4b:s25+s3], $0x2800, $0x38;
	[tilespmem:$0x1F000] =	vst v63  }
0x38: {  	_ =	swait.ge [sflag:s14], $0x2800  }
0x39: {  	[sflag:s14] =	ssyncset.done $0x0  }
0x3a: {  	s25 =	simm.s32 $0x2800;
	s5 =	rddreg [dreg:$0x6];
	[sflag:s14] =	ssyncadd.s32 $0xFFFFD800  }
0x3b: {  	[tilespmem:s25], [sflag:$0x11] =	stream.linear.gather [hbm4b:s5+s3], $0x2800, $0x38;
	[tilespmem:$0x1F000] =	vst v63  }
0x3c: {  	_ =	swait.ge [sflag:s14], $0x2800  }
0x3d: {  	[sflag:s14] =	ssyncset.done $0x0  }
0x3e: {  	[sflag:s14] =	ssyncadd.s32 $0xFFFFD800  }
0x3f: {  	[tilespmem:s13], [sflag:$0x1] =	stream.indirect.gather [hbm4b:s4+s16], $0x40, s3, s16, $0xb8;
	[tilespmem:$0x1F000] =	vst v63  }
0x40: {  	_ = 	snop  }
0x41: {  	[tilespmem:s17], [sflag:$0x2] =	stream.indirect.gather [hbm4b:s4+s16], $0x40, s16, s16, $0xb8;
	[tilespmem:$0x1F000] =	vst v63  }
0x42: {  	s25 =	simm.s32 $0x100  }
0x43: {  	[tilespmem:s19], [sflag:$0x3] =	stream.indirect.gather [hbm4b:s4+s16], $0x40, s25, s16, $0xb8;
	[tilespmem:$0x1F000] =	vst v63  }
0x44: {  	s5 =	simm.s32 $0x180  }
0x45: {  	[tilespmem:s21], [sflag:$0x4] =	stream.indirect.gather [hbm4b:s4+s16], $0x40, s5, s16, $0xb8;
	[tilespmem:$0x1F000] =	vst v63  }
0x46: {  	s25 =	simm.s32 $0x200  }
0x47: {  	[tilespmem:s24], [sflag:$0x5] =	stream.indirect.gather [hbm4b:s4+s16], $0x40, s25, s16, $0xb8;
	[tilespmem:$0x1F000] =	vst v63  }
0x48: {  	s5 =	simm.s32 $0x280  }
0x49: {  	[tilespmem:s28], [sflag:$0x6] =	stream.indirect.gather [hbm4b:s4+s16], $0x40, s5, s16, $0xb8;
	[tilespmem:$0x1F000] =	vst v63  }
0x4a: {  	s25 =	simm.s32 $0x300  }
0x4b: {  	[tilespmem:s30], [sflag:$0x7] =	stream.indirect.gather [hbm4b:s4+s16], $0x40, s25, s16, $0xb8;
	[tilespmem:$0x1F000] =	vst v63  }
0x4c: {  	s5 =	simm.s32 $0x380  }
0x4d: {  	[tilespmem:s0], [sflag:$0x8] =	stream.indirect.gather [hbm4b:s4+s16], $0x40, s5, s16, $0xb8;
	[tilespmem:$0x1F000] =	vst v63  }
0x4e: {  	[bflag:$0x0] =	sbarrier.arrive $0xFFFF  }
0x4f: {  	_ =	swait.ge [sflag:s15], $0x2000  }
0x50: {  	[sflag:s15] =	ssyncset.done $0x0  }
0x51: {  	s25 =	simm.s32 $0x2800;
	[sflag:s15] =	ssyncadd.s32 $0xFFFFE000  }
0x52: {  	[spmem:s2] =	stream.indirect.scatter.add.f32 [tilespmem:s13], [sflag:$0x9], $0x40, s25, s16, $0xb8;
	[tilespmem:$0x1F000] =	vst v63  }
0x53: {  	_ =	swait.ge [sflag:s18], $0x2000  }
0x54: {  	[sflag:s18] =	ssyncset.done $0x0  }
0x55: {  	s5 =	simm.s32 $0x2880;
	[sflag:s18] =	ssyncadd.s32 $0xFFFFE000  }
0x56: {  	[spmem:s2] =	stream.indirect.scatter.add.f32 [tilespmem:s17], [sflag:$0xA], $0x40, s5, s16, $0xb8;
	[tilespmem:$0x1F000] =	vst v63  }
0x57: {  	_ =	swait.ge [sflag:s20], $0x2000  }
0x58: {  	[sflag:s20] =	ssyncset.done $0x0  }
0x59: {  	s25 =	simm.s32 $0x2900;
	[sflag:s20] =	ssyncadd.s32 $0xFFFFE000  }
0x5a: {  	[spmem:s2] =	stream.indirect.scatter.add.f32 [tilespmem:s19], [sflag:$0xB], $0x40, s25, s16, $0xb8;
	[tilespmem:$0x1F000] =	vst v63  }
0x5b: {  	_ =	swait.ge [sflag:s22], $0x2000  }
0x5c: {  	[sflag:s22] =	ssyncset.done $0x0  }
0x5d: {  	s5 =	simm.s32 $0x2980;
	[sflag:s22] =	ssyncadd.s32 $0xFFFFE000  }
0x5e: {  	[spmem:s2] =	stream.indirect.scatter.add.f32 [tilespmem:s21], [sflag:$0xC], $0x40, s5, s16, $0xb8;
	[tilespmem:$0x1F000] =	vst v63  }
0x5f: {  	_ =	swait.ge [sflag:s26], $0x2000  }
0x60: {  	[sflag:s26] =	ssyncset.done $0x0  }
0x61: {  	s25 =	simm.s32 $0x2A00;
	[sflag:s26] =	ssyncadd.s32 $0xFFFFE000  }
0x62: {  	[spmem:s2] =	stream.indirect.scatter.add.f32 [tilespmem:s24], [sflag:$0xD], $0x40, s25, s16, $0xb8;
	[tilespmem:$0x1F000] =	vst v63  }
0x63: {  	_ =	swait.ge [sflag:s29], $0x2000  }
0x64: {  	[sflag:s29] =	ssyncset.done $0x0  }
0x65: {  	s5 =	simm.s32 $0x2A80;
	[sflag:s29] =	ssyncadd.s32 $0xFFFFE000  }
0x66: {  	[spmem:s2] =	stream.indirect.scatter.add.f32 [tilespmem:s28], [sflag:$0xE], $0x40, s5, s16, $0xb8;
	[tilespmem:$0x1F000] =	vst v63  }
0x67: {  	_ =	swait.ge [sflag:s31], $0x2000  }
0x68: {  	[sflag:s31] =	ssyncset.done $0x0  }
0x69: {  	s25 =	simm.s32 $0x2B00;
	[sflag:s31] =	ssyncadd.s32 $0xFFFFE000  }
0x6a: {  	[spmem:s2] =	stream.indirect.scatter.add.f32 [tilespmem:s30], [sflag:$0xF], $0x40, s25, s16, $0xb8;
	[tilespmem:$0x1F000] =	vst v63  }
0x6b: {  	_ =	swait.ge [sflag:s1], $0x2000  }
0x6c: {  	[sflag:s1] =	ssyncset.done $0x0  }
0x6d: {  	s5 =	simm.s32 $0x2B80;
	[sflag:s1] =	ssyncadd.s32 $0xFFFFE000  }
0x6e: {  	[spmem:s2] =	stream.indirect.scatter.add.f32 [tilespmem:s0], [sflag:$0x10], $0x40, s5, s16, $0xb8;
	[tilespmem:$0x1F000] =	vst v63  }
0x6f: {  	_ =	swait.ge [sflag:s6], $0x2000  }
0x70: {  	[sflag:s6] =	ssyncset.done $0x0  }
0x71: {  	s25 =	simm.s32 $0x400;
	[sflag:s6] =	ssyncadd.s32 $0xFFFFE000  }
0x72: {  	[tilespmem:s13], [sflag:$0x1] =	stream.indirect.gather [hbm4b:s4+s16], $0x40, s25, s16, $0xb8;
	[tilespmem:$0x1F000] =	vst v63  }
0x73: {  	_ =	swait.ge [sflag:s7], $0x2000  }
0x74: {  	[sflag:s7] =	ssyncset.done $0x0  }
0x75: {  	s5 =	simm.s32 $0x480;
	[sflag:s7] =	ssyncadd.s32 $0xFFFFE000  }
0x76: {  	[tilespmem:s17], [sflag:$0x2] =	stream.indirect.gather [hbm4b:s4+s16], $0x40, s5, s16, $0xb8;
	[tilespmem:$0x1F000] =	vst v63  }
0x77: {  	_ =	swait.ge [sflag:s8], $0x2000  }
0x78: {  	[sflag:s8] =	ssyncset.done $0x0  }
0x79: {  	s25 =	simm.s32 $0x500;
	[sflag:s8] =	ssyncadd.s32 $0xFFFFE000  }
0x7a: {  	[tilespmem:s19], [sflag:$0x3] =	stream.indirect.gather [hbm4b:s4+s16], $0x40, s25, s16, $0xb8;
	[tilespmem:$0x1F000] =	vst v63  }
0x7b: {  	_ =	swait.ge [sflag:s9], $0x2000  }
0x7c: {  	[sflag:s9] =	ssyncset.done $0x0  }
0x7d: {  	s5 =	simm.s32 $0x580;
	[sflag:s9] =	ssyncadd.s32 $0xFFFFE000  }
0x7e: {  	[tilespmem:s21], [sflag:$0x4] =	stream.indirect.gather [hbm4b:s4+s16], $0x40, s5, s16, $0xb8;
	[tilespmem:$0x1F000] =	vst v63  }
0x7f: {  	_ =	swait.ge [sflag:s10], $0x2000  }
0x80: {  	[sflag:s10] =	ssyncset.done $0x0  }
0x81: {  	s25 =	simm.s32 $0x600;
	[sflag:s10] =	ssyncadd.s32 $0xFFFFE000  }
0x82: {  	[tilespmem:s24], [sflag:$0x5] =	stream.indirect.gather [hbm4b:s4+s16], $0x40, s25, s16, $0xb8;
	[tilespmem:$0x1F000] =	vst v63  }
0x83: {  	_ =	swait.ge [sflag:s11], $0x2000  }
0x84: {  	[sflag:s11] =	ssyncset.done $0x0  }
0x85: {  	s5 =	simm.s32 $0x680;
	[sflag:s11] =	ssyncadd.s32 $0xFFFFE000  }
0x86: {  	[tilespmem:s28], [sflag:$0x6] =	stream.indirect.gather [hbm4b:s4+s16], $0x40, s5, s16, $0xb8;
	[tilespmem:$0x1F000] =	vst v63  }
0x87: {  	_ =	swait.ge [sflag:s12], $0x2000  }
0x88: {  	[sflag:s12] =	ssyncset.done $0x0  }
0x89: {  	s25 =	simm.s32 $0x700;
	[sflag:s12] =	ssyncadd.s32 $0xFFFFE000  }
0x8a: {  	[tilespmem:s30], [sflag:$0x7] =	stream.indirect.gather [hbm4b:s4+s16], $0x40, s25, s16, $0xb8;
	[tilespmem:$0x1F000] =	vst v63  }
0x8b: {  	_ =	swait.ge [sflag:s23], $0x2000  }
0x8c: {  	[sflag:s23] =	ssyncset.done $0x0  }
0x8d: {  	s5 =	simm.s32 $0x780;
	s25 =	simm.s32 $0x1000;
	[sflag:s23] =	ssyncadd.s32 $0xFFFFE000  }
.LBB2_4:
0x8e: {  	[tilespmem:s0], [sflag:$0x8] =	stream.indirect.gather [hbm4b:s4+s16], $0x40, s5, s16, $0xb8;
	[tilespmem:$0x1F000] =	vst v63  }
0x8f: {  	s3 =	smov.u32 s25  }
0x90: {  	p0 =	sne.s32 s25, $0x8000;
	s25 =	sadd.s32 $0x1000, s25;
	_ =	swait.ge [sflag:s15], $0x2000  }
0x91: {  	s5 =	sshra.s32 s3, $0x2;
	[sflag:s15] =	ssyncset.done $0x0  }
0x92: {  	s3 =	sadd.s32 $0x2800, s5;
	[sflag:s15] =	ssyncadd.s32 $0xFFFFE000  }
0x93: {  	[spmem:s2] =	stream.indirect.scatter.add.f32 [tilespmem:s13], [sflag:$0x9], $0x40, s3, s16, $0xb8;
	[tilespmem:$0x1F000] =	vst v63  }
0x94: {  	_ =	swait.ge [sflag:s18], $0x2000  }
0x95: {  	[sflag:s18] =	ssyncset.done $0x0  }
0x96: {  	s3 =	sadd.s32 $0x2880, s5;
	[sflag:s18] =	ssyncadd.s32 $0xFFFFE000  }
0x97: {  	[spmem:s2] =	stream.indirect.scatter.add.f32 [tilespmem:s17], [sflag:$0xA], $0x40, s3, s16, $0xb8;
	[tilespmem:$0x1F000] =	vst v63  }
0x98: {  	_ =	swait.ge [sflag:s20], $0x2000  }
0x99: {  	[sflag:s20] =	ssyncset.done $0x0  }
0x9a: {  	s3 =	sadd.s32 $0x2900, s5;
	[sflag:s20] =	ssyncadd.s32 $0xFFFFE000  }
0x9b: {  	[spmem:s2] =	stream.indirect.scatter.add.f32 [tilespmem:s19], [sflag:$0xB], $0x40, s3, s16, $0xb8;
	[tilespmem:$0x1F000] =	vst v63  }
0x9c: {  	_ =	swait.ge [sflag:s22], $0x2000  }
0x9d: {  	[sflag:s22] =	ssyncset.done $0x0  }
0x9e: {  	s3 =	sadd.s32 $0x2980, s5;
	[sflag:s22] =	ssyncadd.s32 $0xFFFFE000  }
0x9f: {  	[spmem:s2] =	stream.indirect.scatter.add.f32 [tilespmem:s21], [sflag:$0xC], $0x40, s3, s16, $0xb8;
	[tilespmem:$0x1F000] =	vst v63  }
0xa0: {  	_ =	swait.ge [sflag:s26], $0x2000  }
0xa1: {  	[sflag:s26] =	ssyncset.done $0x0  }
0xa2: {  	s3 =	sadd.s32 $0x2A00, s5;
	[sflag:s26] =	ssyncadd.s32 $0xFFFFE000  }
0xa3: {  	[spmem:s2] =	stream.indirect.scatter.add.f32 [tilespmem:s24], [sflag:$0xD], $0x40, s3, s16, $0xb8;
	[tilespmem:$0x1F000] =	vst v63  }
0xa4: {  	_ =	swait.ge [sflag:s29], $0x2000  }
0xa5: {  	[sflag:s29] =	ssyncset.done $0x0  }
0xa6: {  	s3 =	sadd.s32 $0x2A80, s5;
	[sflag:s29] =	ssyncadd.s32 $0xFFFFE000  }
0xa7: {  	[spmem:s2] =	stream.indirect.scatter.add.f32 [tilespmem:s28], [sflag:$0xE], $0x40, s3, s16, $0xb8;
	[tilespmem:$0x1F000] =	vst v63  }
0xa8: {  	_ =	swait.ge [sflag:s31], $0x2000  }
0xa9: {  	[sflag:s31] =	ssyncset.done $0x0  }
0xaa: {  	s3 =	sadd.s32 $0x2B00, s5;
	[sflag:s31] =	ssyncadd.s32 $0xFFFFE000  }
0xab: {  	[spmem:s2] =	stream.indirect.scatter.add.f32 [tilespmem:s30], [sflag:$0xF], $0x40, s3, s16, $0xb8;
	[tilespmem:$0x1F000] =	vst v63  }
0xac: {  	_ =	swait.ge [sflag:s1], $0x2000  }
0xad: {  	[sflag:s1] =	ssyncset.done $0x0  }
0xae: {  	s3 =	sadd.s32 $0x2B80, s5;
	[sflag:s1] =	ssyncadd.s32 $0xFFFFE000  }
0xaf: {  	[spmem:s2] =	stream.indirect.scatter.add.f32 [tilespmem:s0], [sflag:$0x10], $0x40, s3, s16, $0xb8;
	[tilespmem:$0x1F000] =	vst v63  }
0xb0: {  	_ =	swait.ge [sflag:s6], $0x2000  }
0xb1: {  	[sflag:s6] =	ssyncset.done $0x0  }
0xb2: {  	s3 =	sadd.s32 $0x400, s5;
	[sflag:s6] =	ssyncadd.s32 $0xFFFFE000  }
0xb3: {  	[tilespmem:s13], [sflag:$0x1] =	stream.indirect.gather [hbm4b:s4+s16], $0x40, s3, s16, $0xb8;
	[tilespmem:$0x1F000] =	vst v63  }
0xb4: {  	_ =	swait.ge [sflag:s7], $0x2000  }
0xb5: {  	[sflag:s7] =	ssyncset.done $0x0  }
0xb6: {  	s3 =	sadd.s32 $0x480, s5;
	[sflag:s7] =	ssyncadd.s32 $0xFFFFE000  }
0xb7: {  	[tilespmem:s17], [sflag:$0x2] =	stream.indirect.gather [hbm4b:s4+s16], $0x40, s3, s16, $0xb8;
	[tilespmem:$0x1F000] =	vst v63  }
0xb8: {  	_ =	swait.ge [sflag:s8], $0x2000  }
0xb9: {  	[sflag:s8] =	ssyncset.done $0x0  }
0xba: {  	s3 =	sadd.s32 $0x500, s5;
	[sflag:s8] =	ssyncadd.s32 $0xFFFFE000  }
0xbb: {  	[tilespmem:s19], [sflag:$0x3] =	stream.indirect.gather [hbm4b:s4+s16], $0x40, s3, s16, $0xb8;
	[tilespmem:$0x1F000] =	vst v63  }
0xbc: {  	_ =	swait.ge [sflag:s9], $0x2000  }
0xbd: {  	[sflag:s9] =	ssyncset.done $0x0  }
0xbe: {  	s3 =	sadd.s32 $0x580, s5;
	[sflag:s9] =	ssyncadd.s32 $0xFFFFE000  }
0xbf: {  	[tilespmem:s21], [sflag:$0x4] =	stream.indirect.gather [hbm4b:s4+s16], $0x40, s3, s16, $0xb8;
	[tilespmem:$0x1F000] =	vst v63  }
0xc0: {  	_ =	swait.ge [sflag:s10], $0x2000  }
0xc1: {  	[sflag:s10] =	ssyncset.done $0x0  }
0xc2: {  	s3 =	sadd.s32 $0x600, s5;
	[sflag:s10] =	ssyncadd.s32 $0xFFFFE000  }
0xc3: {  	[tilespmem:s24], [sflag:$0x5] =	stream.indirect.gather [hbm4b:s4+s16], $0x40, s3, s16, $0xb8;
	[tilespmem:$0x1F000] =	vst v63  }
0xc4: {  	_ =	swait.ge [sflag:s11], $0x2000  }
0xc5: {  	[sflag:s11] =	ssyncset.done $0x0  }
0xc6: {  	s3 =	sadd.s32 $0x680, s5;
	[sflag:s11] =	ssyncadd.s32 $0xFFFFE000  }
0xc7: {  	[tilespmem:s28], [sflag:$0x6] =	stream.indirect.gather [hbm4b:s4+s16], $0x40, s3, s16, $0xb8;
	[tilespmem:$0x1F000] =	vst v63  }
0xc8: {  	_ =	swait.ge [sflag:s12], $0x2000  }
0xc9: {  	[sflag:s12] =	ssyncset.done $0x0  }
.Ltmp1:
0xca: {  	s3 =	sadd.s32 $0x700, s5;
	[sflag:s12] =	ssyncadd.s32 $0xFFFFE000;
	(pc) =	sbr.rel @p0 .LBB2_4-.Ltmp1, $4  }
0xcb: {  	[tilespmem:s30], [sflag:$0x7] =	stream.indirect.gather [hbm4b:s4+s16], $0x40, s3, s16, $0xb8;
	[tilespmem:$0x1F000] =	vst v63  }
0xcc: {  	_ =	swait.ge [sflag:s23], $0x2000  }
0xcd: {  	[sflag:s23] =	ssyncset.done $0x0  }
0xce: {  	s5 =	sadd.s32 $0x780, s5;
	[sflag:s23] =	ssyncadd.s32 $0xFFFFE000  }
0xcf: {  	[tilespmem:s0], [sflag:$0x8] =	stream.indirect.gather [hbm4b:s4+s16], $0x40, s5, s16, $0xb8;
	[tilespmem:$0x1F000] =	vst v63  }
0xd0: {  	_ =	swait.ge [sflag:s15], $0x2000  }
0xd1: {  	[sflag:s15] =	ssyncset.done $0x0  }
0xd2: {  	s3 =	simm.s32 $0x4C00;
	[sflag:s15] =	ssyncadd.s32 $0xFFFFE000  }
0xd3: {  	[spmem:s2] =	stream.indirect.scatter.add.f32 [tilespmem:s13], [sflag:$0x9], $0x40, s3, s16, $0xb8;
	[tilespmem:$0x1F000] =	vst v63  }
0xd4: {  	_ =	swait.ge [sflag:s18], $0x2000  }
0xd5: {  	[sflag:s18] =	ssyncset.done $0x0  }
0xd6: {  	s5 =	simm.s32 $0x4C80;
	[sflag:s18] =	ssyncadd.s32 $0xFFFFE000  }
0xd7: {  	[spmem:s2] =	stream.indirect.scatter.add.f32 [tilespmem:s17], [sflag:$0xA], $0x40, s5, s16, $0xb8;
	[tilespmem:$0x1F000] =	vst v63  }
0xd8: {  	_ =	swait.ge [sflag:s20], $0x2000  }
0xd9: {  	[sflag:s20] =	ssyncset.done $0x0  }
0xda: {  	s25 =	simm.s32 $0x4D00;
	[sflag:s20] =	ssyncadd.s32 $0xFFFFE000  }
0xdb: {  	[spmem:s2] =	stream.indirect.scatter.add.f32 [tilespmem:s19], [sflag:$0xB], $0x40, s25, s16, $0xb8;
	[tilespmem:$0x1F000] =	vst v63  }
0xdc: {  	_ =	swait.ge [sflag:s22], $0x2000  }
0xdd: {  	[sflag:s22] =	ssyncset.done $0x0  }
0xde: {  	s5 =	simm.s32 $0x4D80;
	[sflag:s22] =	ssyncadd.s32 $0xFFFFE000  }
0xdf: {  	[spmem:s2] =	stream.indirect.scatter.add.f32 [tilespmem:s21], [sflag:$0xC], $0x40, s5, s16, $0xb8;
	[tilespmem:$0x1F000] =	vst v63  }
0xe0: {  	_ =	swait.ge [sflag:s26], $0x2000  }
0xe1: {  	[sflag:s26] =	ssyncset.done $0x0  }
0xe2: {  	s25 =	simm.s32 $0x4E00;
	[sflag:s26] =	ssyncadd.s32 $0xFFFFE000  }
0xe3: {  	[spmem:s2] =	stream.indirect.scatter.add.f32 [tilespmem:s24], [sflag:$0xD], $0x40, s25, s16, $0xb8;
	[tilespmem:$0x1F000] =	vst v63  }
0xe4: {  	_ =	swait.ge [sflag:s29], $0x2000  }
0xe5: {  	[sflag:s29] =	ssyncset.done $0x0  }
0xe6: {  	s5 =	simm.s32 $0x4E80;
	[sflag:s29] =	ssyncadd.s32 $0xFFFFE000  }
0xe7: {  	[spmem:s2] =	stream.indirect.scatter.add.f32 [tilespmem:s28], [sflag:$0xE], $0x40, s5, s16, $0xb8;
	[tilespmem:$0x1F000] =	vst v63  }
0xe8: {  	_ =	swait.ge [sflag:s31], $0x2000  }
0xe9: {  	[sflag:s31] =	ssyncset.done $0x0  }
0xea: {  	s25 =	simm.s32 $0x4F00;
	[sflag:s31] =	ssyncadd.s32 $0xFFFFE000  }
0xeb: {  	[spmem:s2] =	stream.indirect.scatter.add.f32 [tilespmem:s30], [sflag:$0xF], $0x40, s25, s16, $0xb8;
	[tilespmem:$0x1F000] =	vst v63  }
0xec: {  	_ =	swait.ge [sflag:s1], $0x2000  }
0xed: {  	[sflag:s1] =	ssyncset.done $0x0  }
0xee: {  	s5 =	simm.s32 $0x4F80;
	[sflag:s1] =	ssyncadd.s32 $0xFFFFE000  }
0xef: {  	[spmem:s2] =	stream.indirect.scatter.add.f32 [tilespmem:s0], [sflag:$0x10], $0x40, s5, s16, $0xb8;
	[tilespmem:$0x1F000] =	vst v63  }
0xf0: {  	_ =	swait.ge [sflag:s6], $0x2000  }
0xf1: {  	[sflag:s6] =	ssyncset.done $0x0  }
0xf2: {  	[sflag:s6] =	ssyncadd.s32 $0xFFFFE000  }
0xf3: {  	_ =	swait.ge [sflag:s7], $0x2000  }
0xf4: {  	[sflag:s7] =	ssyncset.done $0x0  }
0xf5: {  	[sflag:s7] =	ssyncadd.s32 $0xFFFFE000  }
0xf6: {  	_ =	swait.ge [sflag:s8], $0x2000  }
0xf7: {  	[sflag:s8] =	ssyncset.done $0x0  }
0xf8: {  	[sflag:s8] =	ssyncadd.s32 $0xFFFFE000  }
0xf9: {  	_ =	swait.ge [sflag:s9], $0x2000  }
0xfa: {  	[sflag:s9] =	ssyncset.done $0x0  }
0xfb: {  	[sflag:s9] =	ssyncadd.s32 $0xFFFFE000  }
0xfc: {  	_ =	swait.ge [sflag:s10], $0x2000  }
0xfd: {  	[sflag:s10] =	ssyncset.done $0x0  }
0xfe: {  	[sflag:s10] =	ssyncadd.s32 $0xFFFFE000  }
0xff: {  	_ =	swait.ge [sflag:s11], $0x2000  }
0x100: {  	[sflag:s11] =	ssyncset.done $0x0  }
0x101: {  	[sflag:s11] =	ssyncadd.s32 $0xFFFFE000  }
0x102: {  	_ =	swait.ge [sflag:s12], $0x2000  }
0x103: {  	[sflag:s12] =	ssyncset.done $0x0  }
0x104: {  	[sflag:s12] =	ssyncadd.s32 $0xFFFFE000  }
0x105: {  	_ =	swait.ge [sflag:s23], $0x2000  }
0x106: {  	[sflag:s23] =	ssyncset.done $0x0  }
0x107: {  	[sflag:s23] =	ssyncadd.s32 $0xFFFFE000  }
0x108: {  	s25 =	stileid.u32;
	[bflag:$0x0] =	sbarrier.arrive $0xFFFF  }
0x109: {  	s3 =	sshll.u32 s25, $0x6;
	s5 =	rddreg [dreg:$0xc]  }
0x10a: {  	s3 =	sor.u32 $0x1C11, s3;
	s25 =	rddreg [dreg:$0xd]  }
0x10b: {  	[hbm:s5], [sflag:s3] =	dma.local [spmem:s25], $0x1400  }
0x10c: {  	_ =	swait.ge [sflag:s14], $0x1400  }
0x10d: {  	s3 =	rddreg [dreg:$0x3]  }
0x10e: {  	s5 =	rddreg [dreg:$0x7];
	s25 =	sadd.s32 $0x1, s3  }
0x10f: {  	p0 =	sne.s32 s25, s5  }
.Ltmp2:
0x110: {  	_ = 	snop;
	(pc) =	sbr.rel @p0 .LBB2_1-.Ltmp2, $3  }
0x111: {  	_ =	sdelay $0x1  }
0x112: {  	[sflag:s14] =	ssyncset.done $0x0  }
0x113: {  	[sflag:s14] =	ssyncadd.s32 $0xFFFFEC00  }
0x114: {  	_ =	sfence.sel $0x180000  }
0x115: {  	[bflag:$0x0] =	sbarrier.arrive $0xFFFF  }
0x116: {  	_ =	strace $0x9000004D  }
0x117: {  	s0 =	stileid.u32;
	[bflag:$0x2] =	sbarrier.arrive $0xFFFF  }
0x118: {  	p0 =	sne.s32 s0, $0x0;
	s0 =	rddreg [dreg:$0x2]  }
0x119: {  	s0 =	sadd.s32 @!p0 $0x100000, s0  }
0x11a: {  	[sflag:s0] =	ssyncadd.tile.s32 @!p0 $0x1;
	_ =	shalt  }
.Lfunc_end2:
_tile_overlayer_lowered:
.L_overlay_start_2:
0x11b: {  	(tag) =	ssettag $0x2  }
0x11c: {  	s0 =	rddreg [dreg:$0x0];
	s2 =	stileid.u32  }
0x11d: {  	s1 =	rddreg [dreg:$0x1];
	p0 =	sne.s32 s2, $0x0  }
0x11e: {  	s3 =	rddreg [dreg:$0x2];
	[bflag:$0x3] =	sbarrier.arrive $0xFFFF;
	s2 =	simm.s32 @!p0 $0x1C11  }
0x11f: {  	[timem:s3], [sflag:s2] =	dma.local @!p0 [hbm:s0], s1  }
0x120: {  	s0 =	simm.s32 @!p0 $0x11  }
0x121: {  	_ =	swait.ge @!p0 [sflag:s0], s1  }
0x122: {  	s1 =	ssub.s32 @!p0 $0x0, s1;
	[sflag:s0] =	ssyncset.done @!p0 $0x0  }
0x123: {  	[sflag:s0] =	ssyncadd.s32 @!p0 s1  }
0x124: {  	[bflag:$0x3] =	sbarrier.arrive $0xFFFF  }
0x125: {  	_ =	shalt  }

// kernel: kernel.9.cloned.1.call-start
scs
__scs_entry_jumppad:
0x0: {  	(pc) =	sbr.rel $0x88, $3  }
0x1: {  	(tag) =	ssettag $0x0;
	lr =	simm.s32 $0x1  }
0x2: {  	[smem:$0x3F98] =	sst lr;
	_ =	strace $0xD0000000  }
0x3: {  	_ = 	snop  }
0x4: {  	_ = 	snop  }
0x5: {  	_ = 	snop  }
0x6: {  	_ = 	snop  }
0x7: {  	_ = 	snop  }
__scs_overlays_trampoline_lowered:
0x8: {  	[smem:$0x3FA7] =	sst s0  }
0x9: {  	[smem:$0x3FA8] =	sst s1  }
0xa: {  	[smem:$0x3FA9] =	sst s2  }
0xb: {  	[smem:$0x3FAA] =	sst s3  }
0xc: {  	[smem:$0x3FAB] =	sst s4  }
0xd: {  	[smem:$0x3FAC] =	sst s5  }
0xe: {  	[smem:$0x3FAD] =	sst s6  }
0xf: {  	[smem:$0x3FAE] =	sst s7  }
0x10: {  	[smem:$0x3FAF] =	sst s8  }
0x11: {  	[smem:$0x3FB0] =	sst s9;
	s0 =	simm.s32 @!p0 $0x0  }
0x12: {  	s1 =	sld [smem:$0x3F96];
	s0 =	simm.s32 @p0 $0x1  }
0x13: {  	[smem:$0x3FB1] =	sst s0;
	s0 =	simm.s32 @!p1 $0x0  }
0x14: {  	s2 =	sld [smem:$0x3F95];
	s0 =	simm.s32 @p1 $0x1  }
0x15: {  	[smem:$0x3FB2] =	sst s0;
	s0 =	simm.s32 @!p2 $0x0  }
0x16: {  	s3 =	sld [smem:$0x3FDB];
	s0 =	simm.s32 @p2 $0x1  }
0x17: {  	s4 =	simm.s32 $0x1BF5;
	[smem:$0x3FB4] =	sst s0  }
0x18: {  	s0 =	sld [smem:$0x3F97];
	_ =	swait.ge [sflag:s4], $0x0  }
0x19: {  	s7 =	sld [smem:$0x3F98]  }
0x1a: {  	s8 =	sadd.s32 $0xFFFFE003, lr  }
0x1b: {  	s9 =	sadd.s32 $0xFFFFFEF7, lr;
	s5 =	simm.s32 $0xFFFFFFFF;
	p2 =	slt.u32 s8, $0xFFFFF086  }
0x1c: {  	p1 =	slt.u32 s9, $0xF7A;
	s5 =	simm.s32 @!p2 $0x0  }
0x1d: {  	s5 =	simm.s32 @p1 $0x1;
	p0 =	seq.s32 s7, s2  }
0x1e: {  	s7 =	smul.u32 @!p0 $0xF7A, s2;
	p2 =	seq.s32 @!p0 s5, $0x0  }
0x1f: {  	s9 =	smul.u32 $0xF7A, s1;
	s8 =	simm.s32 @!p0 $0x1BF5;
	p2 =	por !p2, p0  }
0x20: {  	[sflag:s8] =	ssyncset.s32 @!p0 $0xFFFFF086;
	s6 =	sadd.s32 @!p0 s3, s7;
	s7 =	simm.s32 @!p0 $0x108  }
0x21: {  	s3 =	sadd.s32 s3, s9;
	s6 =	sadd.s32 @!p0 $0x88, s6;
	s7 =	simm.s32 @p2 $0x1082  }
0x22: {  	[simem:s7], [sflag:s8] =	dma.local @!p0 [hbm:s6], $0xF7A  }
0x23: {  	s9 =	sor.u32 $0xD0000000, s2;
	s6 =	simm.s32 $0x108;
	_ =	swait.ge @!p0 [sflag:s8], $0x0  }
0x24: {  	s3 =	sadd.s32 $0x88, s3;
	s6 =	simm.s32 @!p1 $0x1082;
	[sflag:s4] =	ssyncset.s32 $0xFFFFF086  }
0x25: {  	[simem:s6], [sflag:s4] =	dma.local [hbm:s3], $0xF7A  }
0x26: {  	[smem:$0x3F98] =	sst s1;
	(tag) =	ssettag s2;
	_ =	strace s9  }
0x27: {  	s1 =	sld [smem:$0x3FA8]  }
0x28: {  	s2 =	sld [smem:$0x3FA9]  }
0x29: {  	s4 =	sld [smem:$0x3FAB]  }
0x2a: {  	p0 =	seq.s32 s5, $0x0;
	s5 =	sld [smem:$0x3FAC]  }
0x2b: {  	s6 =	sld [smem:$0x3FAD]  }
0x2c: {  	s7 =	sld [smem:$0x3FAE]  }
0x2d: {  	s3 =	simm.s32 $0x108;
	s8 =	sld [smem:$0x3FAF]  }
0x2e: {  	s3 =	simm.s32 @!p0 $0x1082;
	s9 =	sld [smem:$0x3FB0]  }
0x2f: {  	lr =	sadd.s32 s0, s3;
	s0 =	sld [smem:$0x3FA7]  }
0x30: {  	s3 =	sld [smem:$0x3FAA]  }
0x31: {  	[smem:$0x3FB3] =	sst s10  }
0x32: {  	s10 =	sld [smem:$0x3FB1];
	_ =	sdelay $0x3  }
0x33: {  	p0 =	seq.s32 s10, $0x1;
	s10 =	sld [smem:$0x3FB3];
	_ =	sdelay $0x3  }
0x34: {  	[smem:$0x3FB3] =	sst s10  }
0x35: {  	s10 =	sld [smem:$0x3FB2];
	_ =	sdelay $0x3  }
0x36: {  	p1 =	seq.s32 s10, $0x1;
	s10 =	sld [smem:$0x3FB3];
	_ =	sdelay $0x3  }
0x37: {  	[smem:$0x3FB3] =	sst s10  }
0x38: {  	s10 =	sld [smem:$0x3FB4]  }
0x39: {  	_ = 	snop;
	(pc) =	sbr.ind lr, $3  }
0x3a: {  	_ = 	snop  }
0x3b: {  	_ = 	snop  }
0x3c: {  	p2 =	seq.s32 s10, $0x1;
	s10 =	sld [smem:$0x3FB3]  }
0x3d: {  	_ =	shalt  }
0x3e: {  	_ =	shalt  }
0x3f: {  	_ =	shalt  }
0x40: {  	_ =	shalt  }
0x41: {  	_ =	shalt  }
0x42: {  	_ =	shalt  }
0x43: {  	_ =	shalt  }
0x44: {  	_ =	shalt  }
0x45: {  	_ =	shalt  }
0x46: {  	_ =	shalt  }
0x47: {  	_ =	shalt  }
0x48: {  	_ =	shalt  }
0x49: {  	_ =	shalt  }
0x4a: {  	_ =	shalt  }
0x4b: {  	_ =	shalt  }
0x4c: {  	_ =	shalt  }
0x4d: {  	_ =	shalt  }
0x4e: {  	_ =	shalt  }
0x4f: {  	_ =	shalt  }
0x50: {  	_ =	shalt  }
0x51: {  	_ =	shalt  }
0x52: {  	_ =	shalt  }
0x53: {  	_ =	shalt  }
0x54: {  	_ =	shalt  }
0x55: {  	_ =	shalt  }
0x56: {  	_ =	shalt  }
0x57: {  	_ =	shalt  }
0x58: {  	_ =	shalt  }
0x59: {  	_ =	shalt  }
0x5a: {  	_ =	shalt  }
0x5b: {  	_ =	shalt  }
0x5c: {  	_ =	shalt  }
0x5d: {  	_ =	shalt  }
0x5e: {  	_ =	shalt  }
0x5f: {  	_ =	shalt  }
0x60: {  	_ =	shalt  }
0x61: {  	_ =	shalt  }
0x62: {  	_ =	shalt  }
0x63: {  	_ =	shalt  }
0x64: {  	_ =	shalt  }
0x65: {  	_ =	shalt  }
0x66: {  	_ =	shalt  }
0x67: {  	_ =	shalt  }
0x68: {  	_ =	shalt  }
0x69: {  	_ =	shalt  }
0x6a: {  	_ =	shalt  }
0x6b: {  	_ =	shalt  }
0x6c: {  	_ =	shalt  }
0x6d: {  	_ =	shalt  }
0x6e: {  	_ =	shalt  }
0x6f: {  	_ =	shalt  }
0x70: {  	_ =	shalt  }
0x71: {  	_ =	shalt  }
0x72: {  	_ =	shalt  }
0x73: {  	_ =	shalt  }
0x74: {  	_ =	shalt  }
0x75: {  	_ =	shalt  }
0x76: {  	_ =	shalt  }
0x77: {  	_ =	shalt  }
0x78: {  	_ =	shalt  }
0x79: {  	_ =	shalt  }
0x7a: {  	_ =	shalt  }
0x7b: {  	_ =	shalt  }
0x7c: {  	_ =	shalt  }
0x7d: {  	_ =	shalt  }
0x7e: {  	_ =	shalt  }
0x7f: {  	_ =	shalt  }
0x80: {  	_ =	shalt  }
0x81: {  	_ =	shalt  }
0x82: {  	_ =	shalt  }
0x83: {  	_ =	shalt  }
0x84: {  	_ =	shalt  }
0x85: {  	_ =	shalt  }
0x86: {  	_ =	shalt  }
0x87: {  	_ =	shalt  }
.Lfunc_end0:
.L_simem_size_0:
called_computation_lowered:
.L_overlay_start_0:
0x88: {  	s2 =	sld [smem:$0x3FD9]  }
0x89: {  	s3 =	sld [smem:$0x3FFE];
	_ =	sdelay $0x1  }
0x8a: {  	s1 =	srdreg.scid  }
0x8b: {  	s0 =	sand.u32 $0x1, s1  }
0x8c: {  	s16 =	sshll.u32 s0, $0xA;
	s2 =	sadd.s32 s3, s2  }
0x8d: {  	s2 =	sadd.s32 s2, s16  }
0x8e: {  	[smem:$0x3FBF] =	sst s2  }
0x8f: {  	_ = 	snop  }
0x90: {  	(tm) =	ssettm $0x1  }
0x91: {  	s17 =	sld [smem:$0x3FFB];
	_ =	sdelay $0x3  }
0x92: {  	_ =	strace s17  }
0x93: {  	s2 =	sld [smem:$0x3FFC];
	_ =	sdelay $0x3  }
0x94: {  	_ =	strace s2  }
0x95: {  	s2 =	sld [smem:$0x3FFD];
	_ =	sdelay $0x3  }
0x96: {  	_ =	strace s2  }
0x97: {  	_ =	strace $0x8FFFFFFF  }
0x98: {  	s18 =	sld [smem:$0x3FDB];
	_ =	sdelay $0x1  }
0x99: {  	s19 =	simm.s32 $_scs_section_size  }
0x9a: {  	s4 =	simm.s32 $_size__tile_overlayer_lowered;
	s5 =	simm.s32 $_tile_overlayer_lowered  }
0x9b: {  	s22 =	simm.s32 $0x1BFF;
	s21 =	sshll.u32 s5, $0x1;
	s2 =	sadd.s32 s19, s18  }
0x9c: {  	s6 =	simm.s32 $0x0;
	s20 =	sshll.u32 s4, $0x1;
	s4 =	sadd.s32 s21, s2  }
0x9d: {  	[timem:s6], [sflag:s22] =	dma.local [hbm:s4], s20  }
0x9e: {  	_ =	swait.ge [sflag:s22], s20  }
0x9f: {  	s3 =	ssub.s32 $0x0, s20;
	[sflag:s22] =	ssyncset.done $0x0  }
0xa0: {  	[sflag:s22] =	ssyncadd.s32 s3;
	_ =	sdelay $0x1  }
0xa1: {  	s23 =	simm.s32 $0x1B8B  }
0xa2: {  	_ =	swait.ge [sflag:s23], $0x1  }
0xa3: {  	[sflag:s23] =	ssyncset.done $0x0  }
0xa4: {  	s25 =	simm.s32 $0x1B8E;
	s24 =	sld [smem:$0x3FFE];
	[sflag:s23] =	ssyncadd.s32 $0xFFFFFFFF  }
0xa5: {  	s26 =	simm.s32 $execute0_lowered;
	[smem:$0x3FD2] =	sst s25  }
0xa6: {  	s4 =	sshll.u32 s26, $0x1;
	_ =	strace $0x80000046;
	[dreg:$0x1] =	wrdreg $0xFFFFFFFF  }
0xa7: {  	s28 =	simm.s32 $_size_execute0_lowered;
	s2 =	sadd.s32 s2, s4;
	[dreg:$0x0] =	wrdreg $0x0  }
0xa8: {  	s4 =	sshll.u32 s28, $0x1;
	[dreg:$0x2] =	wrdreg s2  }
0xa9: {  	[dreg:$0x3] =	wrdreg s4  }
0xaa: {  	[dreg:$0x4] =	wrdreg $0xC0  }
0xab: {  	_ =	task [dreg:s6], $0x5FFFF  }
0xac: {  	[dreg:$0x1] =	wrdreg $0xFFFFFFFF  }
0xad: {  	[dreg:$0x0] =	wrdreg $0x60  }
0xae: {  	[dreg:$0x2] =	wrdreg s24  }
0xaf: {  	[dreg:$0x3] =	wrdreg $0x30000  }
0xb0: {  	[dreg:$0x4] =	wrdreg $0x9  }
0xb1: {  	_ =	task.clear_ibuf [dreg:s6], $0x5FFFF;
	_ =	strace $0x90000046  }
0xb2: {  	s29 =	simm.s32 $0x9;
	_ =	strace $0x80000048  }
0xb3: {  	_ =	swait.ge [sflag:s29], $0x1  }
0xb4: {  	[sflag:s29] =	ssyncadd.s32 $0xFFFFFFFF  }
0xb5: {  	_ =	strace $0x90000048  }
0xb6: {  	_ =	sfence  }
0xb7: {  	s30 =	sld [smem:$0x0];
	_ =	sdelay $0x2  }
0xb8: {  	s31 =	sshll.u32 s1, $0xD;
	s1 =	sshrl.u32 s1, $0x2  }
0xb9: {  	s3 =	sand.u32 $0x4000, s31;
	s1 =	sadd.s32 s1, s30  }
0xba: {  	s0 =	sor.u32 s3, s0;
	s1 =	sshll.u32 s1, $0x11  }
0xbb: {  	s0 =	sor.u32 s1, s0  }
0xbc: {  	s0 =	sadd.s32 $0x8F2B, s0  }
0xbd: {  	[sflag:s0] =	ssyncadd.remote.s32 $0x1  }
0xbe: {  	_ =	sfence.sel $0xFFFF  }
0xbf: {  	[dreg:$0x0] =	wrdreg $0xFFFFFFFF;
	(pc) =	sbr.abs _section_cstart, $3  }
0xc0: {  	[dreg:$0x1] =	wrdreg $0xFFFFFFFF  }
0xc1: {  	_ =	task.clear_ibuf [dreg:s6], $0x2FFFF;
	_ =	strace $0x9FFFFFFF  }
0xc2: {  	(tm) =	ssettm $0x7FFFFFFF  }
0xc3: {  	_ =	shalt  }
tec
execute0_lowered:
.L_overlay_start_1:
0x0: {  	(tag) =	ssettag $0x1  }
0x1: {  	s0 =	srdreg.scid;
	s5 =	rddreg [dreg:$0x0]  }
0x2: {  	s2 =	rddreg [dreg:$0x1];
	s3 =	simm.s32 $0x0;
	s11 =	simm.s32 $0x2800  }
0x3: {  	s12 =	simm.s32 $0x2;
	s13 =	simm.s32 $0x80;
	s14 =	simm.s32 $0x100  }
0x4: {  	s15 =	simm.s32 $0x180;
	s16 =	simm.s32 $0x200;
	s17 =	simm.s32 $0x280  }
0x5: {  	s18 =	simm.s32 $0x300;
	s19 =	simm.s32 $0x380;
	s4 =	sand.u32 $0x1, s0  }
0x6: {  	s20 =	simm.s32 $0x1;
	s0 =	stileid.u32;
	s7 =	smul.u32 $0x5000, s4  }
0x7: {  	[smem:$0x7FF] =	sst s3;
	s1 =	sshll.u32 s4, $0x4;
	s8 =	smul.u32 $0xA000, s0  }
0x8: {  	s4 =	ssub.s32 $0x2, s4;
	s9 =	smul.u32 $0x2800, s0;
	s6 =	sor.u32 s0, s1  }
0x9: {  	s1 =	rddreg [dreg:$0x2];
	_ =	strace $0x80000047;
	s31 =	sshrl.u32 s4, $0x1  }
0xa: {  	s6 =	smul.u32 $0x500, s6;
	s7 =	sadd.s32 s7, s5;
	s8 =	sshrl.u32 s8, $0x2  }
0xb: {  	s10 =	ssub.s32 s4, s31;
	s22 =	sshrl.u32 s9, $0x3;
	s23 =	sadd.s32 s9, s2  }
0xc: {  	s4 =	sadd.s32 s8, s2;
	s21 =	sadd.s32 $0x15E00, s7;
	s6 =	sadd.s32 s6, s5  }
0xd: {  	s7 =	sadd.s32 $0x800, s4;
	s8 =	sadd.s32 $0x1000, s4;
	s9 =	sadd.s32 $0x1800, s4  }
0xe: {  	s21 =	sadd.s32 s22, s21;
	s22 =	sshrl.u32 s23, $0x3;
	s23 =	simm.s32 $0x0  }
0xf: {  	v0 =	vimm.f32 $0.0e+00;
	v1 =	vimm.f32 $1.000000000e+00;
	s5 =	sadd.s32 $0xBE00, s6;
	s6 =	smax.u32 s10, $0x1;
	s10 =	sadd.s32 $0x2000, s4  }
.LBB2_1:
0x10: {  	s24 =	simm.s32 $0x40;
	s25 =	simm.s32 $0x0  }
.LBB2_2:
0x11: {  	p0 =	sne.s32 s24, $0x1FC0;
	[tilespmem:s25+$0x2800] =	vst v0;
	s25 =	smov.u32 s24;
	s24 =	sadd.s32 $0x40, s24  }
.Ltmp0:
0x12: {  	(pc) =	sbr.rel @p0 .LBB2_2-.Ltmp0, $2  }
0x13: {  	_ =	sdelay $0x2  }
0x14: {  	s25 =	sshra.s32 s25, $0x2  }
0x15: {  	[tilespmem:s25+$0x2800] =	vst v0  }
0x16: {  	[spmem:s4] =	stream.linear.scatter [tilespmem:s11], [sflag:$0x2], $0x800, $0x38;
	[tilespmem:$0x5800] =	vst v63  }
0x17: {  	_ =	swait.ge [sflag:s12], $0x800  }
0x18: {  	[sflag:s12] =	ssyncset.done $0x0  }
0x19: {  	[sflag:s12] =	ssyncadd.s32 $0xFFFFF800  }
0x1a: {  	[spmem:s7] =	stream.linear.scatter [tilespmem:s11], [sflag:$0x2], $0x800, $0x38;
	[tilespmem:$0x5800] =	vst v63  }
0x1b: {  	_ =	swait.ge [sflag:s12], $0x800  }
0x1c: {  	[sflag:s12] =	ssyncset.done $0x0  }
0x1d: {  	[sflag:s12] =	ssyncadd.s32 $0xFFFFF800  }
0x1e: {  	[spmem:s8] =	stream.linear.scatter [tilespmem:s11], [sflag:$0x2], $0x800, $0x38;
	[tilespmem:$0x5800] =	vst v63  }
0x1f: {  	_ =	swait.ge [sflag:s12], $0x800  }
0x20: {  	[sflag:s12] =	ssyncset.done $0x0  }
0x21: {  	[sflag:s12] =	ssyncadd.s32 $0xFFFFF800  }
0x22: {  	[spmem:s9] =	stream.linear.scatter [tilespmem:s11], [sflag:$0x2], $0x800, $0x38;
	[tilespmem:$0x5800] =	vst v63  }
0x23: {  	_ =	swait.ge [sflag:s12], $0x800  }
0x24: {  	[sflag:s12] =	ssyncset.done $0x0  }
0x25: {  	[sflag:s12] =	ssyncadd.s32 $0xFFFFF800  }
0x26: {  	[spmem:s10] =	stream.linear.scatter [tilespmem:s11], [sflag:$0x2], $0x800, $0x38;
	[tilespmem:$0x5800] =	vst v63  }
0x27: {  	_ =	swait.ge [sflag:s12], $0x800  }
0x28: {  	[sflag:s12] =	ssyncset.done $0x0  }
0x29: {  	s24 =	simm.s32 $0x0;
	[sflag:s12] =	ssyncadd.s32 $0xFFFFF800  }
0x2a: {  	[tilespmem:s24], [sflag:$0x2] =	stream.linear.gather [hbm4b:s5+s24], $0x2800, $0x38;
	[tilespmem:$0x5800] =	vst v63  }
0x2b: {  	_ =	swait.ge [sflag:s12], $0x2800  }
0x2c: {  	[sflag:s12] =	ssyncset.done $0x0  }
0x2d: {  	s25 =	simm.s32 $0x0;
	s24 =	simm.s32 $0x40;
	[sflag:s12] =	ssyncadd.s32 $0xFFFFD800  }
.LBB2_4:
0x2e: {  	p0 =	sne.s32 s24, $0x1FC0;
	[tilespmem:s25+$0x2800] =	vst v1;
	s25 =	smov.u32 s24;
	s24 =	sadd.s32 $0x40, s24  }
.Ltmp1:
0x2f: {  	(pc) =	sbr.rel @p0 .LBB2_4-.Ltmp1, $2  }
0x30: {  	_ =	sdelay $0x2  }
0x31: {  	s25 =	sshra.s32 s25, $0x2  }
0x32: {  	[tilespmem:s25+$0x2800] =	vst v1  }
0x33: {  	[bflag:$0x0] =	sbarrier.arrive $0xFFFF  }
0x34: {  	[spmem:s2] =	stream.indirect.scatter.add.f32 [tilespmem:s11], [sflag:$0x1], $0x10, s3, s13, $0xb8;
	[tilespmem:$0x5800] =	vst v63  }
0x35: {  	_ = 	snop  }
0x36: {  	[spmem:s2] =	stream.indirect.scatter.add.f32 [tilespmem:s11], [sflag:$0x1], $0x10, s13, s13, $0xb8;
	[tilespmem:$0x5800] =	vst v63  }
0x37: {  	_ = 	snop  }
0x38: {  	[spmem:s2] =	stream.indirect.scatter.add.f32 [tilespmem:s11], [sflag:$0x1], $0x10, s14, s13, $0xb8;
	[tilespmem:$0x5800] =	vst v63  }
0x39: {  	_ = 	snop  }
0x3a: {  	[spmem:s2] =	stream.indirect.scatter.add.f32 [tilespmem:s11], [sflag:$0x1], $0x10, s15, s13, $0xb8;
	[tilespmem:$0x5800] =	vst v63  }
0x3b: {  	_ = 	snop  }
0x3c: {  	[spmem:s2] =	stream.indirect.scatter.add.f32 [tilespmem:s11], [sflag:$0x1], $0x10, s16, s13, $0xb8;
	[tilespmem:$0x5800] =	vst v63  }
0x3d: {  	_ = 	snop  }
0x3e: {  	[spmem:s2] =	stream.indirect.scatter.add.f32 [tilespmem:s11], [sflag:$0x1], $0x10, s17, s13, $0xb8;
	[tilespmem:$0x5800] =	vst v63  }
0x3f: {  	_ = 	snop  }
0x40: {  	[spmem:s2] =	stream.indirect.scatter.add.f32 [tilespmem:s11], [sflag:$0x1], $0x10, s18, s13, $0xb8;
	[tilespmem:$0x5800] =	vst v63  }
0x41: {  	_ = 	snop  }
0x42: {  	[spmem:s2] =	stream.indirect.scatter.add.f32 [tilespmem:s11], [sflag:$0x1], $0x10, s19, s13, $0xb8;
	[tilespmem:$0x5800] =	vst v63  }
0x43: {  	_ =	swait.ge [sflag:s20], $0x800  }
0x44: {  	[sflag:s20] =	ssyncset.done $0x0  }
0x45: {  	s24 =	simm.s32 $0x1200;
	s25 =	simm.s32 $0x400;
	[sflag:s20] =	ssyncadd.s32 $0xFFFFF800  }
.LBB2_6:
0x46: {  	[spmem:s2] =	stream.indirect.scatter.add.f32 [tilespmem:s11], [sflag:$0x1], $0x10, s25, s13, $0xb8;
	[tilespmem:$0x5800] =	vst v63  }
0x47: {  	s25 =	smov.u32 s24;
	p0 =	sne.s32 s24, $0x9E00  }
.Ltmp2:
0x48: {  	s24 =	sadd.s32 $0x200, s24;
	(pc) =	sbr.rel @p0 .LBB2_6-.Ltmp2, $4  }
0x49: {  	_ = 	snop  }
0x4a: {  	_ =	swait.ge [sflag:s20], $0x800  }
0x4b: {  	[sflag:s20] =	ssyncset.done $0x0  }
0x4c: {  	s25 =	sshra.s32 s25, $0x2;
	[sflag:s20] =	ssyncadd.s32 $0xFFFFF800  }
0x4d: {  	[spmem:s2] =	stream.indirect.scatter.add.f32 [tilespmem:s11], [sflag:$0x1], $0x10, s25, s13, $0xb8;
	[tilespmem:$0x5800] =	vst v63  }
0x4e: {  	_ =	swait.ge [sflag:s20], $0x800  }
0x4f: {  	[sflag:s20] =	ssyncset.done $0x0  }
0x50: {  	[sflag:s20] =	ssyncadd.s32 $0xFFFFF800  }
0x51: {  	_ =	swait.ge [sflag:s20], $0x800  }
0x52: {  	[sflag:s20] =	ssyncset.done $0x0  }
0x53: {  	[sflag:s20] =	ssyncadd.s32 $0xFFFFF800  }
0x54: {  	_ =	swait.ge [sflag:s20], $0x800  }
0x55: {  	[sflag:s20] =	ssyncset.done $0x0  }
0x56: {  	[sflag:s20] =	ssyncadd.s32 $0xFFFFF800  }
0x57: {  	_ =	swait.ge [sflag:s20], $0x800  }
0x58: {  	[sflag:s20] =	ssyncset.done $0x0  }
0x59: {  	[sflag:s20] =	ssyncadd.s32 $0xFFFFF800  }
0x5a: {  	_ =	swait.ge [sflag:s20], $0x800  }
0x5b: {  	[sflag:s20] =	ssyncset.done $0x0  }
0x5c: {  	[sflag:s20] =	ssyncadd.s32 $0xFFFFF800  }
0x5d: {  	_ =	swait.ge [sflag:s20], $0x800  }
0x5e: {  	[sflag:s20] =	ssyncset.done $0x0  }
0x5f: {  	[sflag:s20] =	ssyncadd.s32 $0xFFFFF800  }
0x60: {  	_ =	swait.ge [sflag:s20], $0x800  }
0x61: {  	[sflag:s20] =	ssyncset.done $0x0  }
0x62: {  	[sflag:s20] =	ssyncadd.s32 $0xFFFFF800  }
0x63: {  	_ =	swait.ge [sflag:s20], $0x800  }
0x64: {  	s23 =	sadd.s32 $0x1, s23;
	[sflag:s20] =	ssyncset.done $0x0  }
0x65: {  	s24 =	sshll.u32 s0, $0x6;
	p0 =	sne.s32 s23, s6;
	[sflag:s20] =	ssyncadd.s32 $0xFFFFF800  }
.Ltmp3:
0x66: {  	s24 =	sor.u32 $0x1C02, s24;
	[bflag:$0x0] =	sbarrier.arrive $0xFFFF;
	(pc) =	sbr.rel @p0 .LBB2_1-.Ltmp3, $4  }
0x67: {  	[hbm:s21], [sflag:s24] =	dma.local [spmem:s22], $0x500  }
0x68: {  	_ =	swait.ge [sflag:s12], $0x500  }
0x69: {  	[sflag:s12] =	ssyncset.done $0x0  }
0x6a: {  	[sflag:s12] =	ssyncadd.s32 $0xFFFFFB00  }
0x6b: {  	_ =	sfence.sel $0x180000  }
0x6c: {  	[bflag:$0x0] =	sbarrier.arrive $0xFFFF  }
0x6d: {  	p0 =	sne.s32 s0, $0x0;
	_ =	strace $0x90000047  }
0x6e: {  	s0 =	sadd.s32 @!p0 $0x100000, s1;
	[bflag:$0x2] =	sbarrier.arrive $0xFFFF  }
0x6f: {  	[sflag:s0] =	ssyncadd.tile.s32 @!p0 $0x1;
	_ =	shalt  }
.Lfunc_end2:
_tile_overlayer_lowered:
.L_overlay_start_2:
0x70: {  	(tag) =	ssettag $0x2  }
0x71: {  	s0 =	rddreg [dreg:$0x0];
	s2 =	stileid.u32  }
0x72: {  	s1 =	rddreg [dreg:$0x1];
	p0 =	sne.s32 s2, $0x0  }
0x73: {  	s3 =	rddreg [dreg:$0x2];
	[bflag:$0x3] =	sbarrier.arrive $0xFFFF;
	s2 =	simm.s32 @!p0 $0x1C02  }
0x74: {  	[timem:s3], [sflag:s2] =	dma.local @!p0 [hbm:s0], s1  }
0x75: {  	s0 =	simm.s32 @!p0 $0x2  }
0x76: {  	_ =	swait.ge @!p0 [sflag:s0], s1  }
0x77: {  	s1 =	ssub.s32 @!p0 $0x0, s1;
	[sflag:s0] =	ssyncset.done @!p0 $0x0  }
0x78: {  	[sflag:s0] =	ssyncadd.s32 @!p0 s1  }
0x79: {  	[bflag:$0x3] =	sbarrier.arrive $0xFFFF  }
0x7a: {  	_ =	shalt  }

</sc_bundles>
